<compile_context>
chip_gen: v7x
topology: tpu7x:2x2x1
jax: 0.10.2.dev20260603
libtpu: 0.0.44.dev20260713+nightly
codegen_flags: <defaults>
</compile_context>

<pallas_src>
import functools

import jax
import jax.numpy as jnp
from jax import lax
from jax.experimental import pallas as pl
from jax.experimental.pallas import tpu as pltpu
from jax.experimental.pallas import tpu_sc as plsc

N = 10000
E = 320000
D = 128
C = 16
NC = 2
NS = 16
NW = NC * NS
EPW = E // NW
K = 128
EPW_P = 10240
CH = EPW_P // K
KS = 64
NSLOT = 4
CHS = EPW_P // KS
N_PAD = 10112
STR = N_PAD // NS
N_PADD = 12288
STRD = N_PADD // NS
DEGW = 16
SHIFT = 14
MASK = (1 << SHIFT) - 1
R = 1000


def _sc_mesh():
    return plsc.VectorSubcoreMesh(core_axis_name="c", subcore_axis_name="s")


def _unpack_dst(pk_v, base, ud, n):
    for i in range(n // 16):
        v = pk_v[pl.ds(base + i * 16, 16)]
        ud[pl.ds(i * 16, 16)] = lax.shift_right_logical(v, SHIFT)


def _unpack_both(pk_v, base, us, ud, n):
    for i in range(n // 16):
        v = pk_v[pl.ds(base + i * 16, 16)]
        us[pl.ds(i * 16, 16)] = v & MASK
        ud[pl.ds(i * 16, 16)] = lax.shift_right_logical(v, SHIFT)


def _sc_degree(pk3, ones_k, zeros_k):

    @functools.partial(
        pl.kernel,
        out_type=jax.ShapeDtypeStruct((NC, N_PADD), jnp.float32),
        mesh=_sc_mesh(),
        scratch_types=[
            pltpu.VMEM((EPW_P,), jnp.int32),
            pltpu.VMEM((K,), jnp.int32),
            pltpu.VMEM((K,), jnp.float32),
            pltpu.VMEM_SHARED((N_PADD,), jnp.float32),
        ],
    )
    def k(pk_hbm, ones_hbm, zeros_hbm, out_hbm, pk_v, ud, ones_v, acc):
        cid = lax.axis_index("c")
        sid = lax.axis_index("s")
        wid = sid * NC + cid
        s = sid * STRD
        pltpu.sync_copy(pk_hbm.at[wid], pk_v)
        pltpu.sync_copy(ones_hbm, ones_v)
        pltpu.sync_copy(zeros_hbm, acc.at[pl.ds(s, STRD)])
        plsc.subcore_barrier()

        def body(j, carry):
            _unpack_dst(pk_v, j * K, ud, K)
            pltpu.sync_copy(ones_v, acc.at[ud], add=True)
            return carry

        lax.fori_loop(0, CH, body, 0)
        plsc.subcore_barrier()
        pltpu.sync_copy(acc.at[pl.ds(s, STRD)], out_hbm.at[cid].at[pl.ds(s, STRD)])

    return k(pk3, ones_k, zeros_k)


def _sc_scatter_rows(table, pk3, zeros_row):

    @functools.partial(
        pl.kernel,
        out_type=jax.ShapeDtypeStruct((NC, N_PAD, D), jnp.float32),
        mesh=_sc_mesh(),
        scratch_types=(
            [pltpu.VMEM((EPW_P,), jnp.int32)]
            + [pltpu.VMEM((KS,), jnp.int32)] * (2 * NSLOT)
            + [pltpu.VMEM((KS, D), jnp.float32)] * NSLOT
            + [pltpu.VMEM_SHARED((N_PAD, D), jnp.float32)]
            + [pltpu.SemaphoreType.DMA] * NSLOT
        ),
    )
    def k(table_hbm, pk_hbm, z_hbm, out_hbm, pk_v,
          us0, us1, us2, us3, ud0, ud1, ud2, ud3,
          r0, r1, r2, r3, acc, s0, s1, s2, s3):
        us = [us0, us1, us2, us3]
        ud = [ud0, ud1, ud2, ud3]
        rr = [r0, r1, r2, r3]
        ss = [s0, s1, s2, s3]
        cid = lax.axis_index("c")
        sid = lax.axis_index("s")
        wid = sid * NC + cid
        s = sid * STR
        pltpu.sync_copy(pk_hbm.at[wid], pk_v)
        pltpu.sync_copy(z_hbm, acc.at[pl.ds(s, STR)])
        plsc.subcore_barrier()

        for t in range(NSLOT):
            _unpack_both(pk_v, t * KS, us[t], ud[t], KS)
            pltpu.async_copy(table_hbm.at[us[t]], rr[t], ss[t])

        def body(q, carry):
            j0 = q * NSLOT
            for t in range(NSLOT):
                pltpu.make_async_copy(table_hbm.at[us[t]], rr[t], ss[t]).wait()
                pltpu.sync_copy(rr[t], acc.at[ud[t]], add=True)

                @pl.when(q + 1 < CHS // NSLOT)
                def _(t=t):
                    base = (j0 + NSLOT + t) * KS
                    _unpack_both(pk_v, base, us[t], ud[t], KS)
                    pltpu.async_copy(table_hbm.at[us[t]], rr[t], ss[t])

            return carry

        lax.fori_loop(0, CHS // NSLOT, body, 0)
        plsc.subcore_barrier()
        pltpu.sync_copy(acc.at[pl.ds(s, STR)], out_hbm.at[cid].at[pl.ds(s, STR)])

    return k(table, pk3, zeros_row)


def _tc_pack_edges(src2, dst2):
    WB = 8
    pad = EPW_P - EPW

    def body(s_ref, d_ref, o_ref):
        pk = s_ref[...] | (d_ref[...] << SHIFT)
        it = lax.broadcasted_iota(jnp.int32, (WB, pad), 1)
        pv = (N + lax.rem(it, N_PAD - N)) << SHIFT
        o_ref[...] = jnp.concatenate([pk, pv], axis=1)

    return pl.pallas_call(
        body,
        grid=(NW // WB,),
        in_specs=[
            pl.BlockSpec((WB, EPW), lambda i: (i, 0)),
            pl.BlockSpec((WB, EPW), lambda i: (i, 0)),
        ],
        out_specs=pl.BlockSpec((WB, EPW_P), lambda i: (i, 0)),
        out_shape=jax.ShapeDtypeStruct((NW, EPW_P), jnp.int32),
    )(src2, dst2)


def _tc_dinv(degp):

    def body(p_ref, dinv_ref):
        deg = 1.0 + p_ref[0] + p_ref[1]
        dinv_ref[...] = jnp.broadcast_to(lax.rsqrt(deg)[:, None],
                                         (N_PADD, DEGW))

    return pl.pallas_call(
        body,
        in_specs=[pl.BlockSpec((NC, N_PADD), lambda: (0, 0))],
        out_specs=pl.BlockSpec((N_PADD, DEGW), lambda: (0, 0)),
        out_shape=jax.ShapeDtypeStruct((N_PADD, DEGW), jnp.float32),
    )(degp)


def _tc_scale1(dinv16, x, w):

    def body(dinv_ref, x_ref, w_ref, h_ref):
        g = jnp.dot(x_ref[...], w_ref[...], preferred_element_type=jnp.float32)
        h_ref[...] = g * dinv_ref[:, :1]

    return pl.pallas_call(
        body,
        grid=(N // R,),
        in_specs=[
            pl.BlockSpec((R, DEGW), lambda i: (i, 0)),
            pl.BlockSpec((R, D), lambda i: (i, 0)),
            pl.BlockSpec((D, D), lambda i: (0, 0)),
        ],
        out_specs=pl.BlockSpec((R, D), lambda i: (i, 0)),
        out_shape=jax.ShapeDtypeStruct((N, D), jnp.float32),
    )(dinv16, x, w)


def _tc_layer_mid(segp, ht, dinv16, b, w):

    def body(p_ref, ht_ref, dinv_ref, b_ref, w_ref, h_ref, ht2_ref):
        dinv = dinv_ref[:, :1]
        s = p_ref[0] + p_ref[1] + ht_ref[...]
        h = jnp.maximum(s * dinv + b_ref[...], 0.0)
        h_ref[...] = h
        ht2_ref[...] = jnp.dot(h, w_ref[...],
                               preferred_element_type=jnp.float32) * dinv

    return pl.pallas_call(
        body,
        grid=(N // R,),
        in_specs=[
            pl.BlockSpec((NC, R, D), lambda i: (0, i, 0)),
            pl.BlockSpec((R, D), lambda i: (i, 0)),
            pl.BlockSpec((R, DEGW), lambda i: (i, 0)),
            pl.BlockSpec((1, D), lambda i: (0, 0)),
            pl.BlockSpec((D, D), lambda i: (0, 0)),
        ],
        out_specs=[
            pl.BlockSpec((R, D), lambda i: (i, 0)),
            pl.BlockSpec((R, D), lambda i: (i, 0)),
        ],
        out_shape=[
            jax.ShapeDtypeStruct((N, D), jnp.float32),
            jax.ShapeDtypeStruct((N, D), jnp.float32),
        ],
    )(segp, ht, dinv16, b, w)


def _tc_layer_out(segp, ht, dinv16, b, wc, bc, h1):

    def body(p_ref, ht_ref, dinv_ref, b_ref, wc_ref, bc_ref, h1_ref,
             lg_ref, f_ref):
        dinv = dinv_ref[:, :1]
        h = jnp.maximum((p_ref[0] + p_ref[1] + ht_ref[...]) * dinv
                        + b_ref[...], 0.0)
        lg = jnp.dot(h, wc_ref[...],
                     preferred_element_type=jnp.float32) + bc_ref[...]
        lg_ref[...] = lg
        f_ref[...] = jnp.concatenate([h1_ref[...], h, lg], axis=1)

    return pl.pallas_call(
        body,
        grid=(N // R,),
        in_specs=[
            pl.BlockSpec((NC, R, D), lambda i: (0, i, 0)),
            pl.BlockSpec((R, D), lambda i: (i, 0)),
            pl.BlockSpec((R, DEGW), lambda i: (i, 0)),
            pl.BlockSpec((1, D), lambda i: (0, 0)),
            pl.BlockSpec((D, C), lambda i: (0, 0)),
            pl.BlockSpec((1, C), lambda i: (0, 0)),
            pl.BlockSpec((R, D), lambda i: (i, 0)),
        ],
        out_specs=[
            pl.BlockSpec((R, C), lambda i: (i, 0)),
            pl.BlockSpec((R, 2 * D + C), lambda i: (i, 0)),
        ],
        out_shape=[
            jax.ShapeDtypeStruct((N, C), jnp.float32),
            jax.ShapeDtypeStruct((N, 2 * D + C), jnp.float32),
        ],
    )(segp, ht, dinv16, b, wc, bc, h1)


def kernel(x, edge_index, W1, b1, W2, b2, Wc, bc):
    pk3 = _tc_pack_edges(edge_index[0].reshape(NW, EPW),
                         edge_index[1].reshape(NW, EPW))
    zeros_row = jnp.zeros((STR, D), jnp.float32)
    ones1 = jnp.ones((K,), jnp.float32)
    zeros1 = jnp.zeros((STRD,), jnp.float32)

    degp = _sc_degree(pk3, ones1, zeros1)
    dinv16 = _tc_dinv(degp)
    h1t = _tc_scale1(dinv16, x, W1)
    seg1 = _sc_scatter_rows(h1t, pk3, zeros_row)
    h1, h2t = _tc_layer_mid(seg1, h1t, dinv16, b1.reshape(1, D), W2)
    seg2 = _sc_scatter_rows(h2t, pk3, zeros_row)
    logits, feat_list = _tc_layer_out(seg2, h2t, dinv16, b2.reshape(1, D),
                                      Wc, bc.reshape(1, C), h1)
    return (logits, feat_list)

# --- scband reference (transcript-rebuilt; emitter-appended) ---
"""Pipeline reference for scband-gradebase-88270167867553 (READ-ONLY COPY).

The authoritative reference and input builder live on the scoring server;
editing this copy changes nothing except your own understanding.
"""

import jax, jax.numpy as jnp
import numpy as np

N_NODES = 10000
N_EDGES = 320000
IN_DIM = 128
HID_DIM = 128
NUM_CLASSES = 16


def setup_inputs(seed: int = 0) -> dict:
    key = jax.random.key(seed)
    ks = jax.random.split(key, 8)
    x = jax.random.normal(ks[0], (N_NODES, IN_DIM), dtype=jnp.float32)
    edge_index = jax.random.randint(ks[1], (2, N_EDGES), 0, N_NODES, dtype=jnp.int32)
    W1 = jax.random.normal(ks[2], (IN_DIM, HID_DIM), dtype=jnp.float32) * 0.05
    b1 = jnp.zeros((HID_DIM,), dtype=jnp.float32)
    W2 = jax.random.normal(ks[3], (HID_DIM, HID_DIM), dtype=jnp.float32) * 0.05
    b2 = jnp.zeros((HID_DIM,), dtype=jnp.float32)
    Wc = jax.random.normal(ks[4], (HID_DIM, NUM_CLASSES), dtype=jnp.float32) * 0.05
    bc = jnp.zeros((NUM_CLASSES,), dtype=jnp.float32)
    return {"x": x, "edge_index": edge_index, "W1": W1, "b1": b1, "W2": W2, "b2": b2, "Wc": Wc, "bc": bc}


def _gcn_conv(x, src, dst, W, b, n):
    # PyG GCNConv: linear transform, then symmetric-normalized scatter-add aggregation (self loops included in src/dst), then bias
    h = x @ W
    deg = jnp.zeros((n,), dtype=x.dtype).at[dst].add(1.0)
    dinv = jnp.where(deg > 0, jax.lax.rsqrt(jnp.maximum(deg, 1e-12)), 0.0)
    norm = dinv[src] * dinv[dst]
    msg = h[src] * norm[:, None]
    out = jnp.zeros((n, h.shape[1]), dtype=x.dtype).at[dst].add(msg)
    return out + b


def reference(x, edge_index, W1, b1, W2, b2, Wc, bc):
    n = x.shape[0]
    loop = jnp.arange(n, dtype=edge_index.dtype)
    src = jnp.concatenate([edge_index[0], loop])
    dst = jnp.concatenate([edge_index[1], loop])
    h1 = jax.nn.relu(_gcn_conv(x, src, dst, W1, b1, n))
    h2 = jax.nn.relu(_gcn_conv(h1, src, dst, W2, b2, n))
    logits = h2 @ Wc + bc
    feat_list = jnp.concatenate([h1, h2, logits], axis=1)
    return (logits, feat_list)

if __name__ == "__main__":
    import jax
    _d = setup_inputs()
    print(jax.jit(kernel)(*tuple(_d.values())))

</pallas_src>

<mosaic_0001>
#map = affine_map<(d0, d1) -> (0, 0)>
#map1 = affine_map<(d0, d1) -> (0, 0, 0)>
module attributes {stable_mosaic.version = 14 : i64} {
  func.func @k(%arg0: i32, %arg1: i32, %arg2: memref<10000x128xf32, #tpu.memory_space<hbm>>, %arg3: memref<32x10240xi32, #tpu.memory_space<hbm>>, %arg4: memref<632x128xf32, #tpu.memory_space<hbm>>, %arg5: memref<2x10112x128xf32, #tpu.memory_space<hbm>>, %arg6: memref<10240xi32, #tpu.memory_space<vmem>>, %arg7: memref<64xi32, #tpu.memory_space<vmem>>, %arg8: memref<64xi32, #tpu.memory_space<vmem>>, %arg9: memref<64xi32, #tpu.memory_space<vmem>>, %arg10: memref<64xi32, #tpu.memory_space<vmem>>, %arg11: memref<64xi32, #tpu.memory_space<vmem>>, %arg12: memref<64xi32, #tpu.memory_space<vmem>>, %arg13: memref<64xi32, #tpu.memory_space<vmem>>, %arg14: memref<64xi32, #tpu.memory_space<vmem>>, %arg15: memref<64x128xf32, #tpu.memory_space<vmem>>, %arg16: memref<64x128xf32, #tpu.memory_space<vmem>>, %arg17: memref<64x128xf32, #tpu.memory_space<vmem>>, %arg18: memref<64x128xf32, #tpu.memory_space<vmem>>, %arg19: memref<10112x128xf32, #tpu.memory_space<vmem_shared>>, %arg20: memref<!tpu.dma_semaphore, #tpu.memory_space<semaphore_mem>>, %arg21: memref<!tpu.dma_semaphore, #tpu.memory_space<semaphore_mem>>, %arg22: memref<!tpu.dma_semaphore, #tpu.memory_space<semaphore_mem>>, %arg23: memref<!tpu.dma_semaphore, #tpu.memory_space<semaphore_mem>>) attributes {dimension_semantics = [#tpu.dimension_semantics<core_parallel>, #tpu.dimension_semantics<subcore_parallel>], iteration_bounds = array<i64: 2, 16>, scalar_prefetch = 0 : i64, scratch_operands = 18 : i64, tpu.core_type = #tpu.core_type<sc_vector_subcore>, window_params = [{transform_indices = #map}, {transform_indices = #map}, {transform_indices = #map}, {transform_indices = #map1}]} {
    %mul3A = arith.constant 2 : i32
    %mul3A_0 = arith.muli %arg1, %mul3A : i32
    %add3A = arith.addi %mul3A_0, %arg0 : i32
    %mul3A_1 = arith.constant 632 : i32
    %mul3A_2 = arith.muli %arg1, %mul3A_1 : i32
    "tpu.region"() ({
      %run_scoped3A = tpu.sem_alloc : memref<!tpu.dma_semaphore, #tpu.memory_space<semaphore_mem>>
      %dma_start3A_288 = arith.constant 0 : i32
      %dma_start3A_289 = tpu.memref_slice %arg3[%add3A, %dma_start3A_288] : memref<32x10240xi32, #tpu.memory_space<hbm>> -> memref<1x10240xi32, #tpu.memory_space<hbm>>
      %dma_start3A_290 = tpu.memref_squeeze %dma_start3A_289 : memref<1x10240xi32, #tpu.memory_space<hbm>> -> memref<10240xi32, #tpu.memory_space<hbm>>
      %dma_start3A_291 = arith.constant 0 : i32
      %dma_start3A_292 = tpu.memref_slice %arg3[%add3A, %dma_start3A_291] : memref<32x10240xi32, #tpu.memory_space<hbm>> -> memref<1x10240xi32, #tpu.memory_space<hbm>>
      %dma_start3A_293 = tpu.memref_squeeze %dma_start3A_292 : memref<1x10240xi32, #tpu.memory_space<hbm>> -> memref<10240xi32, #tpu.memory_space<hbm>>
      tpu.enqueue_dma source(%dma_start3A_293 : memref<10240xi32, #tpu.memory_space<hbm>>) target(%arg6 : memref<10240xi32, #tpu.memory_space<vmem>>) target_semaphore(%run_scoped3A : memref<!tpu.dma_semaphore, #tpu.memory_space<semaphore_mem>>)
      %dma_wait3A = arith.constant 0 : i32
      %dma_wait3A_294 = tpu.memref_slice %arg3[%add3A, %dma_wait3A] : memref<32x10240xi32, #tpu.memory_space<hbm>> -> memref<1x10240xi32, #tpu.memory_space<hbm>>
      %dma_wait3A_295 = tpu.memref_squeeze %dma_wait3A_294 : memref<1x10240xi32, #tpu.memory_space<hbm>> -> memref<10240xi32, #tpu.memory_space<hbm>>
      %dma_wait3A_296 = arith.constant 0 : i32
      %dma_wait3A_297 = tpu.memref_slice %arg3[%add3A, %dma_wait3A_296] : memref<32x10240xi32, #tpu.memory_space<hbm>> -> memref<1x10240xi32, #tpu.memory_space<hbm>>
      %dma_wait3A_298 = tpu.memref_squeeze %dma_wait3A_297 : memref<1x10240xi32, #tpu.memory_space<hbm>> -> memref<10240xi32, #tpu.memory_space<hbm>>
      tpu.wait_dma2 semaphore(%run_scoped3A : memref<!tpu.dma_semaphore, #tpu.memory_space<semaphore_mem>>) src(%dma_wait3A_298 : memref<10240xi32, #tpu.memory_space<hbm>>) dst(%arg6 : memref<10240xi32, #tpu.memory_space<vmem>>)
      tpu.yield
    }) : () -> ()
    "tpu.region"() ({
      %run_scoped3A = tpu.sem_alloc : memref<!tpu.dma_semaphore, #tpu.memory_space<semaphore_mem>>
      %dma_start3A_288 = arith.constant 0 : i32
      %dma_start3A_289 = tpu.memref_slice %arg19[%mul3A_2, %dma_start3A_288] : memref<10112x128xf32, #tpu.memory_space<vmem_shared>> -> memref<632x128xf32, #tpu.memory_space<vmem_shared>>
      tpu.enqueue_dma source(%arg4 : memref<632x128xf32, #tpu.memory_space<hbm>>) target(%dma_start3A_289 : memref<632x128xf32, #tpu.memory_space<vmem_shared>>) target_semaphore(%run_scoped3A : memref<!tpu.dma_semaphore, #tpu.memory_space<semaphore_mem>>)
      %dma_wait3A = arith.constant 0 : i32
      %dma_wait3A_290 = tpu.memref_slice %arg19[%mul3A_2, %dma_wait3A] : memref<10112x128xf32, #tpu.memory_space<vmem_shared>> -> memref<632x128xf32, #tpu.memory_space<vmem_shared>>
      tpu.wait_dma2 semaphore(%run_scoped3A : memref<!tpu.dma_semaphore, #tpu.memory_space<semaphore_mem>>) src(%arg4 : memref<632x128xf32, #tpu.memory_space<hbm>>) dst(%dma_wait3A_290 : memref<632x128xf32, #tpu.memory_space<vmem_shared>>)
      tpu.yield
    }) : () -> ()
    %barrier3A = arith.constant 0 : index
    tpu.barrier barrier_id(%barrier3A)
    %get3A = arith.constant 0 : index
    %get3A_3 = tpu.vector_load %arg6[%get3A] {strides = array<i32>} : memref<10240xi32, #tpu.memory_space<vmem>>, vector<16xi32>,
    %get3A_4 = vector.shape_cast %get3A_3 : vector<16xi32> to vector<16xi32>
    %and3A = arith.constant 16383 : i32
    %and3A_5 = vector.broadcast %and3A : i32 to vector<16xi32>
    %and3A_6 = arith.andi %get3A_4, %and3A_5 : vector<16xi32>
    %swap3A = arith.constant 0 : index
    %swap3A_7 = tpu.vector_load %arg7[%swap3A] {strides = array<i32>} : memref<64xi32, #tpu.memory_space<vmem>>, vector<16xi32>,
    %swap3A_8 = vector.shape_cast %swap3A_7 : vector<16xi32> to vector<16xi32>
    %swap3A_9 = vector.shape_cast %and3A_6 : vector<16xi32> to vector<16xi32>
    tpu.vector_store %arg7[%swap3A], %swap3A_9 {strides = array<i32>} : memref<64xi32, #tpu.memory_space<vmem>>, vector<16xi32>,
    %shift_right_logical3A = arith.constant 14 : i32
    %shift_right_logical3A_10 = vector.broadcast %shift_right_logical3A : i32 to vector<16xi32>
    %shift_right_logical3A_11 = arith.shrui %get3A_4, %shift_right_logical3A_10 : vector<16xi32>
    %swap3A_12 = arith.constant 0 : index
    %swap3A_13 = tpu.vector_load %arg11[%swap3A_12] {strides = array<i32>} : memref<64xi32, #tpu.memory_space<vmem>>, vector<16xi32>,
    %swap3A_14 = vector.shape_cast %swap3A_13 : vector<16xi32> to vector<16xi32>
    %swap3A_15 = vector.shape_cast %shift_right_logical3A_11 : vector<16xi32> to vector<16xi32>
    tpu.vector_store %arg11[%swap3A_12], %swap3A_15 {strides = array<i32>} : memref<64xi32, #tpu.memory_space<vmem>>, vector<16xi32>,
    %get3A_16 = arith.constant 16 : index
    %get3A_17 = tpu.vector_load %arg6[%get3A_16] {strides = array<i32>} : memref<10240xi32, #tpu.memory_space<vmem>>, vector<16xi32>,
    %get3A_18 = vector.shape_cast %get3A_17 : vector<16xi32> to vector<16xi32>
    %and3A_19 = arith.constant 16383 : i32
    %and3A_20 = vector.broadcast %and3A_19 : i32 to vector<16xi32>
    %and3A_21 = arith.andi %get3A_18, %and3A_20 : vector<16xi32>
    %swap3A_22 = arith.constant 16 : index
    %swap3A_23 = tpu.vector_load %arg7[%swap3A_22] {strides = array<i32>} : memref<64xi32, #tpu.memory_space<vmem>>, vector<16xi32>,
    %swap3A_24 = vector.shape_cast %swap3A_23 : vector<16xi32> to vector<16xi32>
    %swap3A_25 = vector.shape_cast %and3A_21 : vector<16xi32> to vector<16xi32>
    tpu.vector_store %arg7[%swap3A_22], %swap3A_25 {strides = array<i32>} : memref<64xi32, #tpu.memory_space<vmem>>, vector<16xi32>,
    %shift_right_logical3A_26 = arith.constant 14 : i32
    %shift_right_logical3A_27 = vector.broadcast %shift_right_logical3A_26 : i32 to vector<16xi32>
    %shift_right_logical3A_28 = arith.shrui %get3A_18, %shift_right_logical3A_27 : vector<16xi32>
    %swap3A_29 = arith.constant 16 : index
    %swap3A_30 = tpu.vector_load %arg11[%swap3A_29] {strides = array<i32>} : memref<64xi32, #tpu.memory_space<vmem>>, vector<16xi32>,
    %swap3A_31 = vector.shape_cast %swap3A_30 : vector<16xi32> to vector<16xi32>
    %swap3A_32 = vector.shape_cast %shift_right_logical3A_28 : vector<16xi32> to vector<16xi32>
    tpu.vector_store %arg11[%swap3A_29], %swap3A_32 {strides = array<i32>} : memref<64xi32, #tpu.memory_space<vmem>>, vector<16xi32>,
    %get3A_33 = arith.constant 32 : index
    %get3A_34 = tpu.vector_load %arg6[%get3A_33] {strides = array<i32>} : memref<10240xi32, #tpu.memory_space<vmem>>, vector<16xi32>,
    %get3A_35 = vector.shape_cast %get3A_34 : vector<16xi32> to vector<16xi32>
    %and3A_36 = arith.constant 16383 : i32
    %and3A_37 = vector.broadcast %and3A_36 : i32 to vector<16xi32>
    %and3A_38 = arith.andi %get3A_35, %and3A_37 : vector<16xi32>
    %swap3A_39 = arith.constant 32 : index
    %swap3A_40 = tpu.vector_load %arg7[%swap3A_39] {strides = array<i32>} : memref<64xi32, #tpu.memory_space<vmem>>, vector<16xi32>,
    %swap3A_41 = vector.shape_cast %swap3A_40 : vector<16xi32> to vector<16xi32>
    %swap3A_42 = vector.shape_cast %and3A_38 : vector<16xi32> to vector<16xi32>
    tpu.vector_store %arg7[%swap3A_39], %swap3A_42 {strides = array<i32>} : memref<64xi32, #tpu.memory_space<vmem>>, vector<16xi32>,
    %shift_right_logical3A_43 = arith.constant 14 : i32
    %shift_right_logical3A_44 = vector.broadcast %shift_right_logical3A_43 : i32 to vector<16xi32>
    %shift_right_logical3A_45 = arith.shrui %get3A_35, %shift_right_logical3A_44 : vector<16xi32>
    %swap3A_46 = arith.constant 32 : index
    %swap3A_47 = tpu.vector_load %arg11[%swap3A_46] {strides = array<i32>} : memref<64xi32, #tpu.memory_space<vmem>>, vector<16xi32>,
    %swap3A_48 = vector.shape_cast %swap3A_47 : vector<16xi32> to vector<16xi32>
    %swap3A_49 = vector.shape_cast %shift_right_logical3A_45 : vector<16xi32> to vector<16xi32>
    tpu.vector_store %arg11[%swap3A_46], %swap3A_49 {strides = array<i32>} : memref<64xi32, #tpu.memory_space<vmem>>, vector<16xi32>,
    %get3A_50 = arith.constant 48 : index
    %get3A_51 = tpu.vector_load %arg6[%get3A_50] {strides = array<i32>} : memref<10240xi32, #tpu.memory_space<vmem>>, vector<16xi32>,
    %get3A_52 = vector.shape_cast %get3A_51 : vector<16xi32> to vector<16xi32>
    %and3A_53 = arith.constant 16383 : i32
    %and3A_54 = vector.broadcast %and3A_53 : i32 to vector<16xi32>
    %and3A_55 = arith.andi %get3A_52, %and3A_54 : vector<16xi32>
    %swap3A_56 = arith.constant 48 : index
    %swap3A_57 = tpu.vector_load %arg7[%swap3A_56] {strides = array<i32>} : memref<64xi32, #tpu.memory_space<vmem>>, vector<16xi32>,
    %swap3A_58 = vector.shape_cast %swap3A_57 : vector<16xi32> to vector<16xi32>
    %swap3A_59 = vector.shape_cast %and3A_55 : vector<16xi32> to vector<16xi32>
    tpu.vector_store %arg7[%swap3A_56], %swap3A_59 {strides = array<i32>} : memref<64xi32, #tpu.memory_space<vmem>>, vector<16xi32>,
    %shift_right_logical3A_60 = arith.constant 14 : i32
    %shift_right_logical3A_61 = vector.broadcast %shift_right_logical3A_60 : i32 to vector<16xi32>
    %shift_right_logical3A_62 = arith.shrui %get3A_52, %shift_right_logical3A_61 : vector<16xi32>
    %swap3A_63 = arith.constant 48 : index
    %swap3A_64 = tpu.vector_load %arg11[%swap3A_63] {strides = array<i32>} : memref<64xi32, #tpu.memory_space<vmem>>, vector<16xi32>,
    %swap3A_65 = vector.shape_cast %swap3A_64 : vector<16xi32> to vector<16xi32>
    %swap3A_66 = vector.shape_cast %shift_right_logical3A_62 : vector<16xi32> to vector<16xi32>
    tpu.vector_store %arg11[%swap3A_63], %swap3A_66 {strides = array<i32>} : memref<64xi32, #tpu.memory_space<vmem>>, vector<16xi32>,
    %dma_start3A = arith.constant 0 : i32
    %dma_start3A_67 = arith.constant 0 : i32
    %dma_start3A_68 = tpu.memref_slice %arg2[%dma_start3A, %dma_start3A_67] : memref<10000x128xf32, #tpu.memory_space<hbm>> -> memref<10000x128xf32, #tpu.memory_space<hbm>>
    tpu.enqueue_indirect_dma source(%dma_start3A_68 : memref<10000x128xf32, #tpu.memory_space<hbm>>) target(%arg15 : memref<64x128xf32, #tpu.memory_space<vmem>>) offsets(%arg7 : memref<64xi32, #tpu.memory_space<vmem>>) semaphore(%arg20 : memref<!tpu.dma_semaphore, #tpu.memory_space<semaphore_mem>>)
    %get3A_69 = arith.constant 64 : index
    %get3A_70 = tpu.vector_load %arg6[%get3A_69] {strides = array<i32>} : memref<10240xi32, #tpu.memory_space<vmem>>, vector<16xi32>,
    %get3A_71 = vector.shape_cast %get3A_70 : vector<16xi32> to vector<16xi32>
    %and3A_72 = arith.constant 16383 : i32
    %and3A_73 = vector.broadcast %and3A_72 : i32 to vector<16xi32>
    %and3A_74 = arith.andi %get3A_71, %and3A_73 : vector<16xi32>
    %swap3A_75 = arith.constant 0 : index
    %swap3A_76 = tpu.vector_load %arg8[%swap3A_75] {strides = array<i32>} : memref<64xi32, #tpu.memory_space<vmem>>, vector<16xi32>,
    %swap3A_77 = vector.shape_cast %swap3A_76 : vector<16xi32> to vector<16xi32>
    %swap3A_78 = vector.shape_cast %and3A_74 : vector<16xi32> to vector<16xi32>
    tpu.vector_store %arg8[%swap3A_75], %swap3A_78 {strides = array<i32>} : memref<64xi32, #tpu.memory_space<vmem>>, vector<16xi32>,
    %shift_right_logical3A_79 = arith.constant 14 : i32
    %shift_right_logical3A_80 = vector.broadcast %shift_right_logical3A_79 : i32 to vector<16xi32>
    %shift_right_logical3A_81 = arith.shrui %get3A_71, %shift_right_logical3A_80 : vector<16xi32>
    %swap3A_82 = arith.constant 0 : index
    %swap3A_83 = tpu.vector_load %arg12[%swap3A_82] {strides = array<i32>} : memref<64xi32, #tpu.memory_space<vmem>>, vector<16xi32>,
    %swap3A_84 = vector.shape_cast %swap3A_83 : vector<16xi32> to vector<16xi32>
    %swap3A_85 = vector.shape_cast %shift_right_logical3A_81 : vector<16xi32> to vector<16xi32>
    tpu.vector_store %arg12[%swap3A_82], %swap3A_85 {strides = array<i32>} : memref<64xi32, #tpu.memory_space<vmem>>, vector<16xi32>,
    %get3A_86 = arith.constant 80 : index
    %get3A_87 = tpu.vector_load %arg6[%get3A_86] {strides = array<i32>} : memref<10240xi32, #tpu.memory_space<vmem>>, vector<16xi32>,
    %get3A_88 = vector.shape_cast %get3A_87 : vector<16xi32> to vector<16xi32>
    %and3A_89 = arith.constant 16383 : i32
    %and3A_90 = vector.broadcast %and3A_89 : i32 to vector<16xi32>
    %and3A_91 = arith.andi %get3A_88, %and3A_90 : vector<16xi32>
    %swap3A_92 = arith.constant 16 : index
    %swap3A_93 = tpu.vector_load %arg8[%swap3A_92] {strides = array<i32>} : memref<64xi32, #tpu.memory_space<vmem>>, vector<16xi32>,
    %swap3A_94 = vector.shape_cast %swap3A_93 : vector<16xi32> to vector<16xi32>
    %swap3A_95 = vector.shape_cast %and3A_91 : vector<16xi32> to vector<16xi32>
    tpu.vector_store %arg8[%swap3A_92], %swap3A_95 {strides = array<i32>} : memref<64xi32, #tpu.memory_space<vmem>>, vector<16xi32>,
    %shift_right_logical3A_96 = arith.constant 14 : i32
    %shift_right_logical3A_97 = vector.broadcast %shift_right_logical3A_96 : i32 to vector<16xi32>
    %shift_right_logical3A_98 = arith.shrui %get3A_88, %shift_right_logical3A_97 : vector<16xi32>
    %swap3A_99 = arith.constant 16 : index
    %swap3A_100 = tpu.vector_load %arg12[%swap3A_99] {strides = array<i32>} : memref<64xi32, #tpu.memory_space<vmem>>, vector<16xi32>,
    %swap3A_101 = vector.shape_cast %swap3A_100 : vector<16xi32> to vector<16xi32>
    %swap3A_102 = vector.shape_cast %shift_right_logical3A_98 : vector<16xi32> to vector<16xi32>
    tpu.vector_store %arg12[%swap3A_99], %swap3A_102 {strides = array<i32>} : memref<64xi32, #tpu.memory_space<vmem>>, vector<16xi32>,
    %get3A_103 = arith.constant 96 : index
    %get3A_104 = tpu.vector_load %arg6[%get3A_103] {strides = array<i32>} : memref<10240xi32, #tpu.memory_space<vmem>>, vector<16xi32>,
    %get3A_105 = vector.shape_cast %get3A_104 : vector<16xi32> to vector<16xi32>
    %and3A_106 = arith.constant 16383 : i32
    %and3A_107 = vector.broadcast %and3A_106 : i32 to vector<16xi32>
    %and3A_108 = arith.andi %get3A_105, %and3A_107 : vector<16xi32>
    %swap3A_109 = arith.constant 32 : index
    %swap3A_110 = tpu.vector_load %arg8[%swap3A_109] {strides = array<i32>} : memref<64xi32, #tpu.memory_space<vmem>>, vector<16xi32>,
    %swap3A_111 = vector.shape_cast %swap3A_110 : vector<16xi32> to vector<16xi32>
    %swap3A_112 = vector.shape_cast %and3A_108 : vector<16xi32> to vector<16xi32>
    tpu.vector_store %arg8[%swap3A_109], %swap3A_112 {strides = array<i32>} : memref<64xi32, #tpu.memory_space<vmem>>, vector<16xi32>,
    %shift_right_logical3A_113 = arith.constant 14 : i32
    %shift_right_logical3A_114 = vector.broadcast %shift_right_logical3A_113 : i32 to vector<16xi32>
    %shift_right_logical3A_115 = arith.shrui %get3A_105, %shift_right_logical3A_114 : vector<16xi32>
    %swap3A_116 = arith.constant 32 : index
    %swap3A_117 = tpu.vector_load %arg12[%swap3A_116] {strides = array<i32>} : memref<64xi32, #tpu.memory_space<vmem>>, vector<16xi32>,
    %swap3A_118 = vector.shape_cast %swap3A_117 : vector<16xi32> to vector<16xi32>
    %swap3A_119 = vector.shape_cast %shift_right_logical3A_115 : vector<16xi32> to vector<16xi32>
    tpu.vector_store %arg12[%swap3A_116], %swap3A_119 {strides = array<i32>} : memref<64xi32, #tpu.memory_space<vmem>>, vector<16xi32>,
    %get3A_120 = arith.constant 112 : index
    %get3A_121 = tpu.vector_load %arg6[%get3A_120] {strides = array<i32>} : memref<10240xi32, #tpu.memory_space<vmem>>, vector<16xi32>,
    %get3A_122 = vector.shape_cast %get3A_121 : vector<16xi32> to vector<16xi32>
    %and3A_123 = arith.constant 16383 : i32
    %and3A_124 = vector.broadcast %and3A_123 : i32 to vector<16xi32>
    %and3A_125 = arith.andi %get3A_122, %and3A_124 : vector<16xi32>
    %swap3A_126 = arith.constant 48 : index
    %swap3A_127 = tpu.vector_load %arg8[%swap3A_126] {strides = array<i32>} : memref<64xi32, #tpu.memory_space<vmem>>, vector<16xi32>,
    %swap3A_128 = vector.shape_cast %swap3A_127 : vector<16xi32> to vector<16xi32>
    %swap3A_129 = vector.shape_cast %and3A_125 : vector<16xi32> to vector<16xi32>
    tpu.vector_store %arg8[%swap3A_126], %swap3A_129 {strides = array<i32>} : memref<64xi32, #tpu.memory_space<vmem>>, vector<16xi32>,
    %shift_right_logical3A_130 = arith.constant 14 : i32
    %shift_right_logical3A_131 = vector.broadcast %shift_right_logical3A_130 : i32 to vector<16xi32>
    %shift_right_logical3A_132 = arith.shrui %get3A_122, %shift_right_logical3A_131 : vector<16xi32>
    %swap3A_133 = arith.constant 48 : index
    %swap3A_134 = tpu.vector_load %arg12[%swap3A_133] {strides = array<i32>} : memref<64xi32, #tpu.memory_space<vmem>>, vector<16xi32>,
    %swap3A_135 = vector.shape_cast %swap3A_134 : vector<16xi32> to vector<16xi32>
    %swap3A_136 = vector.shape_cast %shift_right_logical3A_132 : vector<16xi32> to vector<16xi32>
    tpu.vector_store %arg12[%swap3A_133], %swap3A_136 {strides = array<i32>} : memref<64xi32, #tpu.memory_space<vmem>>, vector<16xi32>,
    %dma_start3A_137 = arith.constant 0 : i32
    %dma_start3A_138 = arith.constant 0 : i32
    %dma_start3A_139 = tpu.memref_slice %arg2[%dma_start3A_137, %dma_start3A_138] : memref<10000x128xf32, #tpu.memory_space<hbm>> -> memref<10000x128xf32, #tpu.memory_space<hbm>>
    tpu.enqueue_indirect_dma source(%dma_start3A_139 : memref<10000x128xf32, #tpu.memory_space<hbm>>) target(%arg16 : memref<64x128xf32, #tpu.memory_space<vmem>>) offsets(%arg8 : memref<64xi32, #tpu.memory_space<vmem>>) semaphore(%arg21 : memref<!tpu.dma_semaphore, #tpu.memory_space<semaphore_mem>>)
    %get3A_140 = arith.constant 128 : index
    %get3A_141 = tpu.vector_load %arg6[%get3A_140] {strides = array<i32>} : memref<10240xi32, #tpu.memory_space<vmem>>, vector<16xi32>,
    %get3A_142 = vector.shape_cast %get3A_141 : vector<16xi32> to vector<16xi32>
    %and3A_143 = arith.constant 16383 : i32
    %and3A_144 = vector.broadcast %and3A_143 : i32 to vector<16xi32>
    %and3A_145 = arith.andi %get3A_142, %and3A_144 : vector<16xi32>
    %swap3A_146 = arith.constant 0 : index
    %swap3A_147 = tpu.vector_load %arg9[%swap3A_146] {strides = array<i32>} : memref<64xi32, #tpu.memory_space<vmem>>, vector<16xi32>,
    %swap3A_148 = vector.shape_cast %swap3A_147 : vector<16xi32> to vector<16xi32>
    %swap3A_149 = vector.shape_cast %and3A_145 : vector<16xi32> to vector<16xi32>
    tpu.vector_store %arg9[%swap3A_146], %swap3A_149 {strides = array<i32>} : memref<64xi32, #tpu.memory_space<vmem>>, vector<16xi32>,
    %shift_right_logical3A_150 = arith.constant 14 : i32
    %shift_right_logical3A_151 = vector.broadcast %shift_right_logical3A_150 : i32 to vector<16xi32>
    %shift_right_logical3A_152 = arith.shrui %get3A_142, %shift_right_logical3A_151 : vector<16xi32>
    %swap3A_153 = arith.constant 0 : index
    %swap3A_154 = tpu.vector_load %arg13[%swap3A_153] {strides = array<i32>} : memref<64xi32, #tpu.memory_space<vmem>>, vector<16xi32>,
    %swap3A_155 = vector.shape_cast %swap3A_154 : vector<16xi32> to vector<16xi32>
    %swap3A_156 = vector.shape_cast %shift_right_logical3A_152 : vector<16xi32> to vector<16xi32>
    tpu.vector_store %arg13[%swap3A_153], %swap3A_156 {strides = array<i32>} : memref<64xi32, #tpu.memory_space<vmem>>, vector<16xi32>,
    %get3A_157 = arith.constant 144 : index
    %get3A_158 = tpu.vector_load %arg6[%get3A_157] {strides = array<i32>} : memref<10240xi32, #tpu.memory_space<vmem>>, vector<16xi32>,
    %get3A_159 = vector.shape_cast %get3A_158 : vector<16xi32> to vector<16xi32>
    %and3A_160 = arith.constant 16383 : i32
    %and3A_161 = vector.broadcast %and3A_160 : i32 to vector<16xi32>
    %and3A_162 = arith.andi %get3A_159, %and3A_161 : vector<16xi32>
    %swap3A_163 = arith.constant 16 : index
    %swap3A_164 = tpu.vector_load %arg9[%swap3A_163] {strides = array<i32>} : memref<64xi32, #tpu.memory_space<vmem>>, vector<16xi32>,
    %swap3A_165 = vector.shape_cast %swap3A_164 : vector<16xi32> to vector<16xi32>
    %swap3A_166 = vector.shape_cast %and3A_162 : vector<16xi32> to vector<16xi32>
    tpu.vector_store %arg9[%swap3A_163], %swap3A_166 {strides = array<i32>} : memref<64xi32, #tpu.memory_space<vmem>>, vector<16xi32>,
    %shift_right_logical3A_167 = arith.constant 14 : i32
    %shift_right_logical3A_168 = vector.broadcast %shift_right_logical3A_167 : i32 to vector<16xi32>
    %shift_right_logical3A_169 = arith.shrui %get3A_159, %shift_right_logical3A_168 : vector<16xi32>
    %swap3A_170 = arith.constant 16 : index
    %swap3A_171 = tpu.vector_load %arg13[%swap3A_170] {strides = array<i32>} : memref<64xi32, #tpu.memory_space<vmem>>, vector<16xi32>,
    %swap3A_172 = vector.shape_cast %swap3A_171 : vector<16xi32> to vector<16xi32>
    %swap3A_173 = vector.shape_cast %shift_right_logical3A_169 : vector<16xi32> to vector<16xi32>
    tpu.vector_store %arg13[%swap3A_170], %swap3A_173 {strides = array<i32>} : memref<64xi32, #tpu.memory_space<vmem>>, vector<16xi32>,
    %get3A_174 = arith.constant 160 : index
    %get3A_175 = tpu.vector_load %arg6[%get3A_174] {strides = array<i32>} : memref<10240xi32, #tpu.memory_space<vmem>>, vector<16xi32>,
    %get3A_176 = vector.shape_cast %get3A_175 : vector<16xi32> to vector<16xi32>
    %and3A_177 = arith.constant 16383 : i32
    %and3A_178 = vector.broadcast %and3A_177 : i32 to vector<16xi32>
    %and3A_179 = arith.andi %get3A_176, %and3A_178 : vector<16xi32>
    %swap3A_180 = arith.constant 32 : index
    %swap3A_181 = tpu.vector_load %arg9[%swap3A_180] {strides = array<i32>} : memref<64xi32, #tpu.memory_space<vmem>>, vector<16xi32>,
    %swap3A_182 = vector.shape_cast %swap3A_181 : vector<16xi32> to vector<16xi32>
    %swap3A_183 = vector.shape_cast %and3A_179 : vector<16xi32> to vector<16xi32>
    tpu.vector_store %arg9[%swap3A_180], %swap3A_183 {strides = array<i32>} : memref<64xi32, #tpu.memory_space<vmem>>, vector<16xi32>,
    %shift_right_logical3A_184 = arith.constant 14 : i32
    %shift_right_logical3A_185 = vector.broadcast %shift_right_logical3A_184 : i32 to vector<16xi32>
    %shift_right_logical3A_186 = arith.shrui %get3A_176, %shift_right_logical3A_185 : vector<16xi32>
    %swap3A_187 = arith.constant 32 : index
    %swap3A_188 = tpu.vector_load %arg13[%swap3A_187] {strides = array<i32>} : memref<64xi32, #tpu.memory_space<vmem>>, vector<16xi32>,
    %swap3A_189 = vector.shape_cast %swap3A_188 : vector<16xi32> to vector<16xi32>
    %swap3A_190 = vector.shape_cast %shift_right_logical3A_186 : vector<16xi32> to vector<16xi32>
    tpu.vector_store %arg13[%swap3A_187], %swap3A_190 {strides = array<i32>} : memref<64xi32, #tpu.memory_space<vmem>>, vector<16xi32>,
    %get3A_191 = arith.constant 176 : index
    %get3A_192 = tpu.vector_load %arg6[%get3A_191] {strides = array<i32>} : memref<10240xi32, #tpu.memory_space<vmem>>, vector<16xi32>,
    %get3A_193 = vector.shape_cast %get3A_192 : vector<16xi32> to vector<16xi32>
    %and3A_194 = arith.constant 16383 : i32
    %and3A_195 = vector.broadcast %and3A_194 : i32 to vector<16xi32>
    %and3A_196 = arith.andi %get3A_193, %and3A_195 : vector<16xi32>
    %swap3A_197 = arith.constant 48 : index
    %swap3A_198 = tpu.vector_load %arg9[%swap3A_197] {strides = array<i32>} : memref<64xi32, #tpu.memory_space<vmem>>, vector<16xi32>,
    %swap3A_199 = vector.shape_cast %swap3A_198 : vector<16xi32> to vector<16xi32>
    %swap3A_200 = vector.shape_cast %and3A_196 : vector<16xi32> to vector<16xi32>
    tpu.vector_store %arg9[%swap3A_197], %swap3A_200 {strides = array<i32>} : memref<64xi32, #tpu.memory_space<vmem>>, vector<16xi32>,
    %shift_right_logical3A_201 = arith.constant 14 : i32
    %shift_right_logical3A_202 = vector.broadcast %shift_right_logical3A_201 : i32 to vector<16xi32>
    %shift_right_logical3A_203 = arith.shrui %get3A_193, %shift_right_logical3A_202 : vector<16xi32>
    %swap3A_204 = arith.constant 48 : index
    %swap3A_205 = tpu.vector_load %arg13[%swap3A_204] {strides = array<i32>} : memref<64xi32, #tpu.memory_space<vmem>>, vector<16xi32>,
    %swap3A_206 = vector.shape_cast %swap3A_205 : vector<16xi32> to vector<16xi32>
    %swap3A_207 = vector.shape_cast %shift_right_logical3A_203 : vector<16xi32> to vector<16xi32>
    tpu.vector_store %arg13[%swap3A_204], %swap3A_207 {strides = array<i32>} : memref<64xi32, #tpu.memory_space<vmem>>, vector<16xi32>,
    %dma_start3A_208 = arith.constant 0 : i32
    %dma_start3A_209 = arith.constant 0 : i32
    %dma_start3A_210 = tpu.memref_slice %arg2[%dma_start3A_208, %dma_start3A_209] : memref<10000x128xf32, #tpu.memory_space<hbm>> -> memref<10000x128xf32, #tpu.memory_space<hbm>>
    tpu.enqueue_indirect_dma source(%dma_start3A_210 : memref<10000x128xf32, #tpu.memory_space<hbm>>) target(%arg17 : memref<64x128xf32, #tpu.memory_space<vmem>>) offsets(%arg9 : memref<64xi32, #tpu.memory_space<vmem>>) semaphore(%arg22 : memref<!tpu.dma_semaphore, #tpu.memory_space<semaphore_mem>>)
    %get3A_211 = arith.constant 192 : index
    %get3A_212 = tpu.vector_load %arg6[%get3A_211] {strides = array<i32>} : memref<10240xi32, #tpu.memory_space<vmem>>, vector<16xi32>,
    %get3A_213 = vector.shape_cast %get3A_212 : vector<16xi32> to vector<16xi32>
    %and3A_214 = arith.constant 16383 : i32
    %and3A_215 = vector.broadcast %and3A_214 : i32 to vector<16xi32>
    %and3A_216 = arith.andi %get3A_213, %and3A_215 : vector<16xi32>
    %swap3A_217 = arith.constant 0 : index
    %swap3A_218 = tpu.vector_load %arg10[%swap3A_217] {strides = array<i32>} : memref<64xi32, #tpu.memory_space<vmem>>, vector<16xi32>,
    %swap3A_219 = vector.shape_cast %swap3A_218 : vector<16xi32> to vector<16xi32>
    %swap3A_220 = vector.shape_cast %and3A_216 : vector<16xi32> to vector<16xi32>
    tpu.vector_store %arg10[%swap3A_217], %swap3A_220 {strides = array<i32>} : memref<64xi32, #tpu.memory_space<vmem>>, vector<16xi32>,
    %shift_right_logical3A_221 = arith.constant 14 : i32
    %shift_right_logical3A_222 = vector.broadcast %shift_right_logical3A_221 : i32 to vector<16xi32>
    %shift_right_logical3A_223 = arith.shrui %get3A_213, %shift_right_logical3A_222 : vector<16xi32>
    %swap3A_224 = arith.constant 0 : index
    %swap3A_225 = tpu.vector_load %arg14[%swap3A_224] {strides = array<i32>} : memref<64xi32, #tpu.memory_space<vmem>>, vector<16xi32>,
    %swap3A_226 = vector.shape_cast %swap3A_225 : vector<16xi32> to vector<16xi32>
    %swap3A_227 = vector.shape_cast %shift_right_logical3A_223 : vector<16xi32> to vector<16xi32>
    tpu.vector_store %arg14[%swap3A_224], %swap3A_227 {strides = array<i32>} : memref<64xi32, #tpu.memory_space<vmem>>, vector<16xi32>,
    %get3A_228 = arith.constant 208 : index
    %get3A_229 = tpu.vector_load %arg6[%get3A_228] {strides = array<i32>} : memref<10240xi32, #tpu.memory_space<vmem>>, vector<16xi32>,
    %get3A_230 = vector.shape_cast %get3A_229 : vector<16xi32> to vector<16xi32>
    %and3A_231 = arith.constant 16383 : i32
    %and3A_232 = vector.broadcast %and3A_231 : i32 to vector<16xi32>
    %and3A_233 = arith.andi %get3A_230, %and3A_232 : vector<16xi32>
    %swap3A_234 = arith.constant 16 : index
    %swap3A_235 = tpu.vector_load %arg10[%swap3A_234] {strides = array<i32>} : memref<64xi32, #tpu.memory_space<vmem>>, vector<16xi32>,
    %swap3A_236 = vector.shape_cast %swap3A_235 : vector<16xi32> to vector<16xi32>
    %swap3A_237 = vector.shape_cast %and3A_233 : vector<16xi32> to vector<16xi32>
    tpu.vector_store %arg10[%swap3A_234], %swap3A_237 {strides = array<i32>} : memref<64xi32, #tpu.memory_space<vmem>>, vector<16xi32>,
    %shift_right_logical3A_238 = arith.constant 14 : i32
    %shift_right_logical3A_239 = vector.broadcast %shift_right_logical3A_238 : i32 to vector<16xi32>
    %shift_right_logical3A_240 = arith.shrui %get3A_230, %shift_right_logical3A_239 : vector<16xi32>
    %swap3A_241 = arith.constant 16 : index
    %swap3A_242 = tpu.vector_load %arg14[%swap3A_241] {strides = array<i32>} : memref<64xi32, #tpu.memory_space<vmem>>, vector<16xi32>,
    %swap3A_243 = vector.shape_cast %swap3A_242 : vector<16xi32> to vector<16xi32>
    %swap3A_244 = vector.shape_cast %shift_right_logical3A_240 : vector<16xi32> to vector<16xi32>
    tpu.vector_store %arg14[%swap3A_241], %swap3A_244 {strides = array<i32>} : memref<64xi32, #tpu.memory_space<vmem>>, vector<16xi32>,
    %get3A_245 = arith.constant 224 : index
    %get3A_246 = tpu.vector_load %arg6[%get3A_245] {strides = array<i32>} : memref<10240xi32, #tpu.memory_space<vmem>>, vector<16xi32>,
    %get3A_247 = vector.shape_cast %get3A_246 : vector<16xi32> to vector<16xi32>
    %and3A_248 = arith.constant 16383 : i32
    %and3A_249 = vector.broadcast %and3A_248 : i32 to vector<16xi32>
    %and3A_250 = arith.andi %get3A_247, %and3A_249 : vector<16xi32>
    %swap3A_251 = arith.constant 32 : index
    %swap3A_252 = tpu.vector_load %arg10[%swap3A_251] {strides = array<i32>} : memref<64xi32, #tpu.memory_space<vmem>>, vector<16xi32>,
    %swap3A_253 = vector.shape_cast %swap3A_252 : vector<16xi32> to vector<16xi32>
    %swap3A_254 = vector.shape_cast %and3A_250 : vector<16xi32> to vector<16xi32>
    tpu.vector_store %arg10[%swap3A_251], %swap3A_254 {strides = array<i32>} : memref<64xi32, #tpu.memory_space<vmem>>, vector<16xi32>,
    %shift_right_logical3A_255 = arith.constant 14 : i32
    %shift_right_logical3A_256 = vector.broadcast %shift_right_logical3A_255 : i32 to vector<16xi32>
    %shift_right_logical3A_257 = arith.shrui %get3A_247, %shift_right_logical3A_256 : vector<16xi32>
    %swap3A_258 = arith.constant 32 : index
    %swap3A_259 = tpu.vector_load %arg14[%swap3A_258] {strides = array<i32>} : memref<64xi32, #tpu.memory_space<vmem>>, vector<16xi32>,
    %swap3A_260 = vector.shape_cast %swap3A_259 : vector<16xi32> to vector<16xi32>
    %swap3A_261 = vector.shape_cast %shift_right_logical3A_257 : vector<16xi32> to vector<16xi32>
    tpu.vector_store %arg14[%swap3A_258], %swap3A_261 {strides = array<i32>} : memref<64xi32, #tpu.memory_space<vmem>>, vector<16xi32>,
    %get3A_262 = arith.constant 240 : index
    %get3A_263 = tpu.vector_load %arg6[%get3A_262] {strides = array<i32>} : memref<10240xi32, #tpu.memory_space<vmem>>, vector<16xi32>,
    %get3A_264 = vector.shape_cast %get3A_263 : vector<16xi32> to vector<16xi32>
    %and3A_265 = arith.constant 16383 : i32
    %and3A_266 = vector.broadcast %and3A_265 : i32 to vector<16xi32>
    %and3A_267 = arith.andi %get3A_264, %and3A_266 : vector<16xi32>
    %swap3A_268 = arith.constant 48 : index
    %swap3A_269 = tpu.vector_load %arg10[%swap3A_268] {strides = array<i32>} : memref<64xi32, #tpu.memory_space<vmem>>, vector<16xi32>,
    %swap3A_270 = vector.shape_cast %swap3A_269 : vector<16xi32> to vector<16xi32>
    %swap3A_271 = vector.shape_cast %and3A_267 : vector<16xi32> to vector<16xi32>
    tpu.vector_store %arg10[%swap3A_268], %swap3A_271 {strides = array<i32>} : memref<64xi32, #tpu.memory_space<vmem>>, vector<16xi32>,
    %shift_right_logical3A_272 = arith.constant 14 : i32
    %shift_right_logical3A_273 = vector.broadcast %shift_right_logical3A_272 : i32 to vector<16xi32>
    %shift_right_logical3A_274 = arith.shrui %get3A_264, %shift_right_logical3A_273 : vector<16xi32>
    %swap3A_275 = arith.constant 48 : index
    %swap3A_276 = tpu.vector_load %arg14[%swap3A_275] {strides = array<i32>} : memref<64xi32, #tpu.memory_space<vmem>>, vector<16xi32>,
    %swap3A_277 = vector.shape_cast %swap3A_276 : vector<16xi32> to vector<16xi32>
    %swap3A_278 = vector.shape_cast %shift_right_logical3A_274 : vector<16xi32> to vector<16xi32>
    tpu.vector_store %arg14[%swap3A_275], %swap3A_278 {strides = array<i32>} : memref<64xi32, #tpu.memory_space<vmem>>, vector<16xi32>,
    %dma_start3A_279 = arith.constant 0 : i32
    %dma_start3A_280 = arith.constant 0 : i32
    %dma_start3A_281 = tpu.memref_slice %arg2[%dma_start3A_279, %dma_start3A_280] : memref<10000x128xf32, #tpu.memory_space<hbm>> -> memref<10000x128xf32, #tpu.memory_space<hbm>>
    tpu.enqueue_indirect_dma source(%dma_start3A_281 : memref<10000x128xf32, #tpu.memory_space<hbm>>) target(%arg18 : memref<64x128xf32, #tpu.memory_space<vmem>>) offsets(%arg10 : memref<64xi32, #tpu.memory_space<vmem>>) semaphore(%arg23 : memref<!tpu.dma_semaphore, #tpu.memory_space<semaphore_mem>>)
    %scan3A = arith.constant 0 : i32
    %scan3A_282 = arith.constant 0 : i32
    %scan3A_283 = arith.constant 40 : i32
    %scan3A_284 = arith.addi %scan3A_282, %scan3A_283 : i32
    %scan3A_285 = arith.constant 1 : i32
    scf.for %scan3A_288 = %scan3A_282 to %scan3A_284 step %scan3A_285  : i32 {
      %mul3A_289 = arith.constant 4 : i32
      %mul3A_290 = arith.muli %scan3A_288, %mul3A_289 : i32
      %dma_wait3A = arith.constant 0 : i32
      %dma_wait3A_291 = arith.constant 0 : i32
      %dma_wait3A_292 = tpu.memref_slice %arg2[%dma_wait3A, %dma_wait3A_291] : memref<10000x128xf32, #tpu.memory_space<hbm>> -> memref<10000x128xf32, #tpu.memory_space<hbm>>
      tpu.wait_indirect_dma semaphore(%arg20 : memref<!tpu.dma_semaphore, #tpu.memory_space<semaphore_mem>>) src(%dma_wait3A_292 : memref<10000x128xf32, #tpu.memory_space<hbm>>) dst(%arg15 : memref<64x128xf32, #tpu.memory_space<vmem>>)
      "tpu.region"() ({
        %run_scoped3A = tpu.sem_alloc : memref<!tpu.dma_semaphore, #tpu.memory_space<semaphore_mem>>
        %dma_start3A_327 = arith.constant 0 : i32
        %dma_start3A_328 = arith.constant 0 : i32
        %dma_start3A_329 = tpu.memref_slice %arg19[%dma_start3A_327, %dma_start3A_328] : memref<10112x128xf32, #tpu.memory_space<vmem_shared>> -> memref<10112x128xf32, #tpu.memory_space<vmem_shared>>
        tpu.enqueue_indirect_dma source(%arg15 : memref<64x128xf32, #tpu.memory_space<vmem>>) target(%dma_start3A_329 : memref<10112x128xf32, #tpu.memory_space<vmem_shared>>) offsets(%arg11 : memref<64xi32, #tpu.memory_space<vmem>>) semaphore(%run_scoped3A : memref<!tpu.dma_semaphore, #tpu.memory_space<semaphore_mem>>) {add = true}
        %dma_wait3A_330 = arith.constant 0 : i32
        %dma_wait3A_331 = arith.constant 0 : i32
        %dma_wait3A_332 = tpu.memref_slice %arg19[%dma_wait3A_330, %dma_wait3A_331] : memref<10112x128xf32, #tpu.memory_space<vmem_shared>> -> memref<10112x128xf32, #tpu.memory_space<vmem_shared>>
        tpu.wait_indirect_dma semaphore(%run_scoped3A : memref<!tpu.dma_semaphore, #tpu.memory_space<semaphore_mem>>) src(%arg15 : memref<64x128xf32, #tpu.memory_space<vmem>>) dst(%dma_wait3A_332 : memref<10112x128xf32, #tpu.memory_space<vmem_shared>>)
        tpu.yield
      }) : () -> ()
      %add3A_293 = arith.constant 1 : i32
      %add3A_294 = arith.addi %scan3A_288, %add3A_293 : i32
      %lt3A = arith.constant 40 : i32
      %lt3A_295 = arith.cmpi slt, %add3A_294, %lt3A : i32
      %convert_element_type3A = arith.extui %lt3A_295 : i1 to i32
      %cond3A = arith.constant 0 : i32
      %cond3A_296 = arith.cmpi ne, %convert_element_type3A, %cond3A : i32
      scf.if %cond3A_296 {
        %add3A_327 = arith.constant 4 : i32
        %add3A_328 = arith.addi %mul3A_290, %add3A_327 : i32
        %add3A_329 = arith.constant 0 : i32
        %add3A_330 = arith.addi %add3A_328, %add3A_329 : i32
        %mul3A_331 = arith.constant 64 : i32
        %mul3A_332 = arith.muli %add3A_330, %mul3A_331 : i32
        %add3A_333 = arith.constant 0 : i32
        %add3A_334 = arith.addi %mul3A_332, %add3A_333 : i32
        %get3A_335 = arith.index_cast %add3A_334 : i32 to index
        %get3A_336 = tpu.vector_load %arg6[%get3A_335] {strides = array<i32>} : memref<10240xi32, #tpu.memory_space<vmem>>, vector<16xi32>,
        %get3A_337 = vector.shape_cast %get3A_336 : vector<16xi32> to vector<16xi32>
        %and3A_338 = arith.constant 16383 : i32
        %and3A_339 = vector.broadcast %and3A_338 : i32 to vector<16xi32>
        %and3A_340 = arith.andi %get3A_337, %and3A_339 : vector<16xi32>
        %swap3A_341 = arith.constant 0 : index
        %swap3A_342 = tpu.vector_load %arg7[%swap3A_341] {strides = array<i32>} : memref<64xi32, #tpu.memory_space<vmem>>, vector<16xi32>,
        %swap3A_343 = vector.shape_cast %swap3A_342 : vector<16xi32> to vector<16xi32>
        %swap3A_344 = vector.shape_cast %and3A_340 : vector<16xi32> to vector<16xi32>
        tpu.vector_store %arg7[%swap3A_341], %swap3A_344 {strides = array<i32>} : memref<64xi32, #tpu.memory_space<vmem>>, vector<16xi32>,
        %shift_right_logical3A_345 = arith.constant 14 : i32
        %shift_right_logical3A_346 = vector.broadcast %shift_right_logical3A_345 : i32 to vector<16xi32>
        %shift_right_logical3A_347 = arith.shrui %get3A_337, %shift_right_logical3A_346 : vector<16xi32>
        %swap3A_348 = arith.constant 0 : index
        %swap3A_349 = tpu.vector_load %arg11[%swap3A_348] {strides = array<i32>} : memref<64xi32, #tpu.memory_space<vmem>>, vector<16xi32>,
        %swap3A_350 = vector.shape_cast %swap3A_349 : vector<16xi32> to vector<16xi32>
        %swap3A_351 = vector.shape_cast %shift_right_logical3A_347 : vector<16xi32> to vector<16xi32>
        tpu.vector_store %arg11[%swap3A_348], %swap3A_351 {strides = array<i32>} : memref<64xi32, #tpu.memory_space<vmem>>, vector<16xi32>,
        %add3A_352 = arith.constant 16 : i32
        %add3A_353 = arith.addi %mul3A_332, %add3A_352 : i32
        %get3A_354 = arith.index_cast %add3A_353 : i32 to index
        %get3A_355 = tpu.vector_load %arg6[%get3A_354] {strides = array<i32>} : memref<10240xi32, #tpu.memory_space<vmem>>, vector<16xi32>,
        %get3A_356 = vector.shape_cast %get3A_355 : vector<16xi32> to vector<16xi32>
        %and3A_357 = arith.constant 16383 : i32
        %and3A_358 = vector.broadcast %and3A_357 : i32 to vector<16xi32>
        %and3A_359 = arith.andi %get3A_356, %and3A_358 : vector<16xi32>
        %swap3A_360 = arith.constant 16 : index
        %swap3A_361 = tpu.vector_load %arg7[%swap3A_360] {strides = array<i32>} : memref<64xi32, #tpu.memory_space<vmem>>, vector<16xi32>,
        %swap3A_362 = vector.shape_cast %swap3A_361 : vector<16xi32> to vector<16xi32>
        %swap3A_363 = vector.shape_cast %and3A_359 : vector<16xi32> to vector<16xi32>
        tpu.vector_store %arg7[%swap3A_360], %swap3A_363 {strides = array<i32>} : memref<64xi32, #tpu.memory_space<vmem>>, vector<16xi32>,
        %shift_right_logical3A_364 = arith.constant 14 : i32
        %shift_right_logical3A_365 = vector.broadcast %shift_right_logical3A_364 : i32 to vector<16xi32>
        %shift_right_logical3A_366 = arith.shrui %get3A_356, %shift_right_logical3A_365 : vector<16xi32>
        %swap3A_367 = arith.constant 16 : index
        %swap3A_368 = tpu.vector_load %arg11[%swap3A_367] {strides = array<i32>} : memref<64xi32, #tpu.memory_space<vmem>>, vector<16xi32>,
        %swap3A_369 = vector.shape_cast %swap3A_368 : vector<16xi32> to vector<16xi32>
        %swap3A_370 = vector.shape_cast %shift_right_logical3A_366 : vector<16xi32> to vector<16xi32>
        tpu.vector_store %arg11[%swap3A_367], %swap3A_370 {strides = array<i32>} : memref<64xi32, #tpu.memory_space<vmem>>, vector<16xi32>,
        %add3A_371 = arith.constant 32 : i32
        %add3A_372 = arith.addi %mul3A_332, %add3A_371 : i32
        %get3A_373 = arith.index_cast %add3A_372 : i32 to index
        %get3A_374 = tpu.vector_load %arg6[%get3A_373] {strides = array<i32>} : memref<10240xi32, #tpu.memory_space<vmem>>, vector<16xi32>,
        %get3A_375 = vector.shape_cast %get3A_374 : vector<16xi32> to vector<16xi32>
        %and3A_376 = arith.constant 16383 : i32
        %and3A_377 = vector.broadcast %and3A_376 : i32 to vector<16xi32>
        %and3A_378 = arith.andi %get3A_375, %and3A_377 : vector<16xi32>
        %swap3A_379 = arith.constant 32 : index
        %swap3A_380 = tpu.vector_load %arg7[%swap3A_379] {strides = array<i32>} : memref<64xi32, #tpu.memory_space<vmem>>, vector<16xi32>,
        %swap3A_381 = vector.shape_cast %swap3A_380 : vector<16xi32> to vector<16xi32>
        %swap3A_382 = vector.shape_cast %and3A_378 : vector<16xi32> to vector<16xi32>
        tpu.vector_store %arg7[%swap3A_379], %swap3A_382 {strides = array<i32>} : memref<64xi32, #tpu.memory_space<vmem>>, vector<16xi32>,
        %shift_right_logical3A_383 = arith.constant 14 : i32
        %shift_right_logical3A_384 = vector.broadcast %shift_right_logical3A_383 : i32 to vector<16xi32>
        %shift_right_logical3A_385 = arith.shrui %get3A_375, %shift_right_logical3A_384 : vector<16xi32>
        %swap3A_386 = arith.constant 32 : index
        %swap3A_387 = tpu.vector_load %arg11[%swap3A_386] {strides = array<i32>} : memref<64xi32, #tpu.memory_space<vmem>>, vector<16xi32>,
        %swap3A_388 = vector.shape_cast %swap3A_387 : vector<16xi32> to vector<16xi32>
        %swap3A_389 = vector.shape_cast %shift_right_logical3A_385 : vector<16xi32> to vector<16xi32>
        tpu.vector_store %arg11[%swap3A_386], %swap3A_389 {strides = array<i32>} : memref<64xi32, #tpu.memory_space<vmem>>, vector<16xi32>,
        %add3A_390 = arith.constant 48 : i32
        %add3A_391 = arith.addi %mul3A_332, %add3A_390 : i32
        %get3A_392 = arith.index_cast %add3A_391 : i32 to index
        %get3A_393 = tpu.vector_load %arg6[%get3A_392] {strides = array<i32>} : memref<10240xi32, #tpu.memory_space<vmem>>, vector<16xi32>,
        %get3A_394 = vector.shape_cast %get3A_393 : vector<16xi32> to vector<16xi32>
        %and3A_395 = arith.constant 16383 : i32
        %and3A_396 = vector.broadcast %and3A_395 : i32 to vector<16xi32>
        %and3A_397 = arith.andi %get3A_394, %and3A_396 : vector<16xi32>
        %swap3A_398 = arith.constant 48 : index
        %swap3A_399 = tpu.vector_load %arg7[%swap3A_398] {strides = array<i32>} : memref<64xi32, #tpu.memory_space<vmem>>, vector<16xi32>,
        %swap3A_400 = vector.shape_cast %swap3A_399 : vector<16xi32> to vector<16xi32>
        %swap3A_401 = vector.shape_cast %and3A_397 : vector<16xi32> to vector<16xi32>
        tpu.vector_store %arg7[%swap3A_398], %swap3A_401 {strides = array<i32>} : memref<64xi32, #tpu.memory_space<vmem>>, vector<16xi32>,
        %shift_right_logical3A_402 = arith.constant 14 : i32
        %shift_right_logical3A_403 = vector.broadcast %shift_right_logical3A_402 : i32 to vector<16xi32>
        %shift_right_logical3A_404 = arith.shrui %get3A_394, %shift_right_logical3A_403 : vector<16xi32>
        %swap3A_405 = arith.constant 48 : index
        %swap3A_406 = tpu.vector_load %arg11[%swap3A_405] {strides = array<i32>} : memref<64xi32, #tpu.memory_space<vmem>>, vector<16xi32>,
        %swap3A_407 = vector.shape_cast %swap3A_406 : vector<16xi32> to vector<16xi32>
        %swap3A_408 = vector.shape_cast %shift_right_logical3A_404 : vector<16xi32> to vector<16xi32>
        tpu.vector_store %arg11[%swap3A_405], %swap3A_408 {strides = array<i32>} : memref<64xi32, #tpu.memory_space<vmem>>, vector<16xi32>,
        %dma_start3A_409 = arith.constant 0 : i32
        %dma_start3A_410 = arith.constant 0 : i32
        %dma_start3A_411 = tpu.memref_slice %arg2[%dma_start3A_409, %dma_start3A_410] : memref<10000x128xf32, #tpu.memory_space<hbm>> -> memref<10000x128xf32, #tpu.memory_space<hbm>>
        tpu.enqueue_indirect_dma source(%dma_start3A_411 : memref<10000x128xf32, #tpu.memory_space<hbm>>) target(%arg15 : memref<64x128xf32, #tpu.memory_space<vmem>>) offsets(%arg7 : memref<64xi32, #tpu.memory_space<vmem>>) semaphore(%arg20 : memref<!tpu.dma_semaphore, #tpu.memory_space<semaphore_mem>>)
      } else {
      }
      %dma_wait3A_297 = arith.constant 0 : i32
      %dma_wait3A_298 = arith.constant 0 : i32
      %dma_wait3A_299 = tpu.memref_slice %arg2[%dma_wait3A_297, %dma_wait3A_298] : memref<10000x128xf32, #tpu.memory_space<hbm>> -> memref<10000x128xf32, #tpu.memory_space<hbm>>
      tpu.wait_indirect_dma semaphore(%arg21 : memref<!tpu.dma_semaphore, #tpu.memory_space<semaphore_mem>>) src(%dma_wait3A_299 : memref<10000x128xf32, #tpu.memory_space<hbm>>) dst(%arg16 : memref<64x128xf32, #tpu.memory_space<vmem>>)
      "tpu.region"() ({
        %run_scoped3A = tpu.sem_alloc : memref<!tpu.dma_semaphore, #tpu.memory_space<semaphore_mem>>
        %dma_start3A_327 = arith.constant 0 : i32
        %dma_start3A_328 = arith.constant 0 : i32
        %dma_start3A_329 = tpu.memref_slice %arg19[%dma_start3A_327, %dma_start3A_328] : memref<10112x128xf32, #tpu.memory_space<vmem_shared>> -> memref<10112x128xf32, #tpu.memory_space<vmem_shared>>
        tpu.enqueue_indirect_dma source(%arg16 : memref<64x128xf32, #tpu.memory_space<vmem>>) target(%dma_start3A_329 : memref<10112x128xf32, #tpu.memory_space<vmem_shared>>) offsets(%arg12 : memref<64xi32, #tpu.memory_space<vmem>>) semaphore(%run_scoped3A : memref<!tpu.dma_semaphore, #tpu.memory_space<semaphore_mem>>) {add = true}
        %dma_wait3A_330 = arith.constant 0 : i32
        %dma_wait3A_331 = arith.constant 0 : i32
        %dma_wait3A_332 = tpu.memref_slice %arg19[%dma_wait3A_330, %dma_wait3A_331] : memref<10112x128xf32, #tpu.memory_space<vmem_shared>> -> memref<10112x128xf32, #tpu.memory_space<vmem_shared>>
        tpu.wait_indirect_dma semaphore(%run_scoped3A : memref<!tpu.dma_semaphore, #tpu.memory_space<semaphore_mem>>) src(%arg16 : memref<64x128xf32, #tpu.memory_space<vmem>>) dst(%dma_wait3A_332 : memref<10112x128xf32, #tpu.memory_space<vmem_shared>>)
        tpu.yield
      }) : () -> ()
      %add3A_300 = arith.constant 1 : i32
      %add3A_301 = arith.addi %scan3A_288, %add3A_300 : i32
      %lt3A_302 = arith.constant 40 : i32
      %lt3A_303 = arith.cmpi slt, %add3A_301, %lt3A_302 : i32
      %convert_element_type3A_304 = arith.extui %lt3A_303 : i1 to i32
      %cond3A_305 = arith.constant 0 : i32
      %cond3A_306 = arith.cmpi ne, %convert_element_type3A_304, %cond3A_305 : i32
      scf.if %cond3A_306 {
        %add3A_327 = arith.constant 4 : i32
        %add3A_328 = arith.addi %mul3A_290, %add3A_327 : i32
        %add3A_329 = arith.constant 1 : i32
        %add3A_330 = arith.addi %add3A_328, %add3A_329 : i32
        %mul3A_331 = arith.constant 64 : i32
        %mul3A_332 = arith.muli %add3A_330, %mul3A_331 : i32
        %add3A_333 = arith.constant 0 : i32
        %add3A_334 = arith.addi %mul3A_332, %add3A_333 : i32
        %get3A_335 = arith.index_cast %add3A_334 : i32 to index
        %get3A_336 = tpu.vector_load %arg6[%get3A_335] {strides = array<i32>} : memref<10240xi32, #tpu.memory_space<vmem>>, vector<16xi32>,
        %get3A_337 = vector.shape_cast %get3A_336 : vector<16xi32> to vector<16xi32>
        %and3A_338 = arith.constant 16383 : i32
        %and3A_339 = vector.broadcast %and3A_338 : i32 to vector<16xi32>
        %and3A_340 = arith.andi %get3A_337, %and3A_339 : vector<16xi32>
        %swap3A_341 = arith.constant 0 : index
        %swap3A_342 = tpu.vector_load %arg8[%swap3A_341] {strides = array<i32>} : memref<64xi32, #tpu.memory_space<vmem>>, vector<16xi32>,
        %swap3A_343 = vector.shape_cast %swap3A_342 : vector<16xi32> to vector<16xi32>
        %swap3A_344 = vector.shape_cast %and3A_340 : vector<16xi32> to vector<16xi32>
        tpu.vector_store %arg8[%swap3A_341], %swap3A_344 {strides = array<i32>} : memref<64xi32, #tpu.memory_space<vmem>>, vector<16xi32>,
        %shift_right_logical3A_345 = arith.constant 14 : i32
        %shift_right_logical3A_346 = vector.broadcast %shift_right_logical3A_345 : i32 to vector<16xi32>
        %shift_right_logical3A_347 = arith.shrui %get3A_337, %shift_right_logical3A_346 : vector<16xi32>
        %swap3A_348 = arith.constant 0 : index
        %swap3A_349 = tpu.vector_load %arg12[%swap3A_348] {strides = array<i32>} : memref<64xi32, #tpu.memory_space<vmem>>, vector<16xi32>,
        %swap3A_350 = vector.shape_cast %swap3A_349 : vector<16xi32> to vector<16xi32>
        %swap3A_351 = vector.shape_cast %shift_right_logical3A_347 : vector<16xi32> to vector<16xi32>
        tpu.vector_store %arg12[%swap3A_348], %swap3A_351 {strides = array<i32>} : memref<64xi32, #tpu.memory_space<vmem>>, vector<16xi32>,
        %add3A_352 = arith.constant 16 : i32
        %add3A_353 = arith.addi %mul3A_332, %add3A_352 : i32
        %get3A_354 = arith.index_cast %add3A_353 : i32 to index
        %get3A_355 = tpu.vector_load %arg6[%get3A_354] {strides = array<i32>} : memref<10240xi32, #tpu.memory_space<vmem>>, vector<16xi32>,
        %get3A_356 = vector.shape_cast %get3A_355 : vector<16xi32> to vector<16xi32>
        %and3A_357 = arith.constant 16383 : i32
        %and3A_358 = vector.broadcast %and3A_357 : i32 to vector<16xi32>
        %and3A_359 = arith.andi %get3A_356, %and3A_358 : vector<16xi32>
        %swap3A_360 = arith.constant 16 : index
        %swap3A_361 = tpu.vector_load %arg8[%swap3A_360] {strides = array<i32>} : memref<64xi32, #tpu.memory_space<vmem>>, vector<16xi32>,
        %swap3A_362 = vector.shape_cast %swap3A_361 : vector<16xi32> to vector<16xi32>
        %swap3A_363 = vector.shape_cast %and3A_359 : vector<16xi32> to vector<16xi32>
        tpu.vector_store %arg8[%swap3A_360], %swap3A_363 {strides = array<i32>} : memref<64xi32, #tpu.memory_space<vmem>>, vector<16xi32>,
        %shift_right_logical3A_364 = arith.constant 14 : i32
        %shift_right_logical3A_365 = vector.broadcast %shift_right_logical3A_364 : i32 to vector<16xi32>
        %shift_right_logical3A_366 = arith.shrui %get3A_356, %shift_right_logical3A_365 : vector<16xi32>
        %swap3A_367 = arith.constant 16 : index
        %swap3A_368 = tpu.vector_load %arg12[%swap3A_367] {strides = array<i32>} : memref<64xi32, #tpu.memory_space<vmem>>, vector<16xi32>,
        %swap3A_369 = vector.shape_cast %swap3A_368 : vector<16xi32> to vector<16xi32>
        %swap3A_370 = vector.shape_cast %shift_right_logical3A_366 : vector<16xi32> to vector<16xi32>
        tpu.vector_store %arg12[%swap3A_367], %swap3A_370 {strides = array<i32>} : memref<64xi32, #tpu.memory_space<vmem>>, vector<16xi32>,
        %add3A_371 = arith.constant 32 : i32
        %add3A_372 = arith.addi %mul3A_332, %add3A_371 : i32
        %get3A_373 = arith.index_cast %add3A_372 : i32 to index
        %get3A_374 = tpu.vector_load %arg6[%get3A_373] {strides = array<i32>} : memref<10240xi32, #tpu.memory_space<vmem>>, vector<16xi32>,
        %get3A_375 = vector.shape_cast %get3A_374 : vector<16xi32> to vector<16xi32>
        %and3A_376 = arith.constant 16383 : i32
        %and3A_377 = vector.broadcast %and3A_376 : i32 to vector<16xi32>
        %and3A_378 = arith.andi %get3A_375, %and3A_377 : vector<16xi32>
        %swap3A_379 = arith.constant 32 : index
        %swap3A_380 = tpu.vector_load %arg8[%swap3A_379] {strides = array<i32>} : memref<64xi32, #tpu.memory_space<vmem>>, vector<16xi32>,
        %swap3A_381 = vector.shape_cast %swap3A_380 : vector<16xi32> to vector<16xi32>
        %swap3A_382 = vector.shape_cast %and3A_378 : vector<16xi32> to vector<16xi32>
        tpu.vector_store %arg8[%swap3A_379], %swap3A_382 {strides = array<i32>} : memref<64xi32, #tpu.memory_space<vmem>>, vector<16xi32>,
        %shift_right_logical3A_383 = arith.constant 14 : i32
        %shift_right_logical3A_384 = vector.broadcast %shift_right_logical3A_383 : i32 to vector<16xi32>
        %shift_right_logical3A_385 = arith.shrui %get3A_375, %shift_right_logical3A_384 : vector<16xi32>
        %swap3A_386 = arith.constant 32 : index
        %swap3A_387 = tpu.vector_load %arg12[%swap3A_386] {strides = array<i32>} : memref<64xi32, #tpu.memory_space<vmem>>, vector<16xi32>,
        %swap3A_388 = vector.shape_cast %swap3A_387 : vector<16xi32> to vector<16xi32>
        %swap3A_389 = vector.shape_cast %shift_right_logical3A_385 : vector<16xi32> to vector<16xi32>
        tpu.vector_store %arg12[%swap3A_386], %swap3A_389 {strides = array<i32>} : memref<64xi32, #tpu.memory_space<vmem>>, vector<16xi32>,
        %add3A_390 = arith.constant 48 : i32
        %add3A_391 = arith.addi %mul3A_332, %add3A_390 : i32
        %get3A_392 = arith.index_cast %add3A_391 : i32 to index
        %get3A_393 = tpu.vector_load %arg6[%get3A_392] {strides = array<i32>} : memref<10240xi32, #tpu.memory_space<vmem>>, vector<16xi32>,
        %get3A_394 = vector.shape_cast %get3A_393 : vector<16xi32> to vector<16xi32>
        %and3A_395 = arith.constant 16383 : i32
        %and3A_396 = vector.broadcast %and3A_395 : i32 to vector<16xi32>
        %and3A_397 = arith.andi %get3A_394, %and3A_396 : vector<16xi32>
        %swap3A_398 = arith.constant 48 : index
        %swap3A_399 = tpu.vector_load %arg8[%swap3A_398] {strides = array<i32>} : memref<64xi32, #tpu.memory_space<vmem>>, vector<16xi32>,
        %swap3A_400 = vector.shape_cast %swap3A_399 : vector<16xi32> to vector<16xi32>
        %swap3A_401 = vector.shape_cast %and3A_397 : vector<16xi32> to vector<16xi32>
        tpu.vector_store %arg8[%swap3A_398], %swap3A_401 {strides = array<i32>} : memref<64xi32, #tpu.memory_space<vmem>>, vector<16xi32>,
        %shift_right_logical3A_402 = arith.constant 14 : i32
        %shift_right_logical3A_403 = vector.broadcast %shift_right_logical3A_402 : i32 to vector<16xi32>
        %shift_right_logical3A_404 = arith.shrui %get3A_394, %shift_right_logical3A_403 : vector<16xi32>
        %swap3A_405 = arith.constant 48 : index
        %swap3A_406 = tpu.vector_load %arg12[%swap3A_405] {strides = array<i32>} : memref<64xi32, #tpu.memory_space<vmem>>, vector<16xi32>,
        %swap3A_407 = vector.shape_cast %swap3A_406 : vector<16xi32> to vector<16xi32>
        %swap3A_408 = vector.shape_cast %shift_right_logical3A_404 : vector<16xi32> to vector<16xi32>
        tpu.vector_store %arg12[%swap3A_405], %swap3A_408 {strides = array<i32>} : memref<64xi32, #tpu.memory_space<vmem>>, vector<16xi32>,
        %dma_start3A_409 = arith.constant 0 : i32
        %dma_start3A_410 = arith.constant 0 : i32
        %dma_start3A_411 = tpu.memref_slice %arg2[%dma_start3A_409, %dma_start3A_410] : memref<10000x128xf32, #tpu.memory_space<hbm>> -> memref<10000x128xf32, #tpu.memory_space<hbm>>
        tpu.enqueue_indirect_dma source(%dma_start3A_411 : memref<10000x128xf32, #tpu.memory_space<hbm>>) target(%arg16 : memref<64x128xf32, #tpu.memory_space<vmem>>) offsets(%arg8 : memref<64xi32, #tpu.memory_space<vmem>>) semaphore(%arg21 : memref<!tpu.dma_semaphore, #tpu.memory_space<semaphore_mem>>)
      } else {
      }
      %dma_wait3A_307 = arith.constant 0 : i32
      %dma_wait3A_308 = arith.constant 0 : i32
      %dma_wait3A_309 = tpu.memref_slice %arg2[%dma_wait3A_307, %dma_wait3A_308] : memref<10000x128xf32, #tpu.memory_space<hbm>> -> memref<10000x128xf32, #tpu.memory_space<hbm>>
      tpu.wait_indirect_dma semaphore(%arg22 : memref<!tpu.dma_semaphore, #tpu.memory_space<semaphore_mem>>) src(%dma_wait3A_309 : memref<10000x128xf32, #tpu.memory_space<hbm>>) dst(%arg17 : memref<64x128xf32, #tpu.memory_space<vmem>>)
      "tpu.region"() ({
        %run_scoped3A = tpu.sem_alloc : memref<!tpu.dma_semaphore, #tpu.memory_space<semaphore_mem>>
        %dma_start3A_327 = arith.constant 0 : i32
        %dma_start3A_328 = arith.constant 0 : i32
        %dma_start3A_329 = tpu.memref_slice %arg19[%dma_start3A_327, %dma_start3A_328] : memref<10112x128xf32, #tpu.memory_space<vmem_shared>> -> memref<10112x128xf32, #tpu.memory_space<vmem_shared>>
        tpu.enqueue_indirect_dma source(%arg17 : memref<64x128xf32, #tpu.memory_space<vmem>>) target(%dma_start3A_329 : memref<10112x128xf32, #tpu.memory_space<vmem_shared>>) offsets(%arg13 : memref<64xi32, #tpu.memory_space<vmem>>) semaphore(%run_scoped3A : memref<!tpu.dma_semaphore, #tpu.memory_space<semaphore_mem>>) {add = true}
        %dma_wait3A_330 = arith.constant 0 : i32
        %dma_wait3A_331 = arith.constant 0 : i32
        %dma_wait3A_332 = tpu.memref_slice %arg19[%dma_wait3A_330, %dma_wait3A_331] : memref<10112x128xf32, #tpu.memory_space<vmem_shared>> -> memref<10112x128xf32, #tpu.memory_space<vmem_shared>>
        tpu.wait_indirect_dma semaphore(%run_scoped3A : memref<!tpu.dma_semaphore, #tpu.memory_space<semaphore_mem>>) src(%arg17 : memref<64x128xf32, #tpu.memory_space<vmem>>) dst(%dma_wait3A_332 : memref<10112x128xf32, #tpu.memory_space<vmem_shared>>)
        tpu.yield
      }) : () -> ()
      %add3A_310 = arith.constant 1 : i32
      %add3A_311 = arith.addi %scan3A_288, %add3A_310 : i32
      %lt3A_312 = arith.constant 40 : i32
      %lt3A_313 = arith.cmpi slt, %add3A_311, %lt3A_312 : i32
      %convert_element_type3A_314 = arith.extui %lt3A_313 : i1 to i32
      %cond3A_315 = arith.constant 0 : i32
      %cond3A_316 = arith.cmpi ne, %convert_element_type3A_314, %cond3A_315 : i32
      scf.if %cond3A_316 {
        %add3A_327 = arith.constant 4 : i32
        %add3A_328 = arith.addi %mul3A_290, %add3A_327 : i32
        %add3A_329 = arith.constant 2 : i32
        %add3A_330 = arith.addi %add3A_328, %add3A_329 : i32
        %mul3A_331 = arith.constant 64 : i32
        %mul3A_332 = arith.muli %add3A_330, %mul3A_331 : i32
        %add3A_333 = arith.constant 0 : i32
        %add3A_334 = arith.addi %mul3A_332, %add3A_333 : i32
        %get3A_335 = arith.index_cast %add3A_334 : i32 to index
        %get3A_336 = tpu.vector_load %arg6[%get3A_335] {strides = array<i32>} : memref<10240xi32, #tpu.memory_space<vmem>>, vector<16xi32>,
        %get3A_337 = vector.shape_cast %get3A_336 : vector<16xi32> to vector<16xi32>
        %and3A_338 = arith.constant 16383 : i32
        %and3A_339 = vector.broadcast %and3A_338 : i32 to vector<16xi32>
        %and3A_340 = arith.andi %get3A_337, %and3A_339 : vector<16xi32>
        %swap3A_341 = arith.constant 0 : index
        %swap3A_342 = tpu.vector_load %arg9[%swap3A_341] {strides = array<i32>} : memref<64xi32, #tpu.memory_space<vmem>>, vector<16xi32>,
        %swap3A_343 = vector.shape_cast %swap3A_342 : vector<16xi32> to vector<16xi32>
        %swap3A_344 = vector.shape_cast %and3A_340 : vector<16xi32> to vector<16xi32>
        tpu.vector_store %arg9[%swap3A_341], %swap3A_344 {strides = array<i32>} : memref<64xi32, #tpu.memory_space<vmem>>, vector<16xi32>,
        %shift_right_logical3A_345 = arith.constant 14 : i32
        %shift_right_logical3A_346 = vector.broadcast %shift_right_logical3A_345 : i32 to vector<16xi32>
        %shift_right_logical3A_347 = arith.shrui %get3A_337, %shift_right_logical3A_346 : vector<16xi32>
        %swap3A_348 = arith.constant 0 : index
        %swap3A_349 = tpu.vector_load %arg13[%swap3A_348] {strides = array<i32>} : memref<64xi32, #tpu.memory_space<vmem>>, vector<16xi32>,
        %swap3A_350 = vector.shape_cast %swap3A_349 : vector<16xi32> to vector<16xi32>
        %swap3A_351 = vector.shape_cast %shift_right_logical3A_347 : vector<16xi32> to vector<16xi32>
        tpu.vector_store %arg13[%swap3A_348], %swap3A_351 {strides = array<i32>} : memref<64xi32, #tpu.memory_space<vmem>>, vector<16xi32>,
        %add3A_352 = arith.constant 16 : i32
        %add3A_353 = arith.addi %mul3A_332, %add3A_352 : i32
        %get3A_354 = arith.index_cast %add3A_353 : i32 to index
        %get3A_355 = tpu.vector_load %arg6[%get3A_354] {strides = array<i32>} : memref<10240xi32, #tpu.memory_space<vmem>>, vector<16xi32>,
        %get3A_356 = vector.shape_cast %get3A_355 : vector<16xi32> to vector<16xi32>
        %and3A_357 = arith.constant 16383 : i32
        %and3A_358 = vector.broadcast %and3A_357 : i32 to vector<16xi32>
        %and3A_359 = arith.andi %get3A_356, %and3A_358 : vector<16xi32>
        %swap3A_360 = arith.constant 16 : index
        %swap3A_361 = tpu.vector_load %arg9[%swap3A_360] {strides = array<i32>} : memref<64xi32, #tpu.memory_space<vmem>>, vector<16xi32>,
        %swap3A_362 = vector.shape_cast %swap3A_361 : vector<16xi32> to vector<16xi32>
        %swap3A_363 = vector.shape_cast %and3A_359 : vector<16xi32> to vector<16xi32>
        tpu.vector_store %arg9[%swap3A_360], %swap3A_363 {strides = array<i32>} : memref<64xi32, #tpu.memory_space<vmem>>, vector<16xi32>,
        %shift_right_logical3A_364 = arith.constant 14 : i32
        %shift_right_logical3A_365 = vector.broadcast %shift_right_logical3A_364 : i32 to vector<16xi32>
        %shift_right_logical3A_366 = arith.shrui %get3A_356, %shift_right_logical3A_365 : vector<16xi32>
        %swap3A_367 = arith.constant 16 : index
        %swap3A_368 = tpu.vector_load %arg13[%swap3A_367] {strides = array<i32>} : memref<64xi32, #tpu.memory_space<vmem>>, vector<16xi32>,
        %swap3A_369 = vector.shape_cast %swap3A_368 : vector<16xi32> to vector<16xi32>
        %swap3A_370 = vector.shape_cast %shift_right_logical3A_366 : vector<16xi32> to vector<16xi32>
        tpu.vector_store %arg13[%swap3A_367], %swap3A_370 {strides = array<i32>} : memref<64xi32, #tpu.memory_space<vmem>>, vector<16xi32>,
        %add3A_371 = arith.constant 32 : i32
        %add3A_372 = arith.addi %mul3A_332, %add3A_371 : i32
        %get3A_373 = arith.index_cast %add3A_372 : i32 to index
        %get3A_374 = tpu.vector_load %arg6[%get3A_373] {strides = array<i32>} : memref<10240xi32, #tpu.memory_space<vmem>>, vector<16xi32>,
        %get3A_375 = vector.shape_cast %get3A_374 : vector<16xi32> to vector<16xi32>
        %and3A_376 = arith.constant 16383 : i32
        %and3A_377 = vector.broadcast %and3A_376 : i32 to vector<16xi32>
        %and3A_378 = arith.andi %get3A_375, %and3A_377 : vector<16xi32>
        %swap3A_379 = arith.constant 32 : index
        %swap3A_380 = tpu.vector_load %arg9[%swap3A_379] {strides = array<i32>} : memref<64xi32, #tpu.memory_space<vmem>>, vector<16xi32>,
        %swap3A_381 = vector.shape_cast %swap3A_380 : vector<16xi32> to vector<16xi32>
        %swap3A_382 = vector.shape_cast %and3A_378 : vector<16xi32> to vector<16xi32>
        tpu.vector_store %arg9[%swap3A_379], %swap3A_382 {strides = array<i32>} : memref<64xi32, #tpu.memory_space<vmem>>, vector<16xi32>,
        %shift_right_logical3A_383 = arith.constant 14 : i32
        %shift_right_logical3A_384 = vector.broadcast %shift_right_logical3A_383 : i32 to vector<16xi32>
        %shift_right_logical3A_385 = arith.shrui %get3A_375, %shift_right_logical3A_384 : vector<16xi32>
        %swap3A_386 = arith.constant 32 : index
        %swap3A_387 = tpu.vector_load %arg13[%swap3A_386] {strides = array<i32>} : memref<64xi32, #tpu.memory_space<vmem>>, vector<16xi32>,
        %swap3A_388 = vector.shape_cast %swap3A_387 : vector<16xi32> to vector<16xi32>
        %swap3A_389 = vector.shape_cast %shift_right_logical3A_385 : vector<16xi32> to vector<16xi32>
        tpu.vector_store %arg13[%swap3A_386], %swap3A_389 {strides = array<i32>} : memref<64xi32, #tpu.memory_space<vmem>>, vector<16xi32>,
        %add3A_390 = arith.constant 48 : i32
        %add3A_391 = arith.addi %mul3A_332, %add3A_390 : i32
        %get3A_392 = arith.index_cast %add3A_391 : i32 to index
        %get3A_393 = tpu.vector_load %arg6[%get3A_392] {strides = array<i32>} : memref<10240xi32, #tpu.memory_space<vmem>>, vector<16xi32>,
        %get3A_394 = vector.shape_cast %get3A_393 : vector<16xi32> to vector<16xi32>
        %and3A_395 = arith.constant 16383 : i32
        %and3A_396 = vector.broadcast %and3A_395 : i32 to vector<16xi32>
        %and3A_397 = arith.andi %get3A_394, %and3A_396 : vector<16xi32>
        %swap3A_398 = arith.constant 48 : index
        %swap3A_399 = tpu.vector_load %arg9[%swap3A_398] {strides = array<i32>} : memref<64xi32, #tpu.memory_space<vmem>>, vector<16xi32>,
        %swap3A_400 = vector.shape_cast %swap3A_399 : vector<16xi32> to vector<16xi32>
        %swap3A_401 = vector.shape_cast %and3A_397 : vector<16xi32> to vector<16xi32>
        tpu.vector_store %arg9[%swap3A_398], %swap3A_401 {strides = array<i32>} : memref<64xi32, #tpu.memory_space<vmem>>, vector<16xi32>,
        %shift_right_logical3A_402 = arith.constant 14 : i32
        %shift_right_logical3A_403 = vector.broadcast %shift_right_logical3A_402 : i32 to vector<16xi32>
        %shift_right_logical3A_404 = arith.shrui %get3A_394, %shift_right_logical3A_403 : vector<16xi32>
        %swap3A_405 = arith.constant 48 : index
        %swap3A_406 = tpu.vector_load %arg13[%swap3A_405] {strides = array<i32>} : memref<64xi32, #tpu.memory_space<vmem>>, vector<16xi32>,
        %swap3A_407 = vector.shape_cast %swap3A_406 : vector<16xi32> to vector<16xi32>
        %swap3A_408 = vector.shape_cast %shift_right_logical3A_404 : vector<16xi32> to vector<16xi32>
        tpu.vector_store %arg13[%swap3A_405], %swap3A_408 {strides = array<i32>} : memref<64xi32, #tpu.memory_space<vmem>>, vector<16xi32>,
        %dma_start3A_409 = arith.constant 0 : i32
        %dma_start3A_410 = arith.constant 0 : i32
        %dma_start3A_411 = tpu.memref_slice %arg2[%dma_start3A_409, %dma_start3A_410] : memref<10000x128xf32, #tpu.memory_space<hbm>> -> memref<10000x128xf32, #tpu.memory_space<hbm>>
        tpu.enqueue_indirect_dma source(%dma_start3A_411 : memref<10000x128xf32, #tpu.memory_space<hbm>>) target(%arg17 : memref<64x128xf32, #tpu.memory_space<vmem>>) offsets(%arg9 : memref<64xi32, #tpu.memory_space<vmem>>) semaphore(%arg22 : memref<!tpu.dma_semaphore, #tpu.memory_space<semaphore_mem>>)
      } else {
      }
      %dma_wait3A_317 = arith.constant 0 : i32
      %dma_wait3A_318 = arith.constant 0 : i32
      %dma_wait3A_319 = tpu.memref_slice %arg2[%dma_wait3A_317, %dma_wait3A_318] : memref<10000x128xf32, #tpu.memory_space<hbm>> -> memref<10000x128xf32, #tpu.memory_space<hbm>>
      tpu.wait_indirect_dma semaphore(%arg23 : memref<!tpu.dma_semaphore, #tpu.memory_space<semaphore_mem>>) src(%dma_wait3A_319 : memref<10000x128xf32, #tpu.memory_space<hbm>>) dst(%arg18 : memref<64x128xf32, #tpu.memory_space<vmem>>)
      "tpu.region"() ({
        %run_scoped3A = tpu.sem_alloc : memref<!tpu.dma_semaphore, #tpu.memory_space<semaphore_mem>>
        %dma_start3A_327 = arith.constant 0 : i32
        %dma_start3A_328 = arith.constant 0 : i32
        %dma_start3A_329 = tpu.memref_slice %arg19[%dma_start3A_327, %dma_start3A_328] : memref<10112x128xf32, #tpu.memory_space<vmem_shared>> -> memref<10112x128xf32, #tpu.memory_space<vmem_shared>>
        tpu.enqueue_indirect_dma source(%arg18 : memref<64x128xf32, #tpu.memory_space<vmem>>) target(%dma_start3A_329 : memref<10112x128xf32, #tpu.memory_space<vmem_shared>>) offsets(%arg14 : memref<64xi32, #tpu.memory_space<vmem>>) semaphore(%run_scoped3A : memref<!tpu.dma_semaphore, #tpu.memory_space<semaphore_mem>>) {add = true}
        %dma_wait3A_330 = arith.constant 0 : i32
        %dma_wait3A_331 = arith.constant 0 : i32
        %dma_wait3A_332 = tpu.memref_slice %arg19[%dma_wait3A_330, %dma_wait3A_331] : memref<10112x128xf32, #tpu.memory_space<vmem_shared>> -> memref<10112x128xf32, #tpu.memory_space<vmem_shared>>
        tpu.wait_indirect_dma semaphore(%run_scoped3A : memref<!tpu.dma_semaphore, #tpu.memory_space<semaphore_mem>>) src(%arg18 : memref<64x128xf32, #tpu.memory_space<vmem>>) dst(%dma_wait3A_332 : memref<10112x128xf32, #tpu.memory_space<vmem_shared>>)
        tpu.yield
      }) : () -> ()
      %add3A_320 = arith.constant 1 : i32
      %add3A_321 = arith.addi %scan3A_288, %add3A_320 : i32
      %lt3A_322 = arith.constant 40 : i32
      %lt3A_323 = arith.cmpi slt, %add3A_321, %lt3A_322 : i32
      %convert_element_type3A_324 = arith.extui %lt3A_323 : i1 to i32
      %cond3A_325 = arith.constant 0 : i32
      %cond3A_326 = arith.cmpi ne, %convert_element_type3A_324, %cond3A_325 : i32
      scf.if %cond3A_326 {
        %add3A_327 = arith.constant 4 : i32
        %add3A_328 = arith.addi %mul3A_290, %add3A_327 : i32
        %add3A_329 = arith.constant 3 : i32
        %add3A_330 = arith.addi %add3A_328, %add3A_329 : i32
        %mul3A_331 = arith.constant 64 : i32
        %mul3A_332 = arith.muli %add3A_330, %mul3A_331 : i32
        %add3A_333 = arith.constant 0 : i32
        %add3A_334 = arith.addi %mul3A_332, %add3A_333 : i32
        %get3A_335 = arith.index_cast %add3A_334 : i32 to index
        %get3A_336 = tpu.vector_load %arg6[%get3A_335] {strides = array<i32>} : memref<10240xi32, #tpu.memory_space<vmem>>, vector<16xi32>,
        %get3A_337 = vector.shape_cast %get3A_336 : vector<16xi32> to vector<16xi32>
        %and3A_338 = arith.constant 16383 : i32
        %and3A_339 = vector.broadcast %and3A_338 : i32 to vector<16xi32>
        %and3A_340 = arith.andi %get3A_337, %and3A_339 : vector<16xi32>
        %swap3A_341 = arith.constant 0 : index
        %swap3A_342 = tpu.vector_load %arg10[%swap3A_341] {strides = array<i32>} : memref<64xi32, #tpu.memory_space<vmem>>, vector<16xi32>,
        %swap3A_343 = vector.shape_cast %swap3A_342 : vector<16xi32> to vector<16xi32>
        %swap3A_344 = vector.shape_cast %and3A_340 : vector<16xi32> to vector<16xi32>
        tpu.vector_store %arg10[%swap3A_341], %swap3A_344 {strides = array<i32>} : memref<64xi32, #tpu.memory_space<vmem>>, vector<16xi32>,
        %shift_right_logical3A_345 = arith.constant 14 : i32
        %shift_right_logical3A_346 = vector.broadcast %shift_right_logical3A_345 : i32 to vector<16xi32>
        %shift_right_logical3A_347 = arith.shrui %get3A_337, %shift_right_logical3A_346 : vector<16xi32>
        %swap3A_348 = arith.constant 0 : index
        %swap3A_349 = tpu.vector_load %arg14[%swap3A_348] {strides = array<i32>} : memref<64xi32, #tpu.memory_space<vmem>>, vector<16xi32>,
        %swap3A_350 = vector.shape_cast %swap3A_349 : vector<16xi32> to vector<16xi32>
        %swap3A_351 = vector.shape_cast %shift_right_logical3A_347 : vector<16xi32> to vector<16xi32>
        tpu.vector_store %arg14[%swap3A_348], %swap3A_351 {strides = array<i32>} : memref<64xi32, #tpu.memory_space<vmem>>, vector<16xi32>,
        %add3A_352 = arith.constant 16 : i32
        %add3A_353 = arith.addi %mul3A_332, %add3A_352 : i32
        %get3A_354 = arith.index_cast %add3A_353 : i32 to index
        %get3A_355 = tpu.vector_load %arg6[%get3A_354] {strides = array<i32>} : memref<10240xi32, #tpu.memory_space<vmem>>, vector<16xi32>,
        %get3A_356 = vector.shape_cast %get3A_355 : vector<16xi32> to vector<16xi32>
        %and3A_357 = arith.constant 16383 : i32
        %and3A_358 = vector.broadcast %and3A_357 : i32 to vector<16xi32>
        %and3A_359 = arith.andi %get3A_356, %and3A_358 : vector<16xi32>
        %swap3A_360 = arith.constant 16 : index
        %swap3A_361 = tpu.vector_load %arg10[%swap3A_360] {strides = array<i32>} : memref<64xi32, #tpu.memory_space<vmem>>, vector<16xi32>,
        %swap3A_362 = vector.shape_cast %swap3A_361 : vector<16xi32> to vector<16xi32>
        %swap3A_363 = vector.shape_cast %and3A_359 : vector<16xi32> to vector<16xi32>
        tpu.vector_store %arg10[%swap3A_360], %swap3A_363 {strides = array<i32>} : memref<64xi32, #tpu.memory_space<vmem>>, vector<16xi32>,
        %shift_right_logical3A_364 = arith.constant 14 : i32
        %shift_right_logical3A_365 = vector.broadcast %shift_right_logical3A_364 : i32 to vector<16xi32>
        %shift_right_logical3A_366 = arith.shrui %get3A_356, %shift_right_logical3A_365 : vector<16xi32>
        %swap3A_367 = arith.constant 16 : index
        %swap3A_368 = tpu.vector_load %arg14[%swap3A_367] {strides = array<i32>} : memref<64xi32, #tpu.memory_space<vmem>>, vector<16xi32>,
        %swap3A_369 = vector.shape_cast %swap3A_368 : vector<16xi32> to vector<16xi32>
        %swap3A_370 = vector.shape_cast %shift_right_logical3A_366 : vector<16xi32> to vector<16xi32>
        tpu.vector_store %arg14[%swap3A_367], %swap3A_370 {strides = array<i32>} : memref<64xi32, #tpu.memory_space<vmem>>, vector<16xi32>,
        %add3A_371 = arith.constant 32 : i32
        %add3A_372 = arith.addi %mul3A_332, %add3A_371 : i32
        %get3A_373 = arith.index_cast %add3A_372 : i32 to index
        %get3A_374 = tpu.vector_load %arg6[%get3A_373] {strides = array<i32>} : memref<10240xi32, #tpu.memory_space<vmem>>, vector<16xi32>,
        %get3A_375 = vector.shape_cast %get3A_374 : vector<16xi32> to vector<16xi32>
        %and3A_376 = arith.constant 16383 : i32
        %and3A_377 = vector.broadcast %and3A_376 : i32 to vector<16xi32>
        %and3A_378 = arith.andi %get3A_375, %and3A_377 : vector<16xi32>
        %swap3A_379 = arith.constant 32 : index
        %swap3A_380 = tpu.vector_load %arg10[%swap3A_379] {strides = array<i32>} : memref<64xi32, #tpu.memory_space<vmem>>, vector<16xi32>,
        %swap3A_381 = vector.shape_cast %swap3A_380 : vector<16xi32> to vector<16xi32>
        %swap3A_382 = vector.shape_cast %and3A_378 : vector<16xi32> to vector<16xi32>
        tpu.vector_store %arg10[%swap3A_379], %swap3A_382 {strides = array<i32>} : memref<64xi32, #tpu.memory_space<vmem>>, vector<16xi32>,
        %shift_right_logical3A_383 = arith.constant 14 : i32
        %shift_right_logical3A_384 = vector.broadcast %shift_right_logical3A_383 : i32 to vector<16xi32>
        %shift_right_logical3A_385 = arith.shrui %get3A_375, %shift_right_logical3A_384 : vector<16xi32>
        %swap3A_386 = arith.constant 32 : index
        %swap3A_387 = tpu.vector_load %arg14[%swap3A_386] {strides = array<i32>} : memref<64xi32, #tpu.memory_space<vmem>>, vector<16xi32>,
        %swap3A_388 = vector.shape_cast %swap3A_387 : vector<16xi32> to vector<16xi32>
        %swap3A_389 = vector.shape_cast %shift_right_logical3A_385 : vector<16xi32> to vector<16xi32>
        tpu.vector_store %arg14[%swap3A_386], %swap3A_389 {strides = array<i32>} : memref<64xi32, #tpu.memory_space<vmem>>, vector<16xi32>,
        %add3A_390 = arith.constant 48 : i32
        %add3A_391 = arith.addi %mul3A_332, %add3A_390 : i32
        %get3A_392 = arith.index_cast %add3A_391 : i32 to index
        %get3A_393 = tpu.vector_load %arg6[%get3A_392] {strides = array<i32>} : memref<10240xi32, #tpu.memory_space<vmem>>, vector<16xi32>,
        %get3A_394 = vector.shape_cast %get3A_393 : vector<16xi32> to vector<16xi32>
        %and3A_395 = arith.constant 16383 : i32
        %and3A_396 = vector.broadcast %and3A_395 : i32 to vector<16xi32>
        %and3A_397 = arith.andi %get3A_394, %and3A_396 : vector<16xi32>
        %swap3A_398 = arith.constant 48 : index
        %swap3A_399 = tpu.vector_load %arg10[%swap3A_398] {strides = array<i32>} : memref<64xi32, #tpu.memory_space<vmem>>, vector<16xi32>,
        %swap3A_400 = vector.shape_cast %swap3A_399 : vector<16xi32> to vector<16xi32>
        %swap3A_401 = vector.shape_cast %and3A_397 : vector<16xi32> to vector<16xi32>
        tpu.vector_store %arg10[%swap3A_398], %swap3A_401 {strides = array<i32>} : memref<64xi32, #tpu.memory_space<vmem>>, vector<16xi32>,
        %shift_right_logical3A_402 = arith.constant 14 : i32
        %shift_right_logical3A_403 = vector.broadcast %shift_right_logical3A_402 : i32 to vector<16xi32>
        %shift_right_logical3A_404 = arith.shrui %get3A_394, %shift_right_logical3A_403 : vector<16xi32>
        %swap3A_405 = arith.constant 48 : index
        %swap3A_406 = tpu.vector_load %arg14[%swap3A_405] {strides = array<i32>} : memref<64xi32, #tpu.memory_space<vmem>>, vector<16xi32>,
        %swap3A_407 = vector.shape_cast %swap3A_406 : vector<16xi32> to vector<16xi32>
        %swap3A_408 = vector.shape_cast %shift_right_logical3A_404 : vector<16xi32> to vector<16xi32>
        tpu.vector_store %arg14[%swap3A_405], %swap3A_408 {strides = array<i32>} : memref<64xi32, #tpu.memory_space<vmem>>, vector<16xi32>,
        %dma_start3A_409 = arith.constant 0 : i32
        %dma_start3A_410 = arith.constant 0 : i32
        %dma_start3A_411 = tpu.memref_slice %arg2[%dma_start3A_409, %dma_start3A_410] : memref<10000x128xf32, #tpu.memory_space<hbm>> -> memref<10000x128xf32, #tpu.memory_space<hbm>>
        tpu.enqueue_indirect_dma source(%dma_start3A_411 : memref<10000x128xf32, #tpu.memory_space<hbm>>) target(%arg18 : memref<64x128xf32, #tpu.memory_space<vmem>>) offsets(%arg10 : memref<64xi32, #tpu.memory_space<vmem>>) semaphore(%arg23 : memref<!tpu.dma_semaphore, #tpu.memory_space<semaphore_mem>>)
      } else {
      }
    }
    %scan3A_286 = arith.constant 40 : i32
    %barrier3A_287 = arith.constant 0 : index
    tpu.barrier barrier_id(%barrier3A_287)
    "tpu.region"() ({
      %run_scoped3A = tpu.sem_alloc : memref<!tpu.dma_semaphore, #tpu.memory_space<semaphore_mem>>
      %dma_start3A_288 = arith.constant 0 : i32
      %dma_start3A_289 = arith.constant 0 : i32
      %dma_start3A_290 = tpu.memref_slice %arg5[%arg0, %dma_start3A_288, %dma_start3A_289] : memref<2x10112x128xf32, #tpu.memory_space<hbm>> -> memref<1x10112x128xf32, #tpu.memory_space<hbm>>
      %dma_start3A_291 = tpu.memref_squeeze %dma_start3A_290 : memref<1x10112x128xf32, #tpu.memory_space<hbm>> -> memref<10112x128xf32, #tpu.memory_space<hbm>>
      %dma_start3A_292 = arith.constant 0 : i32
      %dma_start3A_293 = tpu.memref_slice %dma_start3A_291[%mul3A_2, %dma_start3A_292] : memref<10112x128xf32, #tpu.memory_space<hbm>> -> memref<632x128xf32, #tpu.memory_space<hbm>>
      %dma_start3A_294 = arith.constant 0 : i32
      %dma_start3A_295 = tpu.memref_slice %arg19[%mul3A_2, %dma_start3A_294] : memref<10112x128xf32, #tpu.memory_space<vmem_shared>> -> memref<632x128xf32, #tpu.memory_space<vmem_shared>>
      tpu.enqueue_dma source(%dma_start3A_295 : memref<632x128xf32, #tpu.memory_space<vmem_shared>>) target(%dma_start3A_293 : memref<632x128xf32, #tpu.memory_space<hbm>>) target_semaphore(%run_scoped3A : memref<!tpu.dma_semaphore, #tpu.memory_space<semaphore_mem>>)
      %dma_wait3A = arith.constant 0 : i32
      %dma_wait3A_296 = arith.constant 0 : i32
      %dma_wait3A_297 = tpu.memref_slice %arg5[%arg0, %dma_wait3A, %dma_wait3A_296] : memref<2x10112x128xf32, #tpu.memory_space<hbm>> -> memref<1x10112x128xf32, #tpu.memory_space<hbm>>
      %dma_wait3A_298 = tpu.memref_squeeze %dma_wait3A_297 : memref<1x10112x128xf32, #tpu.memory_space<hbm>> -> memref<10112x128xf32, #tpu.memory_space<hbm>>
      %dma_wait3A_299 = arith.constant 0 : i32
      %dma_wait3A_300 = tpu.memref_slice %dma_wait3A_298[%mul3A_2, %dma_wait3A_299] : memref<10112x128xf32, #tpu.memory_space<hbm>> -> memref<632x128xf32, #tpu.memory_space<hbm>>
      %dma_wait3A_301 = arith.constant 0 : i32
      %dma_wait3A_302 = tpu.memref_slice %arg19[%mul3A_2, %dma_wait3A_301] : memref<10112x128xf32, #tpu.memory_space<vmem_shared>> -> memref<632x128xf32, #tpu.memory_space<vmem_shared>>
      tpu.wait_dma2 semaphore(%run_scoped3A : memref<!tpu.dma_semaphore, #tpu.memory_space<semaphore_mem>>) src(%dma_wait3A_302 : memref<632x128xf32, #tpu.memory_space<vmem_shared>>) dst(%dma_wait3A_300 : memref<632x128xf32, #tpu.memory_space<hbm>>)
      tpu.yield
    }) : () -> ()
    return
  }
}

#map = affine_map<(d0, d1) -> (0, 0)>
#map1 = affine_map<(d0, d1) -> (0)>
module attributes {stable_mosaic.version = 14 : i64} {
  func.func @k(%arg0: i32, %arg1: i32, %arg2: memref<32x10240xi32, #tpu.memory_space<hbm>>, %arg3: memref<128xf32, #tpu.memory_space<hbm>>, %arg4: memref<768xf32, #tpu.memory_space<hbm>>, %arg5: memref<2x12288xf32, #tpu.memory_space<hbm>>, %arg6: memref<10240xi32, #tpu.memory_space<vmem>>, %arg7: memref<128xi32, #tpu.memory_space<vmem>>, %arg8: memref<128xf32, #tpu.memory_space<vmem>>, %arg9: memref<12288xf32, #tpu.memory_space<vmem_shared>>) attributes {dimension_semantics = [#tpu.dimension_semantics<core_parallel>, #tpu.dimension_semantics<subcore_parallel>], iteration_bounds = array<i64: 2, 16>, scalar_prefetch = 0 : i64, scratch_operands = 4 : i64, tpu.core_type = #tpu.core_type<sc_vector_subcore>, window_params = [{transform_indices = #map}, {transform_indices = #map1}, {transform_indices = #map1}, {transform_indices = #map}]} {
    %mul3A = arith.constant 2 : i32
    %mul3A_0 = arith.muli %arg1, %mul3A : i32
    %add3A = arith.addi %mul3A_0, %arg0 : i32
    %mul3A_1 = arith.constant 768 : i32
    %mul3A_2 = arith.muli %arg1, %mul3A_1 : i32
    "tpu.region"() ({
      %run_scoped3A = tpu.sem_alloc : memref<!tpu.dma_semaphore, #tpu.memory_space<semaphore_mem>>
      %dma_start3A = arith.constant 0 : i32
      %dma_start3A_9 = tpu.memref_slice %arg2[%add3A, %dma_start3A] : memref<32x10240xi32, #tpu.memory_space<hbm>> -> memref<1x10240xi32, #tpu.memory_space<hbm>>
      %dma_start3A_10 = tpu.memref_squeeze %dma_start3A_9 : memref<1x10240xi32, #tpu.memory_space<hbm>> -> memref<10240xi32, #tpu.memory_space<hbm>>
      %dma_start3A_11 = arith.constant 0 : i32
      %dma_start3A_12 = tpu.memref_slice %arg2[%add3A, %dma_start3A_11] : memref<32x10240xi32, #tpu.memory_space<hbm>> -> memref<1x10240xi32, #tpu.memory_space<hbm>>
      %dma_start3A_13 = tpu.memref_squeeze %dma_start3A_12 : memref<1x10240xi32, #tpu.memory_space<hbm>> -> memref<10240xi32, #tpu.memory_space<hbm>>
      tpu.enqueue_dma source(%dma_start3A_13 : memref<10240xi32, #tpu.memory_space<hbm>>) target(%arg6 : memref<10240xi32, #tpu.memory_space<vmem>>) target_semaphore(%run_scoped3A : memref<!tpu.dma_semaphore, #tpu.memory_space<semaphore_mem>>)
      %dma_wait3A = arith.constant 0 : i32
      %dma_wait3A_14 = tpu.memref_slice %arg2[%add3A, %dma_wait3A] : memref<32x10240xi32, #tpu.memory_space<hbm>> -> memref<1x10240xi32, #tpu.memory_space<hbm>>
      %dma_wait3A_15 = tpu.memref_squeeze %dma_wait3A_14 : memref<1x10240xi32, #tpu.memory_space<hbm>> -> memref<10240xi32, #tpu.memory_space<hbm>>
      %dma_wait3A_16 = arith.constant 0 : i32
      %dma_wait3A_17 = tpu.memref_slice %arg2[%add3A, %dma_wait3A_16] : memref<32x10240xi32, #tpu.memory_space<hbm>> -> memref<1x10240xi32, #tpu.memory_space<hbm>>
      %dma_wait3A_18 = tpu.memref_squeeze %dma_wait3A_17 : memref<1x10240xi32, #tpu.memory_space<hbm>> -> memref<10240xi32, #tpu.memory_space<hbm>>
      tpu.wait_dma2 semaphore(%run_scoped3A : memref<!tpu.dma_semaphore, #tpu.memory_space<semaphore_mem>>) src(%dma_wait3A_18 : memref<10240xi32, #tpu.memory_space<hbm>>) dst(%arg6 : memref<10240xi32, #tpu.memory_space<vmem>>)
      tpu.yield
    }) : () -> ()
    "tpu.region"() ({
      %run_scoped3A = tpu.sem_alloc : memref<!tpu.dma_semaphore, #tpu.memory_space<semaphore_mem>>
      tpu.enqueue_dma source(%arg3 : memref<128xf32, #tpu.memory_space<hbm>>) target(%arg8 : memref<128xf32, #tpu.memory_space<vmem>>) target_semaphore(%run_scoped3A : memref<!tpu.dma_semaphore, #tpu.memory_space<semaphore_mem>>)
      tpu.wait_dma2 semaphore(%run_scoped3A : memref<!tpu.dma_semaphore, #tpu.memory_space<semaphore_mem>>) src(%arg3 : memref<128xf32, #tpu.memory_space<hbm>>) dst(%arg8 : memref<128xf32, #tpu.memory_space<vmem>>)
      tpu.yield
    }) : () -> ()
    "tpu.region"() ({
      %run_scoped3A = tpu.sem_alloc : memref<!tpu.dma_semaphore, #tpu.memory_space<semaphore_mem>>
      %dma_start3A = tpu.memref_slice %arg9[%mul3A_2] : memref<12288xf32, #tpu.memory_space<vmem_shared>> -> memref<768xf32, #tpu.memory_space<vmem_shared>>
      tpu.enqueue_dma source(%arg4 : memref<768xf32, #tpu.memory_space<hbm>>) target(%dma_start3A : memref<768xf32, #tpu.memory_space<vmem_shared>>) target_semaphore(%run_scoped3A : memref<!tpu.dma_semaphore, #tpu.memory_space<semaphore_mem>>)
      %dma_wait3A = tpu.memref_slice %arg9[%mul3A_2] : memref<12288xf32, #tpu.memory_space<vmem_shared>> -> memref<768xf32, #tpu.memory_space<vmem_shared>>
      tpu.wait_dma2 semaphore(%run_scoped3A : memref<!tpu.dma_semaphore, #tpu.memory_space<semaphore_mem>>) src(%arg4 : memref<768xf32, #tpu.memory_space<hbm>>) dst(%dma_wait3A : memref<768xf32, #tpu.memory_space<vmem_shared>>)
      tpu.yield
    }) : () -> ()
    %barrier3A = arith.constant 0 : index
    tpu.barrier barrier_id(%barrier3A)
    %scan3A = arith.constant 0 : i32
    %scan3A_3 = arith.constant 0 : i32
    %scan3A_4 = arith.constant 80 : i32
    %scan3A_5 = arith.addi %scan3A_3, %scan3A_4 : i32
    %scan3A_6 = arith.constant 1 : i32
    scf.for %scan3A_9 = %scan3A_3 to %scan3A_5 step %scan3A_6  : i32 {
      %mul3A_10 = arith.constant 128 : i32
      %mul3A_11 = arith.muli %scan3A_9, %mul3A_10 : i32
      %add3A_12 = arith.constant 0 : i32
      %add3A_13 = arith.addi %mul3A_11, %add3A_12 : i32
      %get3A = arith.index_cast %add3A_13 : i32 to index
      %get3A_14 = tpu.vector_load %arg6[%get3A] {strides = array<i32>} : memref<10240xi32, #tpu.memory_space<vmem>>, vector<16xi32>,
      %get3A_15 = vector.shape_cast %get3A_14 : vector<16xi32> to vector<16xi32>
      %shift_right_logical3A = arith.constant 14 : i32
      %shift_right_logical3A_16 = vector.broadcast %shift_right_logical3A : i32 to vector<16xi32>
      %shift_right_logical3A_17 = arith.shrui %get3A_15, %shift_right_logical3A_16 : vector<16xi32>
      %swap3A = arith.constant 0 : index
      %swap3A_18 = tpu.vector_load %arg7[%swap3A] {strides = array<i32>} : memref<128xi32, #tpu.memory_space<vmem>>, vector<16xi32>,
      %swap3A_19 = vector.shape_cast %swap3A_18 : vector<16xi32> to vector<16xi32>
      %swap3A_20 = vector.shape_cast %shift_right_logical3A_17 : vector<16xi32> to vector<16xi32>
      tpu.vector_store %arg7[%swap3A], %swap3A_20 {strides = array<i32>} : memref<128xi32, #tpu.memory_space<vmem>>, vector<16xi32>,
      %add3A_21 = arith.constant 16 : i32
      %add3A_22 = arith.addi %mul3A_11, %add3A_21 : i32
      %get3A_23 = arith.index_cast %add3A_22 : i32 to index
      %get3A_24 = tpu.vector_load %arg6[%get3A_23] {strides = array<i32>} : memref<10240xi32, #tpu.memory_space<vmem>>, vector<16xi32>,
      %get3A_25 = vector.shape_cast %get3A_24 : vector<16xi32> to vector<16xi32>
      %shift_right_logical3A_26 = arith.constant 14 : i32
      %shift_right_logical3A_27 = vector.broadcast %shift_right_logical3A_26 : i32 to vector<16xi32>
      %shift_right_logical3A_28 = arith.shrui %get3A_25, %shift_right_logical3A_27 : vector<16xi32>
      %swap3A_29 = arith.constant 16 : index
      %swap3A_30 = tpu.vector_load %arg7[%swap3A_29] {strides = array<i32>} : memref<128xi32, #tpu.memory_space<vmem>>, vector<16xi32>,
      %swap3A_31 = vector.shape_cast %swap3A_30 : vector<16xi32> to vector<16xi32>
      %swap3A_32 = vector.shape_cast %shift_right_logical3A_28 : vector<16xi32> to vector<16xi32>
      tpu.vector_store %arg7[%swap3A_29], %swap3A_32 {strides = array<i32>} : memref<128xi32, #tpu.memory_space<vmem>>, vector<16xi32>,
      %add3A_33 = arith.constant 32 : i32
      %add3A_34 = arith.addi %mul3A_11, %add3A_33 : i32
      %get3A_35 = arith.index_cast %add3A_34 : i32 to index
      %get3A_36 = tpu.vector_load %arg6[%get3A_35] {strides = array<i32>} : memref<10240xi32, #tpu.memory_space<vmem>>, vector<16xi32>,
      %get3A_37 = vector.shape_cast %get3A_36 : vector<16xi32> to vector<16xi32>
      %shift_right_logical3A_38 = arith.constant 14 : i32
      %shift_right_logical3A_39 = vector.broadcast %shift_right_logical3A_38 : i32 to vector<16xi32>
      %shift_right_logical3A_40 = arith.shrui %get3A_37, %shift_right_logical3A_39 : vector<16xi32>
      %swap3A_41 = arith.constant 32 : index
      %swap3A_42 = tpu.vector_load %arg7[%swap3A_41] {strides = array<i32>} : memref<128xi32, #tpu.memory_space<vmem>>, vector<16xi32>,
      %swap3A_43 = vector.shape_cast %swap3A_42 : vector<16xi32> to vector<16xi32>
      %swap3A_44 = vector.shape_cast %shift_right_logical3A_40 : vector<16xi32> to vector<16xi32>
      tpu.vector_store %arg7[%swap3A_41], %swap3A_44 {strides = array<i32>} : memref<128xi32, #tpu.memory_space<vmem>>, vector<16xi32>,
      %add3A_45 = arith.constant 48 : i32
      %add3A_46 = arith.addi %mul3A_11, %add3A_45 : i32
      %get3A_47 = arith.index_cast %add3A_46 : i32 to index
      %get3A_48 = tpu.vector_load %arg6[%get3A_47] {strides = array<i32>} : memref<10240xi32, #tpu.memory_space<vmem>>, vector<16xi32>,
      %get3A_49 = vector.shape_cast %get3A_48 : vector<16xi32> to vector<16xi32>
      %shift_right_logical3A_50 = arith.constant 14 : i32
      %shift_right_logical3A_51 = vector.broadcast %shift_right_logical3A_50 : i32 to vector<16xi32>
      %shift_right_logical3A_52 = arith.shrui %get3A_49, %shift_right_logical3A_51 : vector<16xi32>
      %swap3A_53 = arith.constant 48 : index
      %swap3A_54 = tpu.vector_load %arg7[%swap3A_53] {strides = array<i32>} : memref<128xi32, #tpu.memory_space<vmem>>, vector<16xi32>,
      %swap3A_55 = vector.shape_cast %swap3A_54 : vector<16xi32> to vector<16xi32>
      %swap3A_56 = vector.shape_cast %shift_right_logical3A_52 : vector<16xi32> to vector<16xi32>
      tpu.vector_store %arg7[%swap3A_53], %swap3A_56 {strides = array<i32>} : memref<128xi32, #tpu.memory_space<vmem>>, vector<16xi32>,
      %add3A_57 = arith.constant 64 : i32
      %add3A_58 = arith.addi %mul3A_11, %add3A_57 : i32
      %get3A_59 = arith.index_cast %add3A_58 : i32 to index
      %get3A_60 = tpu.vector_load %arg6[%get3A_59] {strides = array<i32>} : memref<10240xi32, #tpu.memory_space<vmem>>, vector<16xi32>,
      %get3A_61 = vector.shape_cast %get3A_60 : vector<16xi32> to vector<16xi32>
      %shift_right_logical3A_62 = arith.constant 14 : i32
      %shift_right_logical3A_63 = vector.broadcast %shift_right_logical3A_62 : i32 to vector<16xi32>
      %shift_right_logical3A_64 = arith.shrui %get3A_61, %shift_right_logical3A_63 : vector<16xi32>
      %swap3A_65 = arith.constant 64 : index
      %swap3A_66 = tpu.vector_load %arg7[%swap3A_65] {strides = array<i32>} : memref<128xi32, #tpu.memory_space<vmem>>, vector<16xi32>,
      %swap3A_67 = vector.shape_cast %swap3A_66 : vector<16xi32> to vector<16xi32>
      %swap3A_68 = vector.shape_cast %shift_right_logical3A_64 : vector<16xi32> to vector<16xi32>
      tpu.vector_store %arg7[%swap3A_65], %swap3A_68 {strides = array<i32>} : memref<128xi32, #tpu.memory_space<vmem>>, vector<16xi32>,
      %add3A_69 = arith.constant 80 : i32
      %add3A_70 = arith.addi %mul3A_11, %add3A_69 : i32
      %get3A_71 = arith.index_cast %add3A_70 : i32 to index
      %get3A_72 = tpu.vector_load %arg6[%get3A_71] {strides = array<i32>} : memref<10240xi32, #tpu.memory_space<vmem>>, vector<16xi32>,
      %get3A_73 = vector.shape_cast %get3A_72 : vector<16xi32> to vector<16xi32>
      %shift_right_logical3A_74 = arith.constant 14 : i32
      %shift_right_logical3A_75 = vector.broadcast %shift_right_logical3A_74 : i32 to vector<16xi32>
      %shift_right_logical3A_76 = arith.shrui %get3A_73, %shift_right_logical3A_75 : vector<16xi32>
      %swap3A_77 = arith.constant 80 : index
      %swap3A_78 = tpu.vector_load %arg7[%swap3A_77] {strides = array<i32>} : memref<128xi32, #tpu.memory_space<vmem>>, vector<16xi32>,
      %swap3A_79 = vector.shape_cast %swap3A_78 : vector<16xi32> to vector<16xi32>
      %swap3A_80 = vector.shape_cast %shift_right_logical3A_76 : vector<16xi32> to vector<16xi32>
      tpu.vector_store %arg7[%swap3A_77], %swap3A_80 {strides = array<i32>} : memref<128xi32, #tpu.memory_space<vmem>>, vector<16xi32>,
      %add3A_81 = arith.constant 96 : i32
      %add3A_82 = arith.addi %mul3A_11, %add3A_81 : i32
      %get3A_83 = arith.index_cast %add3A_82 : i32 to index
      %get3A_84 = tpu.vector_load %arg6[%get3A_83] {strides = array<i32>} : memref<10240xi32, #tpu.memory_space<vmem>>, vector<16xi32>,
      %get3A_85 = vector.shape_cast %get3A_84 : vector<16xi32> to vector<16xi32>
      %shift_right_logical3A_86 = arith.constant 14 : i32
      %shift_right_logical3A_87 = vector.broadcast %shift_right_logical3A_86 : i32 to vector<16xi32>
      %shift_right_logical3A_88 = arith.shrui %get3A_85, %shift_right_logical3A_87 : vector<16xi32>
      %swap3A_89 = arith.constant 96 : index
      %swap3A_90 = tpu.vector_load %arg7[%swap3A_89] {strides = array<i32>} : memref<128xi32, #tpu.memory_space<vmem>>, vector<16xi32>,
      %swap3A_91 = vector.shape_cast %swap3A_90 : vector<16xi32> to vector<16xi32>
      %swap3A_92 = vector.shape_cast %shift_right_logical3A_88 : vector<16xi32> to vector<16xi32>
      tpu.vector_store %arg7[%swap3A_89], %swap3A_92 {strides = array<i32>} : memref<128xi32, #tpu.memory_space<vmem>>, vector<16xi32>,
      %add3A_93 = arith.constant 112 : i32
      %add3A_94 = arith.addi %mul3A_11, %add3A_93 : i32
      %get3A_95 = arith.index_cast %add3A_94 : i32 to index
      %get3A_96 = tpu.vector_load %arg6[%get3A_95] {strides = array<i32>} : memref<10240xi32, #tpu.memory_space<vmem>>, vector<16xi32>,
      %get3A_97 = vector.shape_cast %get3A_96 : vector<16xi32> to vector<16xi32>
      %shift_right_logical3A_98 = arith.constant 14 : i32
      %shift_right_logical3A_99 = vector.broadcast %shift_right_logical3A_98 : i32 to vector<16xi32>
      %shift_right_logical3A_100 = arith.shrui %get3A_97, %shift_right_logical3A_99 : vector<16xi32>
      %swap3A_101 = arith.constant 112 : index
      %swap3A_102 = tpu.vector_load %arg7[%swap3A_101] {strides = array<i32>} : memref<128xi32, #tpu.memory_space<vmem>>, vector<16xi32>,
      %swap3A_103 = vector.shape_cast %swap3A_102 : vector<16xi32> to vector<16xi32>
      %swap3A_104 = vector.shape_cast %shift_right_logical3A_100 : vector<16xi32> to vector<16xi32>
      tpu.vector_store %arg7[%swap3A_101], %swap3A_104 {strides = array<i32>} : memref<128xi32, #tpu.memory_space<vmem>>, vector<16xi32>,
      "tpu.region"() ({
        %run_scoped3A = tpu.sem_alloc : memref<!tpu.dma_semaphore, #tpu.memory_space<semaphore_mem>>
        %dma_start3A = arith.constant 0 : i32
        %dma_start3A_105 = tpu.memref_slice %arg9[%dma_start3A] : memref<12288xf32, #tpu.memory_space<vmem_shared>> -> memref<12288xf32, #tpu.memory_space<vmem_shared>>
        tpu.enqueue_indirect_dma source(%arg8 : memref<128xf32, #tpu.memory_space<vmem>>) target(%dma_start3A_105 : memref<12288xf32, #tpu.memory_space<vmem_shared>>) offsets(%arg7 : memref<128xi32, #tpu.memory_space<vmem>>) semaphore(%run_scoped3A : memref<!tpu.dma_semaphore, #tpu.memory_space<semaphore_mem>>) {add = true}
        %dma_wait3A = arith.constant 0 : i32
        %dma_wait3A_106 = tpu.memref_slice %arg9[%dma_wait3A] : memref<12288xf32, #tpu.memory_space<vmem_shared>> -> memref<12288xf32, #tpu.memory_space<vmem_shared>>
        tpu.wait_indirect_dma semaphore(%run_scoped3A : memref<!tpu.dma_semaphore, #tpu.memory_space<semaphore_mem>>) src(%arg8 : memref<128xf32, #tpu.memory_space<vmem>>) dst(%dma_wait3A_106 : memref<12288xf32, #tpu.memory_space<vmem_shared>>)
        tpu.yield
      }) : () -> ()
    }
    %scan3A_7 = arith.constant 80 : i32
    %barrier3A_8 = arith.constant 0 : index
    tpu.barrier barrier_id(%barrier3A_8)
    "tpu.region"() ({
      %run_scoped3A = tpu.sem_alloc : memref<!tpu.dma_semaphore, #tpu.memory_space<semaphore_mem>>
      %dma_start3A = arith.constant 0 : i32
      %dma_start3A_9 = tpu.memref_slice %arg5[%arg0, %dma_start3A] : memref<2x12288xf32, #tpu.memory_space<hbm>> -> memref<1x12288xf32, #tpu.memory_space<hbm>>
      %dma_start3A_10 = tpu.memref_squeeze %dma_start3A_9 : memref<1x12288xf32, #tpu.memory_space<hbm>> -> memref<12288xf32, #tpu.memory_space<hbm>>
      %dma_start3A_11 = tpu.memref_slice %dma_start3A_10[%mul3A_2] : memref<12288xf32, #tpu.memory_space<hbm>> -> memref<768xf32, #tpu.memory_space<hbm>>
      %dma_start3A_12 = tpu.memref_slice %arg9[%mul3A_2] : memref<12288xf32, #tpu.memory_space<vmem_shared>> -> memref<768xf32, #tpu.memory_space<vmem_shared>>
      tpu.enqueue_dma source(%dma_start3A_12 : memref<768xf32, #tpu.memory_space<vmem_shared>>) target(%dma_start3A_11 : memref<768xf32, #tpu.memory_space<hbm>>) target_semaphore(%run_scoped3A : memref<!tpu.dma_semaphore, #tpu.memory_space<semaphore_mem>>)
      %dma_wait3A = arith.constant 0 : i32
      %dma_wait3A_13 = tpu.memref_slice %arg5[%arg0, %dma_wait3A] : memref<2x12288xf32, #tpu.memory_space<hbm>> -> memref<1x12288xf32, #tpu.memory_space<hbm>>
      %dma_wait3A_14 = tpu.memref_squeeze %dma_wait3A_13 : memref<1x12288xf32, #tpu.memory_space<hbm>> -> memref<12288xf32, #tpu.memory_space<hbm>>
      %dma_wait3A_15 = tpu.memref_slice %dma_wait3A_14[%mul3A_2] : memref<12288xf32, #tpu.memory_space<hbm>> -> memref<768xf32, #tpu.memory_space<hbm>>
      %dma_wait3A_16 = tpu.memref_slice %arg9[%mul3A_2] : memref<12288xf32, #tpu.memory_space<vmem_shared>> -> memref<768xf32, #tpu.memory_space<vmem_shared>>
      tpu.wait_dma2 semaphore(%run_scoped3A : memref<!tpu.dma_semaphore, #tpu.memory_space<semaphore_mem>>) src(%dma_wait3A_16 : memref<768xf32, #tpu.memory_space<vmem_shared>>) dst(%dma_wait3A_15 : memref<768xf32, #tpu.memory_space<hbm>>)
      tpu.yield
    }) : () -> ()
    return
  }
}

#map = affine_map<(d0, d1) -> (0, 0)>
#map1 = affine_map<(d0, d1) -> (0, 0, 0)>
module attributes {stable_mosaic.version = 14 : i64} {
  func.func @k(%arg0: i32, %arg1: i32, %arg2: memref<10000x128xf32, #tpu.memory_space<hbm>>, %arg3: memref<32x10240xi32, #tpu.memory_space<hbm>>, %arg4: memref<632x128xf32, #tpu.memory_space<hbm>>, %arg5: memref<2x10112x128xf32, #tpu.memory_space<hbm>>, %arg6: memref<10240xi32, #tpu.memory_space<vmem>>, %arg7: memref<64xi32, #tpu.memory_space<vmem>>, %arg8: memref<64xi32, #tpu.memory_space<vmem>>, %arg9: memref<64xi32, #tpu.memory_space<vmem>>, %arg10: memref<64xi32, #tpu.memory_space<vmem>>, %arg11: memref<64xi32, #tpu.memory_space<vmem>>, %arg12: memref<64xi32, #tpu.memory_space<vmem>>, %arg13: memref<64xi32, #tpu.memory_space<vmem>>, %arg14: memref<64xi32, #tpu.memory_space<vmem>>, %arg15: memref<64x128xf32, #tpu.memory_space<vmem>>, %arg16: memref<64x128xf32, #tpu.memory_space<vmem>>, %arg17: memref<64x128xf32, #tpu.memory_space<vmem>>, %arg18: memref<64x128xf32, #tpu.memory_space<vmem>>, %arg19: memref<10112x128xf32, #tpu.memory_space<vmem_shared>>, %arg20: memref<!tpu.dma_semaphore, #tpu.memory_space<semaphore_mem>>, %arg21: memref<!tpu.dma_semaphore, #tpu.memory_space<semaphore_mem>>, %arg22: memref<!tpu.dma_semaphore, #tpu.memory_space<semaphore_mem>>, %arg23: memref<!tpu.dma_semaphore, #tpu.memory_space<semaphore_mem>>) attributes {dimension_semantics = [#tpu.dimension_semantics<core_parallel>, #tpu.dimension_semantics<subcore_parallel>], iteration_bounds = array<i64: 2, 16>, scalar_prefetch = 0 : i64, scratch_operands = 18 : i64, tpu.core_type = #tpu.core_type<sc_vector_subcore>, window_params = [{transform_indices = #map}, {transform_indices = #map}, {transform_indices = #map}, {transform_indices = #map1}]} {
    %mul3A = arith.constant 2 : i32
    %mul3A_0 = arith.muli %arg1, %mul3A : i32
    %add3A = arith.addi %mul3A_0, %arg0 : i32
    %mul3A_1 = arith.constant 632 : i32
    %mul3A_2 = arith.muli %arg1, %mul3A_1 : i32
    "tpu.region"() ({
      %run_scoped3A = tpu.sem_alloc : memref<!tpu.dma_semaphore, #tpu.memory_space<semaphore_mem>>
      %dma_start3A_288 = arith.constant 0 : i32
      %dma_start3A_289 = tpu.memref_slice %arg3[%add3A, %dma_start3A_288] : memref<32x10240xi32, #tpu.memory_space<hbm>> -> memref<1x10240xi32, #tpu.memory_space<hbm>>
      %dma_start3A_290 = tpu.memref_squeeze %dma_start3A_289 : memref<1x10240xi32, #tpu.memory_space<hbm>> -> memref<10240xi32, #tpu.memory_space<hbm>>
      %dma_start3A_291 = arith.constant 0 : i32
      %dma_start3A_292 = tpu.memref_slice %arg3[%add3A, %dma_start3A_291] : memref<32x10240xi32, #tpu.memory_space<hbm>> -> memref<1x10240xi32, #tpu.memory_space<hbm>>
      %dma_start3A_293 = tpu.memref_squeeze %dma_start3A_292 : memref<1x10240xi32, #tpu.memory_space<hbm>> -> memref<10240xi32, #tpu.memory_space<hbm>>
      tpu.enqueue_dma source(%dma_start3A_293 : memref<10240xi32, #tpu.memory_space<hbm>>) target(%arg6 : memref<10240xi32, #tpu.memory_space<vmem>>) target_semaphore(%run_scoped3A : memref<!tpu.dma_semaphore, #tpu.memory_space<semaphore_mem>>)
      %dma_wait3A = arith.constant 0 : i32
      %dma_wait3A_294 = tpu.memref_slice %arg3[%add3A, %dma_wait3A] : memref<32x10240xi32, #tpu.memory_space<hbm>> -> memref<1x10240xi32, #tpu.memory_space<hbm>>
      %dma_wait3A_295 = tpu.memref_squeeze %dma_wait3A_294 : memref<1x10240xi32, #tpu.memory_space<hbm>> -> memref<10240xi32, #tpu.memory_space<hbm>>
      %dma_wait3A_296 = arith.constant 0 : i32
      %dma_wait3A_297 = tpu.memref_slice %arg3[%add3A, %dma_wait3A_296] : memref<32x10240xi32, #tpu.memory_space<hbm>> -> memref<1x10240xi32, #tpu.memory_space<hbm>>
      %dma_wait3A_298 = tpu.memref_squeeze %dma_wait3A_297 : memref<1x10240xi32, #tpu.memory_space<hbm>> -> memref<10240xi32, #tpu.memory_space<hbm>>
      tpu.wait_dma2 semaphore(%run_scoped3A : memref<!tpu.dma_semaphore, #tpu.memory_space<semaphore_mem>>) src(%dma_wait3A_298 : memref<10240xi32, #tpu.memory_space<hbm>>) dst(%arg6 : memref<10240xi32, #tpu.memory_space<vmem>>)
      tpu.yield
    }) : () -> ()
    "tpu.region"() ({
      %run_scoped3A = tpu.sem_alloc : memref<!tpu.dma_semaphore, #tpu.memory_space<semaphore_mem>>
      %dma_start3A_288 = arith.constant 0 : i32
      %dma_start3A_289 = tpu.memref_slice %arg19[%mul3A_2, %dma_start3A_288] : memref<10112x128xf32, #tpu.memory_space<vmem_shared>> -> memref<632x128xf32, #tpu.memory_space<vmem_shared>>
      tpu.enqueue_dma source(%arg4 : memref<632x128xf32, #tpu.memory_space<hbm>>) target(%dma_start3A_289 : memref<632x128xf32, #tpu.memory_space<vmem_shared>>) target_semaphore(%run_scoped3A : memref<!tpu.dma_semaphore, #tpu.memory_space<semaphore_mem>>)
      %dma_wait3A = arith.constant 0 : i32
      %dma_wait3A_290 = tpu.memref_slice %arg19[%mul3A_2, %dma_wait3A] : memref<10112x128xf32, #tpu.memory_space<vmem_shared>> -> memref<632x128xf32, #tpu.memory_space<vmem_shared>>
      tpu.wait_dma2 semaphore(%run_scoped3A : memref<!tpu.dma_semaphore, #tpu.memory_space<semaphore_mem>>) src(%arg4 : memref<632x128xf32, #tpu.memory_space<hbm>>) dst(%dma_wait3A_290 : memref<632x128xf32, #tpu.memory_space<vmem_shared>>)
      tpu.yield
    }) : () -> ()
    %barrier3A = arith.constant 0 : index
    tpu.barrier barrier_id(%barrier3A)
    %get3A = arith.constant 0 : index
    %get3A_3 = tpu.vector_load %arg6[%get3A] {strides = array<i32>} : memref<10240xi32, #tpu.memory_space<vmem>>, vector<16xi32>,
    %get3A_4 = vector.shape_cast %get3A_3 : vector<16xi32> to vector<16xi32>
    %and3A = arith.constant 16383 : i32
    %and3A_5 = vector.broadcast %and3A : i32 to vector<16xi32>
    %and3A_6 = arith.andi %get3A_4, %and3A_5 : vector<16xi32>
    %swap3A = arith.constant 0 : index
    %swap3A_7 = tpu.vector_load %arg7[%swap3A] {strides = array<i32>} : memref<64xi32, #tpu.memory_space<vmem>>, vector<16xi32>,
    %swap3A_8 = vector.shape_cast %swap3A_7 : vector<16xi32> to vector<16xi32>
    %swap3A_9 = vector.shape_cast %and3A_6 : vector<16xi32> to vector<16xi32>
    tpu.vector_store %arg7[%swap3A], %swap3A_9 {strides = array<i32>} : memref<64xi32, #tpu.memory_space<vmem>>, vector<16xi32>,
    %shift_right_logical3A = arith.constant 14 : i32
    %shift_right_logical3A_10 = vector.broadcast %shift_right_logical3A : i32 to vector<16xi32>
    %shift_right_logical3A_11 = arith.shrui %get3A_4, %shift_right_logical3A_10 : vector<16xi32>
    %swap3A_12 = arith.constant 0 : index
    %swap3A_13 = tpu.vector_load %arg11[%swap3A_12] {strides = array<i32>} : memref<64xi32, #tpu.memory_space<vmem>>, vector<16xi32>,
    %swap3A_14 = vector.shape_cast %swap3A_13 : vector<16xi32> to vector<16xi32>
    %swap3A_15 = vector.shape_cast %shift_right_logical3A_11 : vector<16xi32> to vector<16xi32>
    tpu.vector_store %arg11[%swap3A_12], %swap3A_15 {strides = array<i32>} : memref<64xi32, #tpu.memory_space<vmem>>, vector<16xi32>,
    %get3A_16 = arith.constant 16 : index
    %get3A_17 = tpu.vector_load %arg6[%get3A_16] {strides = array<i32>} : memref<10240xi32, #tpu.memory_space<vmem>>, vector<16xi32>,
    %get3A_18 = vector.shape_cast %get3A_17 : vector<16xi32> to vector<16xi32>
    %and3A_19 = arith.constant 16383 : i32
    %and3A_20 = vector.broadcast %and3A_19 : i32 to vector<16xi32>
    %and3A_21 = arith.andi %get3A_18, %and3A_20 : vector<16xi32>
    %swap3A_22 = arith.constant 16 : index
    %swap3A_23 = tpu.vector_load %arg7[%swap3A_22] {strides = array<i32>} : memref<64xi32, #tpu.memory_space<vmem>>, vector<16xi32>,
    %swap3A_24 = vector.shape_cast %swap3A_23 : vector<16xi32> to vector<16xi32>
    %swap3A_25 = vector.shape_cast %and3A_21 : vector<16xi32> to vector<16xi32>
    tpu.vector_store %arg7[%swap3A_22], %swap3A_25 {strides = array<i32>} : memref<64xi32, #tpu.memory_space<vmem>>, vector<16xi32>,
    %shift_right_logical3A_26 = arith.constant 14 : i32
    %shift_right_logical3A_27 = vector.broadcast %shift_right_logical3A_26 : i32 to vector<16xi32>
    %shift_right_logical3A_28 = arith.shrui %get3A_18, %shift_right_logical3A_27 : vector<16xi32>
    %swap3A_29 = arith.constant 16 : index
    %swap3A_30 = tpu.vector_load %arg11[%swap3A_29] {strides = array<i32>} : memref<64xi32, #tpu.memory_space<vmem>>, vector<16xi32>,
    %swap3A_31 = vector.shape_cast %swap3A_30 : vector<16xi32> to vector<16xi32>
    %swap3A_32 = vector.shape_cast %shift_right_logical3A_28 : vector<16xi32> to vector<16xi32>
    tpu.vector_store %arg11[%swap3A_29], %swap3A_32 {strides = array<i32>} : memref<64xi32, #tpu.memory_space<vmem>>, vector<16xi32>,
    %get3A_33 = arith.constant 32 : index
    %get3A_34 = tpu.vector_load %arg6[%get3A_33] {strides = array<i32>} : memref<10240xi32, #tpu.memory_space<vmem>>, vector<16xi32>,
    %get3A_35 = vector.shape_cast %get3A_34 : vector<16xi32> to vector<16xi32>
    %and3A_36 = arith.constant 16383 : i32
    %and3A_37 = vector.broadcast %and3A_36 : i32 to vector<16xi32>
    %and3A_38 = arith.andi %get3A_35, %and3A_37 : vector<16xi32>
    %swap3A_39 = arith.constant 32 : index
    %swap3A_40 = tpu.vector_load %arg7[%swap3A_39] {strides = array<i32>} : memref<64xi32, #tpu.memory_space<vmem>>, vector<16xi32>,
    %swap3A_41 = vector.shape_cast %swap3A_40 : vector<16xi32> to vector<16xi32>
    %swap3A_42 = vector.shape_cast %and3A_38 : vector<16xi32> to vector<16xi32>
    tpu.vector_store %arg7[%swap3A_39], %swap3A_42 {strides = array<i32>} : memref<64xi32, #tpu.memory_space<vmem>>, vector<16xi32>,
    %shift_right_logical3A_43 = arith.constant 14 : i32
    %shift_right_logical3A_44 = vector.broadcast %shift_right_logical3A_43 : i32 to vector<16xi32>
    %shift_right_logical3A_45 = arith.shrui %get3A_35, %shift_right_logical3A_44 : vector<16xi32>
    %swap3A_46 = arith.constant 32 : index
    %swap3A_47 = tpu.vector_load %arg11[%swap3A_46] {strides = array<i32>} : memref<64xi32, #tpu.memory_space<vmem>>, vector<16xi32>,
    %swap3A_48 = vector.shape_cast %swap3A_47 : vector<16xi32> to vector<16xi32>
    %swap3A_49 = vector.shape_cast %shift_right_logical3A_45 : vector<16xi32> to vector<16xi32>
    tpu.vector_store %arg11[%swap3A_46], %swap3A_49 {strides = array<i32>} : memref<64xi32, #tpu.memory_space<vmem>>, vector<16xi32>,
    %get3A_50 = arith.constant 48 : index
    %get3A_51 = tpu.vector_load %arg6[%get3A_50] {strides = array<i32>} : memref<10240xi32, #tpu.memory_space<vmem>>, vector<16xi32>,
    %get3A_52 = vector.shape_cast %get3A_51 : vector<16xi32> to vector<16xi32>
    %and3A_53 = arith.constant 16383 : i32
    %and3A_54 = vector.broadcast %and3A_53 : i32 to vector<16xi32>
    %and3A_55 = arith.andi %get3A_52, %and3A_54 : vector<16xi32>
    %swap3A_56 = arith.constant 48 : index
    %swap3A_57 = tpu.vector_load %arg7[%swap3A_56] {strides = array<i32>} : memref<64xi32, #tpu.memory_space<vmem>>, vector<16xi32>,
    %swap3A_58 = vector.shape_cast %swap3A_57 : vector<16xi32> to vector<16xi32>
    %swap3A_59 = vector.shape_cast %and3A_55 : vector<16xi32> to vector<16xi32>
    tpu.vector_store %arg7[%swap3A_56], %swap3A_59 {strides = array<i32>} : memref<64xi32, #tpu.memory_space<vmem>>, vector<16xi32>,
    %shift_right_logical3A_60 = arith.constant 14 : i32
    %shift_right_logical3A_61 = vector.broadcast %shift_right_logical3A_60 : i32 to vector<16xi32>
    %shift_right_logical3A_62 = arith.shrui %get3A_52, %shift_right_logical3A_61 : vector<16xi32>
    %swap3A_63 = arith.constant 48 : index
    %swap3A_64 = tpu.vector_load %arg11[%swap3A_63] {strides = array<i32>} : memref<64xi32, #tpu.memory_space<vmem>>, vector<16xi32>,
    %swap3A_65 = vector.shape_cast %swap3A_64 : vector<16xi32> to vector<16xi32>
    %swap3A_66 = vector.shape_cast %shift_right_logical3A_62 : vector<16xi32> to vector<16xi32>
    tpu.vector_store %arg11[%swap3A_63], %swap3A_66 {strides = array<i32>} : memref<64xi32, #tpu.memory_space<vmem>>, vector<16xi32>,
    %dma_start3A = arith.constant 0 : i32
    %dma_start3A_67 = arith.constant 0 : i32
    %dma_start3A_68 = tpu.memref_slice %arg2[%dma_start3A, %dma_start3A_67] : memref<10000x128xf32, #tpu.memory_space<hbm>> -> memref<10000x128xf32, #tpu.memory_space<hbm>>
    tpu.enqueue_indirect_dma source(%dma_start3A_68 : memref<10000x128xf32, #tpu.memory_space<hbm>>) target(%arg15 : memref<64x128xf32, #tpu.memory_space<vmem>>) offsets(%arg7 : memref<64xi32, #tpu.memory_space<vmem>>) semaphore(%arg20 : memref<!tpu.dma_semaphore, #tpu.memory_space<semaphore_mem>>)
    %get3A_69 = arith.constant 64 : index
    %get3A_70 = tpu.vector_load %arg6[%get3A_69] {strides = array<i32>} : memref<10240xi32, #tpu.memory_space<vmem>>, vector<16xi32>,
    %get3A_71 = vector.shape_cast %get3A_70 : vector<16xi32> to vector<16xi32>
    %and3A_72 = arith.constant 16383 : i32
    %and3A_73 = vector.broadcast %and3A_72 : i32 to vector<16xi32>
    %and3A_74 = arith.andi %get3A_71, %and3A_73 : vector<16xi32>
    %swap3A_75 = arith.constant 0 : index
    %swap3A_76 = tpu.vector_load %arg8[%swap3A_75] {strides = array<i32>} : memref<64xi32, #tpu.memory_space<vmem>>, vector<16xi32>,
    %swap3A_77 = vector.shape_cast %swap3A_76 : vector<16xi32> to vector<16xi32>
    %swap3A_78 = vector.shape_cast %and3A_74 : vector<16xi32> to vector<16xi32>
    tpu.vector_store %arg8[%swap3A_75], %swap3A_78 {strides = array<i32>} : memref<64xi32, #tpu.memory_space<vmem>>, vector<16xi32>,
    %shift_right_logical3A_79 = arith.constant 14 : i32
    %shift_right_logical3A_80 = vector.broadcast %shift_right_logical3A_79 : i32 to vector<16xi32>
    %shift_right_logical3A_81 = arith.shrui %get3A_71, %shift_right_logical3A_80 : vector<16xi32>
    %swap3A_82 = arith.constant 0 : index
    %swap3A_83 = tpu.vector_load %arg12[%swap3A_82] {strides = array<i32>} : memref<64xi32, #tpu.memory_space<vmem>>, vector<16xi32>,
    %swap3A_84 = vector.shape_cast %swap3A_83 : vector<16xi32> to vector<16xi32>
    %swap3A_85 = vector.shape_cast %shift_right_logical3A_81 : vector<16xi32> to vector<16xi32>
    tpu.vector_store %arg12[%swap3A_82], %swap3A_85 {strides = array<i32>} : memref<64xi32, #tpu.memory_space<vmem>>, vector<16xi32>,
    %get3A_86 = arith.constant 80 : index
    %get3A_87 = tpu.vector_load %arg6[%get3A_86] {strides = array<i32>} : memref<10240xi32, #tpu.memory_space<vmem>>, vector<16xi32>,
    %get3A_88 = vector.shape_cast %get3A_87 : vector<16xi32> to vector<16xi32>
    %and3A_89 = arith.constant 16383 : i32
    %and3A_90 = vector.broadcast %and3A_89 : i32 to vector<16xi32>
    %and3A_91 = arith.andi %get3A_88, %and3A_90 : vector<16xi32>
    %swap3A_92 = arith.constant 16 : index
    %swap3A_93 = tpu.vector_load %arg8[%swap3A_92] {strides = array<i32>} : memref<64xi32, #tpu.memory_space<vmem>>, vector<16xi32>,
    %swap3A_94 = vector.shape_cast %swap3A_93 : vector<16xi32> to vector<16xi32>
    %swap3A_95 = vector.shape_cast %and3A_91 : vector<16xi32> to vector<16xi32>
    tpu.vector_store %arg8[%swap3A_92], %swap3A_95 {strides = array<i32>} : memref<64xi32, #tpu.memory_space<vmem>>, vector<16xi32>,
    %shift_right_logical3A_96 = arith.constant 14 : i32
    %shift_right_logical3A_97 = vector.broadcast %shift_right_logical3A_96 : i32 to vector<16xi32>
    %shift_right_logical3A_98 = arith.shrui %get3A_88, %shift_right_logical3A_97 : vector<16xi32>
    %swap3A_99 = arith.constant 16 : index
    %swap3A_100 = tpu.vector_load %arg12[%swap3A_99] {strides = array<i32>} : memref<64xi32, #tpu.memory_space<vmem>>, vector<16xi32>,
    %swap3A_101 = vector.shape_cast %swap3A_100 : vector<16xi32> to vector<16xi32>
    %swap3A_102 = vector.shape_cast %shift_right_logical3A_98 : vector<16xi32> to vector<16xi32>
    tpu.vector_store %arg12[%swap3A_99], %swap3A_102 {strides = array<i32>} : memref<64xi32, #tpu.memory_space<vmem>>, vector<16xi32>,
    %get3A_103 = arith.constant 96 : index
    %get3A_104 = tpu.vector_load %arg6[%get3A_103] {strides = array<i32>} : memref<10240xi32, #tpu.memory_space<vmem>>, vector<16xi32>,
    %get3A_105 = vector.shape_cast %get3A_104 : vector<16xi32> to vector<16xi32>
    %and3A_106 = arith.constant 16383 : i32
    %and3A_107 = vector.broadcast %and3A_106 : i32 to vector<16xi32>
    %and3A_108 = arith.andi %get3A_105, %and3A_107 : vector<16xi32>
    %swap3A_109 = arith.constant 32 : index
    %swap3A_110 = tpu.vector_load %arg8[%swap3A_109] {strides = array<i32>} : memref<64xi32, #tpu.memory_space<vmem>>, vector<16xi32>,
    %swap3A_111 = vector.shape_cast %swap3A_110 : vector<16xi32> to vector<16xi32>
    %swap3A_112 = vector.shape_cast %and3A_108 : vector<16xi32> to vector<16xi32>
    tpu.vector_store %arg8[%swap3A_109], %swap3A_112 {strides = array<i32>} : memref<64xi32, #tpu.memory_space<vmem>>, vector<16xi32>,
    %shift_right_logical3A_113 = arith.constant 14 : i32
    %shift_right_logical3A_114 = vector.broadcast %shift_right_logical3A_113 : i32 to vector<16xi32>
    %shift_right_logical3A_115 = arith.shrui %get3A_105, %shift_right_logical3A_114 : vector<16xi32>
    %swap3A_116 = arith.constant 32 : index
    %swap3A_117 = tpu.vector_load %arg12[%swap3A_116] {strides = array<i32>} : memref<64xi32, #tpu.memory_space<vmem>>, vector<16xi32>,
    %swap3A_118 = vector.shape_cast %swap3A_117 : vector<16xi32> to vector<16xi32>
    %swap3A_119 = vector.shape_cast %shift_right_logical3A_115 : vector<16xi32> to vector<16xi32>
    tpu.vector_store %arg12[%swap3A_116], %swap3A_119 {strides = array<i32>} : memref<64xi32, #tpu.memory_space<vmem>>, vector<16xi32>,
    %get3A_120 = arith.constant 112 : index
    %get3A_121 = tpu.vector_load %arg6[%get3A_120] {strides = array<i32>} : memref<10240xi32, #tpu.memory_space<vmem>>, vector<16xi32>,
    %get3A_122 = vector.shape_cast %get3A_121 : vector<16xi32> to vector<16xi32>
    %and3A_123 = arith.constant 16383 : i32
    %and3A_124 = vector.broadcast %and3A_123 : i32 to vector<16xi32>
    %and3A_125 = arith.andi %get3A_122, %and3A_124 : vector<16xi32>
    %swap3A_126 = arith.constant 48 : index
    %swap3A_127 = tpu.vector_load %arg8[%swap3A_126] {strides = array<i32>} : memref<64xi32, #tpu.memory_space<vmem>>, vector<16xi32>,
    %swap3A_128 = vector.shape_cast %swap3A_127 : vector<16xi32> to vector<16xi32>
    %swap3A_129 = vector.shape_cast %and3A_125 : vector<16xi32> to vector<16xi32>
    tpu.vector_store %arg8[%swap3A_126], %swap3A_129 {strides = array<i32>} : memref<64xi32, #tpu.memory_space<vmem>>, vector<16xi32>,
    %shift_right_logical3A_130 = arith.constant 14 : i32
    %shift_right_logical3A_131 = vector.broadcast %shift_right_logical3A_130 : i32 to vector<16xi32>
    %shift_right_logical3A_132 = arith.shrui %get3A_122, %shift_right_logical3A_131 : vector<16xi32>
    %swap3A_133 = arith.constant 48 : index
    %swap3A_134 = tpu.vector_load %arg12[%swap3A_133] {strides = array<i32>} : memref<64xi32, #tpu.memory_space<vmem>>, vector<16xi32>,
    %swap3A_135 = vector.shape_cast %swap3A_134 : vector<16xi32> to vector<16xi32>
    %swap3A_136 = vector.shape_cast %shift_right_logical3A_132 : vector<16xi32> to vector<16xi32>
    tpu.vector_store %arg12[%swap3A_133], %swap3A_136 {strides = array<i32>} : memref<64xi32, #tpu.memory_space<vmem>>, vector<16xi32>,
    %dma_start3A_137 = arith.constant 0 : i32
    %dma_start3A_138 = arith.constant 0 : i32
    %dma_start3A_139 = tpu.memref_slice %arg2[%dma_start3A_137, %dma_start3A_138] : memref<10000x128xf32, #tpu.memory_space<hbm>> -> memref<10000x128xf32, #tpu.memory_space<hbm>>
    tpu.enqueue_indirect_dma source(%dma_start3A_139 : memref<10000x128xf32, #tpu.memory_space<hbm>>) target(%arg16 : memref<64x128xf32, #tpu.memory_space<vmem>>) offsets(%arg8 : memref<64xi32, #tpu.memory_space<vmem>>) semaphore(%arg21 : memref<!tpu.dma_semaphore, #tpu.memory_space<semaphore_mem>>)
    %get3A_140 = arith.constant 128 : index
    %get3A_141 = tpu.vector_load %arg6[%get3A_140] {strides = array<i32>} : memref<10240xi32, #tpu.memory_space<vmem>>, vector<16xi32>,
    %get3A_142 = vector.shape_cast %get3A_141 : vector<16xi32> to vector<16xi32>
    %and3A_143 = arith.constant 16383 : i32
    %and3A_144 = vector.broadcast %and3A_143 : i32 to vector<16xi32>
    %and3A_145 = arith.andi %get3A_142, %and3A_144 : vector<16xi32>
    %swap3A_146 = arith.constant 0 : index
    %swap3A_147 = tpu.vector_load %arg9[%swap3A_146] {strides = array<i32>} : memref<64xi32, #tpu.memory_space<vmem>>, vector<16xi32>,
    %swap3A_148 = vector.shape_cast %swap3A_147 : vector<16xi32> to vector<16xi32>
    %swap3A_149 = vector.shape_cast %and3A_145 : vector<16xi32> to vector<16xi32>
    tpu.vector_store %arg9[%swap3A_146], %swap3A_149 {strides = array<i32>} : memref<64xi32, #tpu.memory_space<vmem>>, vector<16xi32>,
    %shift_right_logical3A_150 = arith.constant 14 : i32
    %shift_right_logical3A_151 = vector.broadcast %shift_right_logical3A_150 : i32 to vector<16xi32>
    %shift_right_logical3A_152 = arith.shrui %get3A_142, %shift_right_logical3A_151 : vector<16xi32>
    %swap3A_153 = arith.constant 0 : index
    %swap3A_154 = tpu.vector_load %arg13[%swap3A_153] {strides = array<i32>} : memref<64xi32, #tpu.memory_space<vmem>>, vector<16xi32>,
    %swap3A_155 = vector.shape_cast %swap3A_154 : vector<16xi32> to vector<16xi32>
    %swap3A_156 = vector.shape_cast %shift_right_logical3A_152 : vector<16xi32> to vector<16xi32>
    tpu.vector_store %arg13[%swap3A_153], %swap3A_156 {strides = array<i32>} : memref<64xi32, #tpu.memory_space<vmem>>, vector<16xi32>,
    %get3A_157 = arith.constant 144 : index
    %get3A_158 = tpu.vector_load %arg6[%get3A_157] {strides = array<i32>} : memref<10240xi32, #tpu.memory_space<vmem>>, vector<16xi32>,
    %get3A_159 = vector.shape_cast %get3A_158 : vector<16xi32> to vector<16xi32>
    %and3A_160 = arith.constant 16383 : i32
    %and3A_161 = vector.broadcast %and3A_160 : i32 to vector<16xi32>
    %and3A_162 = arith.andi %get3A_159, %and3A_161 : vector<16xi32>
    %swap3A_163 = arith.constant 16 : index
    %swap3A_164 = tpu.vector_load %arg9[%swap3A_163] {strides = array<i32>} : memref<64xi32, #tpu.memory_space<vmem>>, vector<16xi32>,
    %swap3A_165 = vector.shape_cast %swap3A_164 : vector<16xi32> to vector<16xi32>
    %swap3A_166 = vector.shape_cast %and3A_162 : vector<16xi32> to vector<16xi32>
    tpu.vector_store %arg9[%swap3A_163], %swap3A_166 {strides = array<i32>} : memref<64xi32, #tpu.memory_space<vmem>>, vector<16xi32>,
    %shift_right_logical3A_167 = arith.constant 14 : i32
    %shift_right_logical3A_168 = vector.broadcast %shift_right_logical3A_167 : i32 to vector<16xi32>
    %shift_right_logical3A_169 = arith.shrui %get3A_159, %shift_right_logical3A_168 : vector<16xi32>
    %swap3A_170 = arith.constant 16 : index
    %swap3A_171 = tpu.vector_load %arg13[%swap3A_170] {strides = array<i32>} : memref<64xi32, #tpu.memory_space<vmem>>, vector<16xi32>,
    %swap3A_172 = vector.shape_cast %swap3A_171 : vector<16xi32> to vector<16xi32>
    %swap3A_173 = vector.shape_cast %shift_right_logical3A_169 : vector<16xi32> to vector<16xi32>
    tpu.vector_store %arg13[%swap3A_170], %swap3A_173 {strides = array<i32>} : memref<64xi32, #tpu.memory_space<vmem>>, vector<16xi32>,
    %get3A_174 = arith.constant 160 : index
    %get3A_175 = tpu.vector_load %arg6[%get3A_174] {strides = array<i32>} : memref<10240xi32, #tpu.memory_space<vmem>>, vector<16xi32>,
    %get3A_176 = vector.shape_cast %get3A_175 : vector<16xi32> to vector<16xi32>
    %and3A_177 = arith.constant 16383 : i32
    %and3A_178 = vector.broadcast %and3A_177 : i32 to vector<16xi32>
    %and3A_179 = arith.andi %get3A_176, %and3A_178 : vector<16xi32>
    %swap3A_180 = arith.constant 32 : index
    %swap3A_181 = tpu.vector_load %arg9[%swap3A_180] {strides = array<i32>} : memref<64xi32, #tpu.memory_space<vmem>>, vector<16xi32>,
    %swap3A_182 = vector.shape_cast %swap3A_181 : vector<16xi32> to vector<16xi32>
    %swap3A_183 = vector.shape_cast %and3A_179 : vector<16xi32> to vector<16xi32>
    tpu.vector_store %arg9[%swap3A_180], %swap3A_183 {strides = array<i32>} : memref<64xi32, #tpu.memory_space<vmem>>, vector<16xi32>,
    %shift_right_logical3A_184 = arith.constant 14 : i32
    %shift_right_logical3A_185 = vector.broadcast %shift_right_logical3A_184 : i32 to vector<16xi32>
    %shift_right_logical3A_186 = arith.shrui %get3A_176, %shift_right_logical3A_185 : vector<16xi32>
    %swap3A_187 = arith.constant 32 : index
    %swap3A_188 = tpu.vector_load %arg13[%swap3A_187] {strides = array<i32>} : memref<64xi32, #tpu.memory_space<vmem>>, vector<16xi32>,
    %swap3A_189 = vector.shape_cast %swap3A_188 : vector<16xi32> to vector<16xi32>
    %swap3A_190 = vector.shape_cast %shift_right_logical3A_186 : vector<16xi32> to vector<16xi32>
    tpu.vector_store %arg13[%swap3A_187], %swap3A_190 {strides = array<i32>} : memref<64xi32, #tpu.memory_space<vmem>>, vector<16xi32>,
    %get3A_191 = arith.constant 176 : index
    %get3A_192 = tpu.vector_load %arg6[%get3A_191] {strides = array<i32>} : memref<10240xi32, #tpu.memory_space<vmem>>, vector<16xi32>,
    %get3A_193 = vector.shape_cast %get3A_192 : vector<16xi32> to vector<16xi32>
    %and3A_194 = arith.constant 16383 : i32
    %and3A_195 = vector.broadcast %and3A_194 : i32 to vector<16xi32>
    %and3A_196 = arith.andi %get3A_193, %and3A_195 : vector<16xi32>
    %swap3A_197 = arith.constant 48 : index
    %swap3A_198 = tpu.vector_load %arg9[%swap3A_197] {strides = array<i32>} : memref<64xi32, #tpu.memory_space<vmem>>, vector<16xi32>,
    %swap3A_199 = vector.shape_cast %swap3A_198 : vector<16xi32> to vector<16xi32>
    %swap3A_200 = vector.shape_cast %and3A_196 : vector<16xi32> to vector<16xi32>
    tpu.vector_store %arg9[%swap3A_197], %swap3A_200 {strides = array<i32>} : memref<64xi32, #tpu.memory_space<vmem>>, vector<16xi32>,
    %shift_right_logical3A_201 = arith.constant 14 : i32
    %shift_right_logical3A_202 = vector.broadcast %shift_right_logical3A_201 : i32 to vector<16xi32>
    %shift_right_logical3A_203 = arith.shrui %get3A_193, %shift_right_logical3A_202 : vector<16xi32>
    %swap3A_204 = arith.constant 48 : index
    %swap3A_205 = tpu.vector_load %arg13[%swap3A_204] {strides = array<i32>} : memref<64xi32, #tpu.memory_space<vmem>>, vector<16xi32>,
    %swap3A_206 = vector.shape_cast %swap3A_205 : vector<16xi32> to vector<16xi32>
    %swap3A_207 = vector.shape_cast %shift_right_logical3A_203 : vector<16xi32> to vector<16xi32>
    tpu.vector_store %arg13[%swap3A_204], %swap3A_207 {strides = array<i32>} : memref<64xi32, #tpu.memory_space<vmem>>, vector<16xi32>,
    %dma_start3A_208 = arith.constant 0 : i32
    %dma_start3A_209 = arith.constant 0 : i32
    %dma_start3A_210 = tpu.memref_slice %arg2[%dma_start3A_208, %dma_start3A_209] : memref<10000x128xf32, #tpu.memory_space<hbm>> -> memref<10000x128xf32, #tpu.memory_space<hbm>>
    tpu.enqueue_indirect_dma source(%dma_start3A_210 : memref<10000x128xf32, #tpu.memory_space<hbm>>) target(%arg17 : memref<64x128xf32, #tpu.memory_space<vmem>>) offsets(%arg9 : memref<64xi32, #tpu.memory_space<vmem>>) semaphore(%arg22 : memref<!tpu.dma_semaphore, #tpu.memory_space<semaphore_mem>>)
    %get3A_211 = arith.constant 192 : index
    %get3A_212 = tpu.vector_load %arg6[%get3A_211] {strides = array<i32>} : memref<10240xi32, #tpu.memory_space<vmem>>, vector<16xi32>,
    %get3A_213 = vector.shape_cast %get3A_212 : vector<16xi32> to vector<16xi32>
    %and3A_214 = arith.constant 16383 : i32
    %and3A_215 = vector.broadcast %and3A_214 : i32 to vector<16xi32>
    %and3A_216 = arith.andi %get3A_213, %and3A_215 : vector<16xi32>
    %swap3A_217 = arith.constant 0 : index
    %swap3A_218 = tpu.vector_load %arg10[%swap3A_217] {strides = array<i32>} : memref<64xi32, #tpu.memory_space<vmem>>, vector<16xi32>,
    %swap3A_219 = vector.shape_cast %swap3A_218 : vector<16xi32> to vector<16xi32>
    %swap3A_220 = vector.shape_cast %and3A_216 : vector<16xi32> to vector<16xi32>
    tpu.vector_store %arg10[%swap3A_217], %swap3A_220 {strides = array<i32>} : memref<64xi32, #tpu.memory_space<vmem>>, vector<16xi32>,
    %shift_right_logical3A_221 = arith.constant 14 : i32
    %shift_right_logical3A_222 = vector.broadcast %shift_right_logical3A_221 : i32 to vector<16xi32>
    %shift_right_logical3A_223 = arith.shrui %get3A_213, %shift_right_logical3A_222 : vector<16xi32>
    %swap3A_224 = arith.constant 0 : index
    %swap3A_225 = tpu.vector_load %arg14[%swap3A_224] {strides = array<i32>} : memref<64xi32, #tpu.memory_space<vmem>>, vector<16xi32>,
    %swap3A_226 = vector.shape_cast %swap3A_225 : vector<16xi32> to vector<16xi32>
    %swap3A_227 = vector.shape_cast %shift_right_logical3A_223 : vector<16xi32> to vector<16xi32>
    tpu.vector_store %arg14[%swap3A_224], %swap3A_227 {strides = array<i32>} : memref<64xi32, #tpu.memory_space<vmem>>, vector<16xi32>,
    %get3A_228 = arith.constant 208 : index
    %get3A_229 = tpu.vector_load %arg6[%get3A_228] {strides = array<i32>} : memref<10240xi32, #tpu.memory_space<vmem>>, vector<16xi32>,
    %get3A_230 = vector.shape_cast %get3A_229 : vector<16xi32> to vector<16xi32>
    %and3A_231 = arith.constant 16383 : i32
    %and3A_232 = vector.broadcast %and3A_231 : i32 to vector<16xi32>
    %and3A_233 = arith.andi %get3A_230, %and3A_232 : vector<16xi32>
    %swap3A_234 = arith.constant 16 : index
    %swap3A_235 = tpu.vector_load %arg10[%swap3A_234] {strides = array<i32>} : memref<64xi32, #tpu.memory_space<vmem>>, vector<16xi32>,
    %swap3A_236 = vector.shape_cast %swap3A_235 : vector<16xi32> to vector<16xi32>
    %swap3A_237 = vector.shape_cast %and3A_233 : vector<16xi32> to vector<16xi32>
    tpu.vector_store %arg10[%swap3A_234], %swap3A_237 {strides = array<i32>} : memref<64xi32, #tpu.memory_space<vmem>>, vector<16xi32>,
    %shift_right_logical3A_238 = arith.constant 14 : i32
    %shift_right_logical3A_239 = vector.broadcast %shift_right_logical3A_238 : i32 to vector<16xi32>
    %shift_right_logical3A_240 = arith.shrui %get3A_230, %shift_right_logical3A_239 : vector<16xi32>
    %swap3A_241 = arith.constant 16 : index
    %swap3A_242 = tpu.vector_load %arg14[%swap3A_241] {strides = array<i32>} : memref<64xi32, #tpu.memory_space<vmem>>, vector<16xi32>,
    %swap3A_243 = vector.shape_cast %swap3A_242 : vector<16xi32> to vector<16xi32>
    %swap3A_244 = vector.shape_cast %shift_right_logical3A_240 : vector<16xi32> to vector<16xi32>
    tpu.vector_store %arg14[%swap3A_241], %swap3A_244 {strides = array<i32>} : memref<64xi32, #tpu.memory_space<vmem>>, vector<16xi32>,
    %get3A_245 = arith.constant 224 : index
    %get3A_246 = tpu.vector_load %arg6[%get3A_245] {strides = array<i32>} : memref<10240xi32, #tpu.memory_space<vmem>>, vector<16xi32>,
    %get3A_247 = vector.shape_cast %get3A_246 : vector<16xi32> to vector<16xi32>
    %and3A_248 = arith.constant 16383 : i32
    %and3A_249 = vector.broadcast %and3A_248 : i32 to vector<16xi32>
    %and3A_250 = arith.andi %get3A_247, %and3A_249 : vector<16xi32>
    %swap3A_251 = arith.constant 32 : index
    %swap3A_252 = tpu.vector_load %arg10[%swap3A_251] {strides = array<i32>} : memref<64xi32, #tpu.memory_space<vmem>>, vector<16xi32>,
    %swap3A_253 = vector.shape_cast %swap3A_252 : vector<16xi32> to vector<16xi32>
    %swap3A_254 = vector.shape_cast %and3A_250 : vector<16xi32> to vector<16xi32>
    tpu.vector_store %arg10[%swap3A_251], %swap3A_254 {strides = array<i32>} : memref<64xi32, #tpu.memory_space<vmem>>, vector<16xi32>,
    %shift_right_logical3A_255 = arith.constant 14 : i32
    %shift_right_logical3A_256 = vector.broadcast %shift_right_logical3A_255 : i32 to vector<16xi32>
    %shift_right_logical3A_257 = arith.shrui %get3A_247, %shift_right_logical3A_256 : vector<16xi32>
    %swap3A_258 = arith.constant 32 : index
    %swap3A_259 = tpu.vector_load %arg14[%swap3A_258] {strides = array<i32>} : memref<64xi32, #tpu.memory_space<vmem>>, vector<16xi32>,
    %swap3A_260 = vector.shape_cast %swap3A_259 : vector<16xi32> to vector<16xi32>
    %swap3A_261 = vector.shape_cast %shift_right_logical3A_257 : vector<16xi32> to vector<16xi32>
    tpu.vector_store %arg14[%swap3A_258], %swap3A_261 {strides = array<i32>} : memref<64xi32, #tpu.memory_space<vmem>>, vector<16xi32>,
    %get3A_262 = arith.constant 240 : index
    %get3A_263 = tpu.vector_load %arg6[%get3A_262] {strides = array<i32>} : memref<10240xi32, #tpu.memory_space<vmem>>, vector<16xi32>,
    %get3A_264 = vector.shape_cast %get3A_263 : vector<16xi32> to vector<16xi32>
    %and3A_265 = arith.constant 16383 : i32
    %and3A_266 = vector.broadcast %and3A_265 : i32 to vector<16xi32>
    %and3A_267 = arith.andi %get3A_264, %and3A_266 : vector<16xi32>
    %swap3A_268 = arith.constant 48 : index
    %swap3A_269 = tpu.vector_load %arg10[%swap3A_268] {strides = array<i32>} : memref<64xi32, #tpu.memory_space<vmem>>, vector<16xi32>,
    %swap3A_270 = vector.shape_cast %swap3A_269 : vector<16xi32> to vector<16xi32>
    %swap3A_271 = vector.shape_cast %and3A_267 : vector<16xi32> to vector<16xi32>
    tpu.vector_store %arg10[%swap3A_268], %swap3A_271 {strides = array<i32>} : memref<64xi32, #tpu.memory_space<vmem>>, vector<16xi32>,
    %shift_right_logical3A_272 = arith.constant 14 : i32
    %shift_right_logical3A_273 = vector.broadcast %shift_right_logical3A_272 : i32 to vector<16xi32>
    %shift_right_logical3A_274 = arith.shrui %get3A_264, %shift_right_logical3A_273 : vector<16xi32>
    %swap3A_275 = arith.constant 48 : index
    %swap3A_276 = tpu.vector_load %arg14[%swap3A_275] {strides = array<i32>} : memref<64xi32, #tpu.memory_space<vmem>>, vector<16xi32>,
    %swap3A_277 = vector.shape_cast %swap3A_276 : vector<16xi32> to vector<16xi32>
    %swap3A_278 = vector.shape_cast %shift_right_logical3A_274 : vector<16xi32> to vector<16xi32>
    tpu.vector_store %arg14[%swap3A_275], %swap3A_278 {strides = array<i32>} : memref<64xi32, #tpu.memory_space<vmem>>, vector<16xi32>,
    %dma_start3A_279 = arith.constant 0 : i32
    %dma_start3A_280 = arith.constant 0 : i32
    %dma_start3A_281 = tpu.memref_slice %arg2[%dma_start3A_279, %dma_start3A_280] : memref<10000x128xf32, #tpu.memory_space<hbm>> -> memref<10000x128xf32, #tpu.memory_space<hbm>>
    tpu.enqueue_indirect_dma source(%dma_start3A_281 : memref<10000x128xf32, #tpu.memory_space<hbm>>) target(%arg18 : memref<64x128xf32, #tpu.memory_space<vmem>>) offsets(%arg10 : memref<64xi32, #tpu.memory_space<vmem>>) semaphore(%arg23 : memref<!tpu.dma_semaphore, #tpu.memory_space<semaphore_mem>>)
    %scan3A = arith.constant 0 : i32
    %scan3A_282 = arith.constant 0 : i32
    %scan3A_283 = arith.constant 40 : i32
    %scan3A_284 = arith.addi %scan3A_282, %scan3A_283 : i32
    %scan3A_285 = arith.constant 1 : i32
    scf.for %scan3A_288 = %scan3A_282 to %scan3A_284 step %scan3A_285  : i32 {
      %mul3A_289 = arith.constant 4 : i32
      %mul3A_290 = arith.muli %scan3A_288, %mul3A_289 : i32
      %dma_wait3A = arith.constant 0 : i32
      %dma_wait3A_291 = arith.constant 0 : i32
      %dma_wait3A_292 = tpu.memref_slice %arg2[%dma_wait3A, %dma_wait3A_291] : memref<10000x128xf32, #tpu.memory_space<hbm>> -> memref<10000x128xf32, #tpu.memory_space<hbm>>
      tpu.wait_indirect_dma semaphore(%arg20 : memref<!tpu.dma_semaphore, #tpu.memory_space<semaphore_mem>>) src(%dma_wait3A_292 : memref<10000x128xf32, #tpu.memory_space<hbm>>) dst(%arg15 : memref<64x128xf32, #tpu.memory_space<vmem>>)
      "tpu.region"() ({
        %run_scoped3A = tpu.sem_alloc : memref<!tpu.dma_semaphore, #tpu.memory_space<semaphore_mem>>
        %dma_start3A_327 = arith.constant 0 : i32
        %dma_start3A_328 = arith.constant 0 : i32
        %dma_start3A_329 = tpu.memref_slice %arg19[%dma_start3A_327, %dma_start3A_328] : memref<10112x128xf32, #tpu.memory_space<vmem_shared>> -> memref<10112x128xf32, #tpu.memory_space<vmem_shared>>
        tpu.enqueue_indirect_dma source(%arg15 : memref<64x128xf32, #tpu.memory_space<vmem>>) target(%dma_start3A_329 : memref<10112x128xf32, #tpu.memory_space<vmem_shared>>) offsets(%arg11 : memref<64xi32, #tpu.memory_space<vmem>>) semaphore(%run_scoped3A : memref<!tpu.dma_semaphore, #tpu.memory_space<semaphore_mem>>) {add = true}
        %dma_wait3A_330 = arith.constant 0 : i32
        %dma_wait3A_331 = arith.constant 0 : i32
        %dma_wait3A_332 = tpu.memref_slice %arg19[%dma_wait3A_330, %dma_wait3A_331] : memref<10112x128xf32, #tpu.memory_space<vmem_shared>> -> memref<10112x128xf32, #tpu.memory_space<vmem_shared>>
        tpu.wait_indirect_dma semaphore(%run_scoped3A : memref<!tpu.dma_semaphore, #tpu.memory_space<semaphore_mem>>) src(%arg15 : memref<64x128xf32, #tpu.memory_space<vmem>>) dst(%dma_wait3A_332 : memref<10112x128xf32, #tpu.memory_space<vmem_shared>>)
        tpu.yield
      }) : () -> ()
      %add3A_293 = arith.constant 1 : i32
      %add3A_294 = arith.addi %scan3A_288, %add3A_293 : i32
      %lt3A = arith.constant 40 : i32
      %lt3A_295 = arith.cmpi slt, %add3A_294, %lt3A : i32
      %convert_element_type3A = arith.extui %lt3A_295 : i1 to i32
      %cond3A = arith.constant 0 : i32
      %cond3A_296 = arith.cmpi ne, %convert_element_type3A, %cond3A : i32
      scf.if %cond3A_296 {
        %add3A_327 = arith.constant 4 : i32
        %add3A_328 = arith.addi %mul3A_290, %add3A_327 : i32
        %add3A_329 = arith.constant 0 : i32
        %add3A_330 = arith.addi %add3A_328, %add3A_329 : i32
        %mul3A_331 = arith.constant 64 : i32
        %mul3A_332 = arith.muli %add3A_330, %mul3A_331 : i32
        %add3A_333 = arith.constant 0 : i32
        %add3A_334 = arith.addi %mul3A_332, %add3A_333 : i32
        %get3A_335 = arith.index_cast %add3A_334 : i32 to index
        %get3A_336 = tpu.vector_load %arg6[%get3A_335] {strides = array<i32>} : memref<10240xi32, #tpu.memory_space<vmem>>, vector<16xi32>,
        %get3A_337 = vector.shape_cast %get3A_336 : vector<16xi32> to vector<16xi32>
        %and3A_338 = arith.constant 16383 : i32
        %and3A_339 = vector.broadcast %and3A_338 : i32 to vector<16xi32>
        %and3A_340 = arith.andi %get3A_337, %and3A_339 : vector<16xi32>
        %swap3A_341 = arith.constant 0 : index
        %swap3A_342 = tpu.vector_load %arg7[%swap3A_341] {strides = array<i32>} : memref<64xi32, #tpu.memory_space<vmem>>, vector<16xi32>,
        %swap3A_343 = vector.shape_cast %swap3A_342 : vector<16xi32> to vector<16xi32>
        %swap3A_344 = vector.shape_cast %and3A_340 : vector<16xi32> to vector<16xi32>
        tpu.vector_store %arg7[%swap3A_341], %swap3A_344 {strides = array<i32>} : memref<64xi32, #tpu.memory_space<vmem>>, vector<16xi32>,
        %shift_right_logical3A_345 = arith.constant 14 : i32
        %shift_right_logical3A_346 = vector.broadcast %shift_right_logical3A_345 : i32 to vector<16xi32>
        %shift_right_logical3A_347 = arith.shrui %get3A_337, %shift_right_logical3A_346 : vector<16xi32>
        %swap3A_348 = arith.constant 0 : index
        %swap3A_349 = tpu.vector_load %arg11[%swap3A_348] {strides = array<i32>} : memref<64xi32, #tpu.memory_space<vmem>>, vector<16xi32>,
        %swap3A_350 = vector.shape_cast %swap3A_349 : vector<16xi32> to vector<16xi32>
        %swap3A_351 = vector.shape_cast %shift_right_logical3A_347 : vector<16xi32> to vector<16xi32>
        tpu.vector_store %arg11[%swap3A_348], %swap3A_351 {strides = array<i32>} : memref<64xi32, #tpu.memory_space<vmem>>, vector<16xi32>,
        %add3A_352 = arith.constant 16 : i32
        %add3A_353 = arith.addi %mul3A_332, %add3A_352 : i32
        %get3A_354 = arith.index_cast %add3A_353 : i32 to index
        %get3A_355 = tpu.vector_load %arg6[%get3A_354] {strides = array<i32>} : memref<10240xi32, #tpu.memory_space<vmem>>, vector<16xi32>,
        %get3A_356 = vector.shape_cast %get3A_355 : vector<16xi32> to vector<16xi32>
        %and3A_357 = arith.constant 16383 : i32
        %and3A_358 = vector.broadcast %and3A_357 : i32 to vector<16xi32>
        %and3A_359 = arith.andi %get3A_356, %and3A_358 : vector<16xi32>
        %swap3A_360 = arith.constant 16 : index
        %swap3A_361 = tpu.vector_load %arg7[%swap3A_360] {strides = array<i32>} : memref<64xi32, #tpu.memory_space<vmem>>, vector<16xi32>,
        %swap3A_362 = vector.shape_cast %swap3A_361 : vector<16xi32> to vector<16xi32>
        %swap3A_363 = vector.shape_cast %and3A_359 : vector<16xi32> to vector<16xi32>
        tpu.vector_store %arg7[%swap3A_360], %swap3A_363 {strides = array<i32>} : memref<64xi32, #tpu.memory_space<vmem>>, vector<16xi32>,
        %shift_right_logical3A_364 = arith.constant 14 : i32
        %shift_right_logical3A_365 = vector.broadcast %shift_right_logical3A_364 : i32 to vector<16xi32>
        %shift_right_logical3A_366 = arith.shrui %get3A_356, %shift_right_logical3A_365 : vector<16xi32>
        %swap3A_367 = arith.constant 16 : index
        %swap3A_368 = tpu.vector_load %arg11[%swap3A_367] {strides = array<i32>} : memref<64xi32, #tpu.memory_space<vmem>>, vector<16xi32>,
        %swap3A_369 = vector.shape_cast %swap3A_368 : vector<16xi32> to vector<16xi32>
        %swap3A_370 = vector.shape_cast %shift_right_logical3A_366 : vector<16xi32> to vector<16xi32>
        tpu.vector_store %arg11[%swap3A_367], %swap3A_370 {strides = array<i32>} : memref<64xi32, #tpu.memory_space<vmem>>, vector<16xi32>,
        %add3A_371 = arith.constant 32 : i32
        %add3A_372 = arith.addi %mul3A_332, %add3A_371 : i32
        %get3A_373 = arith.index_cast %add3A_372 : i32 to index
        %get3A_374 = tpu.vector_load %arg6[%get3A_373] {strides = array<i32>} : memref<10240xi32, #tpu.memory_space<vmem>>, vector<16xi32>,
        %get3A_375 = vector.shape_cast %get3A_374 : vector<16xi32> to vector<16xi32>
        %and3A_376 = arith.constant 16383 : i32
        %and3A_377 = vector.broadcast %and3A_376 : i32 to vector<16xi32>
        %and3A_378 = arith.andi %get3A_375, %and3A_377 : vector<16xi32>
        %swap3A_379 = arith.constant 32 : index
        %swap3A_380 = tpu.vector_load %arg7[%swap3A_379] {strides = array<i32>} : memref<64xi32, #tpu.memory_space<vmem>>, vector<16xi32>,
        %swap3A_381 = vector.shape_cast %swap3A_380 : vector<16xi32> to vector<16xi32>
        %swap3A_382 = vector.shape_cast %and3A_378 : vector<16xi32> to vector<16xi32>
        tpu.vector_store %arg7[%swap3A_379], %swap3A_382 {strides = array<i32>} : memref<64xi32, #tpu.memory_space<vmem>>, vector<16xi32>,
        %shift_right_logical3A_383 = arith.constant 14 : i32
        %shift_right_logical3A_384 = vector.broadcast %shift_right_logical3A_383 : i32 to vector<16xi32>
        %shift_right_logical3A_385 = arith.shrui %get3A_375, %shift_right_logical3A_384 : vector<16xi32>
        %swap3A_386 = arith.constant 32 : index
        %swap3A_387 = tpu.vector_load %arg11[%swap3A_386] {strides = array<i32>} : memref<64xi32, #tpu.memory_space<vmem>>, vector<16xi32>,
        %swap3A_388 = vector.shape_cast %swap3A_387 : vector<16xi32> to vector<16xi32>
        %swap3A_389 = vector.shape_cast %shift_right_logical3A_385 : vector<16xi32> to vector<16xi32>
        tpu.vector_store %arg11[%swap3A_386], %swap3A_389 {strides = array<i32>} : memref<64xi32, #tpu.memory_space<vmem>>, vector<16xi32>,
        %add3A_390 = arith.constant 48 : i32
        %add3A_391 = arith.addi %mul3A_332, %add3A_390 : i32
        %get3A_392 = arith.index_cast %add3A_391 : i32 to index
        %get3A_393 = tpu.vector_load %arg6[%get3A_392] {strides = array<i32>} : memref<10240xi32, #tpu.memory_space<vmem>>, vector<16xi32>,
        %get3A_394 = vector.shape_cast %get3A_393 : vector<16xi32> to vector<16xi32>
        %and3A_395 = arith.constant 16383 : i32
        %and3A_396 = vector.broadcast %and3A_395 : i32 to vector<16xi32>
        %and3A_397 = arith.andi %get3A_394, %and3A_396 : vector<16xi32>
        %swap3A_398 = arith.constant 48 : index
        %swap3A_399 = tpu.vector_load %arg7[%swap3A_398] {strides = array<i32>} : memref<64xi32, #tpu.memory_space<vmem>>, vector<16xi32>,
        %swap3A_400 = vector.shape_cast %swap3A_399 : vector<16xi32> to vector<16xi32>
        %swap3A_401 = vector.shape_cast %and3A_397 : vector<16xi32> to vector<16xi32>
        tpu.vector_store %arg7[%swap3A_398], %swap3A_401 {strides = array<i32>} : memref<64xi32, #tpu.memory_space<vmem>>, vector<16xi32>,
        %shift_right_logical3A_402 = arith.constant 14 : i32
        %shift_right_logical3A_403 = vector.broadcast %shift_right_logical3A_402 : i32 to vector<16xi32>
        %shift_right_logical3A_404 = arith.shrui %get3A_394, %shift_right_logical3A_403 : vector<16xi32>
        %swap3A_405 = arith.constant 48 : index
        %swap3A_406 = tpu.vector_load %arg11[%swap3A_405] {strides = array<i32>} : memref<64xi32, #tpu.memory_space<vmem>>, vector<16xi32>,
        %swap3A_407 = vector.shape_cast %swap3A_406 : vector<16xi32> to vector<16xi32>
        %swap3A_408 = vector.shape_cast %shift_right_logical3A_404 : vector<16xi32> to vector<16xi32>
        tpu.vector_store %arg11[%swap3A_405], %swap3A_408 {strides = array<i32>} : memref<64xi32, #tpu.memory_space<vmem>>, vector<16xi32>,
        %dma_start3A_409 = arith.constant 0 : i32
        %dma_start3A_410 = arith.constant 0 : i32
        %dma_start3A_411 = tpu.memref_slice %arg2[%dma_start3A_409, %dma_start3A_410] : memref<10000x128xf32, #tpu.memory_space<hbm>> -> memref<10000x128xf32, #tpu.memory_space<hbm>>
        tpu.enqueue_indirect_dma source(%dma_start3A_411 : memref<10000x128xf32, #tpu.memory_space<hbm>>) target(%arg15 : memref<64x128xf32, #tpu.memory_space<vmem>>) offsets(%arg7 : memref<64xi32, #tpu.memory_space<vmem>>) semaphore(%arg20 : memref<!tpu.dma_semaphore, #tpu.memory_space<semaphore_mem>>)
      } else {
      }
      %dma_wait3A_297 = arith.constant 0 : i32
      %dma_wait3A_298 = arith.constant 0 : i32
      %dma_wait3A_299 = tpu.memref_slice %arg2[%dma_wait3A_297, %dma_wait3A_298] : memref<10000x128xf32, #tpu.memory_space<hbm>> -> memref<10000x128xf32, #tpu.memory_space<hbm>>
      tpu.wait_indirect_dma semaphore(%arg21 : memref<!tpu.dma_semaphore, #tpu.memory_space<semaphore_mem>>) src(%dma_wait3A_299 : memref<10000x128xf32, #tpu.memory_space<hbm>>) dst(%arg16 : memref<64x128xf32, #tpu.memory_space<vmem>>)
      "tpu.region"() ({
        %run_scoped3A = tpu.sem_alloc : memref<!tpu.dma_semaphore, #tpu.memory_space<semaphore_mem>>
        %dma_start3A_327 = arith.constant 0 : i32
        %dma_start3A_328 = arith.constant 0 : i32
        %dma_start3A_329 = tpu.memref_slice %arg19[%dma_start3A_327, %dma_start3A_328] : memref<10112x128xf32, #tpu.memory_space<vmem_shared>> -> memref<10112x128xf32, #tpu.memory_space<vmem_shared>>
        tpu.enqueue_indirect_dma source(%arg16 : memref<64x128xf32, #tpu.memory_space<vmem>>) target(%dma_start3A_329 : memref<10112x128xf32, #tpu.memory_space<vmem_shared>>) offsets(%arg12 : memref<64xi32, #tpu.memory_space<vmem>>) semaphore(%run_scoped3A : memref<!tpu.dma_semaphore, #tpu.memory_space<semaphore_mem>>) {add = true}
        %dma_wait3A_330 = arith.constant 0 : i32
        %dma_wait3A_331 = arith.constant 0 : i32
        %dma_wait3A_332 = tpu.memref_slice %arg19[%dma_wait3A_330, %dma_wait3A_331] : memref<10112x128xf32, #tpu.memory_space<vmem_shared>> -> memref<10112x128xf32, #tpu.memory_space<vmem_shared>>
        tpu.wait_indirect_dma semaphore(%run_scoped3A : memref<!tpu.dma_semaphore, #tpu.memory_space<semaphore_mem>>) src(%arg16 : memref<64x128xf32, #tpu.memory_space<vmem>>) dst(%dma_wait3A_332 : memref<10112x128xf32, #tpu.memory_space<vmem_shared>>)
        tpu.yield
      }) : () -> ()
      %add3A_300 = arith.constant 1 : i32
      %add3A_301 = arith.addi %scan3A_288, %add3A_300 : i32
      %lt3A_302 = arith.constant 40 : i32
      %lt3A_303 = arith.cmpi slt, %add3A_301, %lt3A_302 : i32
      %convert_element_type3A_304 = arith.extui %lt3A_303 : i1 to i32
      %cond3A_305 = arith.constant 0 : i32
      %cond3A_306 = arith.cmpi ne, %convert_element_type3A_304, %cond3A_305 : i32
      scf.if %cond3A_306 {
        %add3A_327 = arith.constant 4 : i32
        %add3A_328 = arith.addi %mul3A_290, %add3A_327 : i32
        %add3A_329 = arith.constant 1 : i32
        %add3A_330 = arith.addi %add3A_328, %add3A_329 : i32
        %mul3A_331 = arith.constant 64 : i32
        %mul3A_332 = arith.muli %add3A_330, %mul3A_331 : i32
        %add3A_333 = arith.constant 0 : i32
        %add3A_334 = arith.addi %mul3A_332, %add3A_333 : i32
        %get3A_335 = arith.index_cast %add3A_334 : i32 to index
        %get3A_336 = tpu.vector_load %arg6[%get3A_335] {strides = array<i32>} : memref<10240xi32, #tpu.memory_space<vmem>>, vector<16xi32>,
        %get3A_337 = vector.shape_cast %get3A_336 : vector<16xi32> to vector<16xi32>
        %and3A_338 = arith.constant 16383 : i32
        %and3A_339 = vector.broadcast %and3A_338 : i32 to vector<16xi32>
        %and3A_340 = arith.andi %get3A_337, %and3A_339 : vector<16xi32>
        %swap3A_341 = arith.constant 0 : index
        %swap3A_342 = tpu.vector_load %arg8[%swap3A_341] {strides = array<i32>} : memref<64xi32, #tpu.memory_space<vmem>>, vector<16xi32>,
        %swap3A_343 = vector.shape_cast %swap3A_342 : vector<16xi32> to vector<16xi32>
        %swap3A_344 = vector.shape_cast %and3A_340 : vector<16xi32> to vector<16xi32>
        tpu.vector_store %arg8[%swap3A_341], %swap3A_344 {strides = array<i32>} : memref<64xi32, #tpu.memory_space<vmem>>, vector<16xi32>,
        %shift_right_logical3A_345 = arith.constant 14 : i32
        %shift_right_logical3A_346 = vector.broadcast %shift_right_logical3A_345 : i32 to vector<16xi32>
        %shift_right_logical3A_347 = arith.shrui %get3A_337, %shift_right_logical3A_346 : vector<16xi32>
        %swap3A_348 = arith.constant 0 : index
        %swap3A_349 = tpu.vector_load %arg12[%swap3A_348] {strides = array<i32>} : memref<64xi32, #tpu.memory_space<vmem>>, vector<16xi32>,
        %swap3A_350 = vector.shape_cast %swap3A_349 : vector<16xi32> to vector<16xi32>
        %swap3A_351 = vector.shape_cast %shift_right_logical3A_347 : vector<16xi32> to vector<16xi32>
        tpu.vector_store %arg12[%swap3A_348], %swap3A_351 {strides = array<i32>} : memref<64xi32, #tpu.memory_space<vmem>>, vector<16xi32>,
        %add3A_352 = arith.constant 16 : i32
        %add3A_353 = arith.addi %mul3A_332, %add3A_352 : i32
        %get3A_354 = arith.index_cast %add3A_353 : i32 to index
        %get3A_355 = tpu.vector_load %arg6[%get3A_354] {strides = array<i32>} : memref<10240xi32, #tpu.memory_space<vmem>>, vector<16xi32>,
        %get3A_356 = vector.shape_cast %get3A_355 : vector<16xi32> to vector<16xi32>
        %and3A_357 = arith.constant 16383 : i32
        %and3A_358 = vector.broadcast %and3A_357 : i32 to vector<16xi32>
        %and3A_359 = arith.andi %get3A_356, %and3A_358 : vector<16xi32>
        %swap3A_360 = arith.constant 16 : index
        %swap3A_361 = tpu.vector_load %arg8[%swap3A_360] {strides = array<i32>} : memref<64xi32, #tpu.memory_space<vmem>>, vector<16xi32>,
        %swap3A_362 = vector.shape_cast %swap3A_361 : vector<16xi32> to vector<16xi32>
        %swap3A_363 = vector.shape_cast %and3A_359 : vector<16xi32> to vector<16xi32>
        tpu.vector_store %arg8[%swap3A_360], %swap3A_363 {strides = array<i32>} : memref<64xi32, #tpu.memory_space<vmem>>, vector<16xi32>,
        %shift_right_logical3A_364 = arith.constant 14 : i32
        %shift_right_logical3A_365 = vector.broadcast %shift_right_logical3A_364 : i32 to vector<16xi32>
        %shift_right_logical3A_366 = arith.shrui %get3A_356, %shift_right_logical3A_365 : vector<16xi32>
        %swap3A_367 = arith.constant 16 : index
        %swap3A_368 = tpu.vector_load %arg12[%swap3A_367] {strides = array<i32>} : memref<64xi32, #tpu.memory_space<vmem>>, vector<16xi32>,
        %swap3A_369 = vector.shape_cast %swap3A_368 : vector<16xi32> to vector<16xi32>
        %swap3A_370 = vector.shape_cast %shift_right_logical3A_366 : vector<16xi32> to vector<16xi32>
        tpu.vector_store %arg12[%swap3A_367], %swap3A_370 {strides = array<i32>} : memref<64xi32, #tpu.memory_space<vmem>>, vector<16xi32>,
        %add3A_371 = arith.constant 32 : i32
        %add3A_372 = arith.addi %mul3A_332, %add3A_371 : i32
        %get3A_373 = arith.index_cast %add3A_372 : i32 to index
        %get3A_374 = tpu.vector_load %arg6[%get3A_373] {strides = array<i32>} : memref<10240xi32, #tpu.memory_space<vmem>>, vector<16xi32>,
        %get3A_375 = vector.shape_cast %get3A_374 : vector<16xi32> to vector<16xi32>
        %and3A_376 = arith.constant 16383 : i32
        %and3A_377 = vector.broadcast %and3A_376 : i32 to vector<16xi32>
        %and3A_378 = arith.andi %get3A_375, %and3A_377 : vector<16xi32>
        %swap3A_379 = arith.constant 32 : index
        %swap3A_380 = tpu.vector_load %arg8[%swap3A_379] {strides = array<i32>} : memref<64xi32, #tpu.memory_space<vmem>>, vector<16xi32>,
        %swap3A_381 = vector.shape_cast %swap3A_380 : vector<16xi32> to vector<16xi32>
        %swap3A_382 = vector.shape_cast %and3A_378 : vector<16xi32> to vector<16xi32>
        tpu.vector_store %arg8[%swap3A_379], %swap3A_382 {strides = array<i32>} : memref<64xi32, #tpu.memory_space<vmem>>, vector<16xi32>,
        %shift_right_logical3A_383 = arith.constant 14 : i32
        %shift_right_logical3A_384 = vector.broadcast %shift_right_logical3A_383 : i32 to vector<16xi32>
        %shift_right_logical3A_385 = arith.shrui %get3A_375, %shift_right_logical3A_384 : vector<16xi32>
        %swap3A_386 = arith.constant 32 : index
        %swap3A_387 = tpu.vector_load %arg12[%swap3A_386] {strides = array<i32>} : memref<64xi32, #tpu.memory_space<vmem>>, vector<16xi32>,
        %swap3A_388 = vector.shape_cast %swap3A_387 : vector<16xi32> to vector<16xi32>
        %swap3A_389 = vector.shape_cast %shift_right_logical3A_385 : vector<16xi32> to vector<16xi32>
        tpu.vector_store %arg12[%swap3A_386], %swap3A_389 {strides = array<i32>} : memref<64xi32, #tpu.memory_space<vmem>>, vector<16xi32>,
        %add3A_390 = arith.constant 48 : i32
        %add3A_391 = arith.addi %mul3A_332, %add3A_390 : i32
        %get3A_392 = arith.index_cast %add3A_391 : i32 to index
        %get3A_393 = tpu.vector_load %arg6[%get3A_392] {strides = array<i32>} : memref<10240xi32, #tpu.memory_space<vmem>>, vector<16xi32>,
        %get3A_394 = vector.shape_cast %get3A_393 : vector<16xi32> to vector<16xi32>
        %and3A_395 = arith.constant 16383 : i32
        %and3A_396 = vector.broadcast %and3A_395 : i32 to vector<16xi32>
        %and3A_397 = arith.andi %get3A_394, %and3A_396 : vector<16xi32>
        %swap3A_398 = arith.constant 48 : index
        %swap3A_399 = tpu.vector_load %arg8[%swap3A_398] {strides = array<i32>} : memref<64xi32, #tpu.memory_space<vmem>>, vector<16xi32>,
        %swap3A_400 = vector.shape_cast %swap3A_399 : vector<16xi32> to vector<16xi32>
        %swap3A_401 = vector.shape_cast %and3A_397 : vector<16xi32> to vector<16xi32>
        tpu.vector_store %arg8[%swap3A_398], %swap3A_401 {strides = array<i32>} : memref<64xi32, #tpu.memory_space<vmem>>, vector<16xi32>,
        %shift_right_logical3A_402 = arith.constant 14 : i32
        %shift_right_logical3A_403 = vector.broadcast %shift_right_logical3A_402 : i32 to vector<16xi32>
        %shift_right_logical3A_404 = arith.shrui %get3A_394, %shift_right_logical3A_403 : vector<16xi32>
        %swap3A_405 = arith.constant 48 : index
        %swap3A_406 = tpu.vector_load %arg12[%swap3A_405] {strides = array<i32>} : memref<64xi32, #tpu.memory_space<vmem>>, vector<16xi32>,
        %swap3A_407 = vector.shape_cast %swap3A_406 : vector<16xi32> to vector<16xi32>
        %swap3A_408 = vector.shape_cast %shift_right_logical3A_404 : vector<16xi32> to vector<16xi32>
        tpu.vector_store %arg12[%swap3A_405], %swap3A_408 {strides = array<i32>} : memref<64xi32, #tpu.memory_space<vmem>>, vector<16xi32>,
        %dma_start3A_409 = arith.constant 0 : i32
        %dma_start3A_410 = arith.constant 0 : i32
        %dma_start3A_411 = tpu.memref_slice %arg2[%dma_start3A_409, %dma_start3A_410] : memref<10000x128xf32, #tpu.memory_space<hbm>> -> memref<10000x128xf32, #tpu.memory_space<hbm>>
        tpu.enqueue_indirect_dma source(%dma_start3A_411 : memref<10000x128xf32, #tpu.memory_space<hbm>>) target(%arg16 : memref<64x128xf32, #tpu.memory_space<vmem>>) offsets(%arg8 : memref<64xi32, #tpu.memory_space<vmem>>) semaphore(%arg21 : memref<!tpu.dma_semaphore, #tpu.memory_space<semaphore_mem>>)
      } else {
      }
      %dma_wait3A_307 = arith.constant 0 : i32
      %dma_wait3A_308 = arith.constant 0 : i32
      %dma_wait3A_309 = tpu.memref_slice %arg2[%dma_wait3A_307, %dma_wait3A_308] : memref<10000x128xf32, #tpu.memory_space<hbm>> -> memref<10000x128xf32, #tpu.memory_space<hbm>>
      tpu.wait_indirect_dma semaphore(%arg22 : memref<!tpu.dma_semaphore, #tpu.memory_space<semaphore_mem>>) src(%dma_wait3A_309 : memref<10000x128xf32, #tpu.memory_space<hbm>>) dst(%arg17 : memref<64x128xf32, #tpu.memory_space<vmem>>)
      "tpu.region"() ({
        %run_scoped3A = tpu.sem_alloc : memref<!tpu.dma_semaphore, #tpu.memory_space<semaphore_mem>>
        %dma_start3A_327 = arith.constant 0 : i32
        %dma_start3A_328 = arith.constant 0 : i32
        %dma_start3A_329 = tpu.memref_slice %arg19[%dma_start3A_327, %dma_start3A_328] : memref<10112x128xf32, #tpu.memory_space<vmem_shared>> -> memref<10112x128xf32, #tpu.memory_space<vmem_shared>>
        tpu.enqueue_indirect_dma source(%arg17 : memref<64x128xf32, #tpu.memory_space<vmem>>) target(%dma_start3A_329 : memref<10112x128xf32, #tpu.memory_space<vmem_shared>>) offsets(%arg13 : memref<64xi32, #tpu.memory_space<vmem>>) semaphore(%run_scoped3A : memref<!tpu.dma_semaphore, #tpu.memory_space<semaphore_mem>>) {add = true}
        %dma_wait3A_330 = arith.constant 0 : i32
        %dma_wait3A_331 = arith.constant 0 : i32
        %dma_wait3A_332 = tpu.memref_slice %arg19[%dma_wait3A_330, %dma_wait3A_331] : memref<10112x128xf32, #tpu.memory_space<vmem_shared>> -> memref<10112x128xf32, #tpu.memory_space<vmem_shared>>
        tpu.wait_indirect_dma semaphore(%run_scoped3A : memref<!tpu.dma_semaphore, #tpu.memory_space<semaphore_mem>>) src(%arg17 : memref<64x128xf32, #tpu.memory_space<vmem>>) dst(%dma_wait3A_332 : memref<10112x128xf32, #tpu.memory_space<vmem_shared>>)
        tpu.yield
      }) : () -> ()
      %add3A_310 = arith.constant 1 : i32
      %add3A_311 = arith.addi %scan3A_288, %add3A_310 : i32
      %lt3A_312 = arith.constant 40 : i32
      %lt3A_313 = arith.cmpi slt, %add3A_311, %lt3A_312 : i32
      %convert_element_type3A_314 = arith.extui %lt3A_313 : i1 to i32
      %cond3A_315 = arith.constant 0 : i32
      %cond3A_316 = arith.cmpi ne, %convert_element_type3A_314, %cond3A_315 : i32
      scf.if %cond3A_316 {
        %add3A_327 = arith.constant 4 : i32
        %add3A_328 = arith.addi %mul3A_290, %add3A_327 : i32
        %add3A_329 = arith.constant 2 : i32
        %add3A_330 = arith.addi %add3A_328, %add3A_329 : i32
        %mul3A_331 = arith.constant 64 : i32
        %mul3A_332 = arith.muli %add3A_330, %mul3A_331 : i32
        %add3A_333 = arith.constant 0 : i32
        %add3A_334 = arith.addi %mul3A_332, %add3A_333 : i32
        %get3A_335 = arith.index_cast %add3A_334 : i32 to index
        %get3A_336 = tpu.vector_load %arg6[%get3A_335] {strides = array<i32>} : memref<10240xi32, #tpu.memory_space<vmem>>, vector<16xi32>,
        %get3A_337 = vector.shape_cast %get3A_336 : vector<16xi32> to vector<16xi32>
        %and3A_338 = arith.constant 16383 : i32
        %and3A_339 = vector.broadcast %and3A_338 : i32 to vector<16xi32>
        %and3A_340 = arith.andi %get3A_337, %and3A_339 : vector<16xi32>
        %swap3A_341 = arith.constant 0 : index
        %swap3A_342 = tpu.vector_load %arg9[%swap3A_341] {strides = array<i32>} : memref<64xi32, #tpu.memory_space<vmem>>, vector<16xi32>,
        %swap3A_343 = vector.shape_cast %swap3A_342 : vector<16xi32> to vector<16xi32>
        %swap3A_344 = vector.shape_cast %and3A_340 : vector<16xi32> to vector<16xi32>
        tpu.vector_store %arg9[%swap3A_341], %swap3A_344 {strides = array<i32>} : memref<64xi32, #tpu.memory_space<vmem>>, vector<16xi32>,
        %shift_right_logical3A_345 = arith.constant 14 : i32
        %shift_right_logical3A_346 = vector.broadcast %shift_right_logical3A_345 : i32 to vector<16xi32>
        %shift_right_logical3A_347 = arith.shrui %get3A_337, %shift_right_logical3A_346 : vector<16xi32>
        %swap3A_348 = arith.constant 0 : index
        %swap3A_349 = tpu.vector_load %arg13[%swap3A_348] {strides = array<i32>} : memref<64xi32, #tpu.memory_space<vmem>>, vector<16xi32>,
        %swap3A_350 = vector.shape_cast %swap3A_349 : vector<16xi32> to vector<16xi32>
        %swap3A_351 = vector.shape_cast %shift_right_logical3A_347 : vector<16xi32> to vector<16xi32>
        tpu.vector_store %arg13[%swap3A_348], %swap3A_351 {strides = array<i32>} : memref<64xi32, #tpu.memory_space<vmem>>, vector<16xi32>,
        %add3A_352 = arith.constant 16 : i32
        %add3A_353 = arith.addi %mul3A_332, %add3A_352 : i32
        %get3A_354 = arith.index_cast %add3A_353 : i32 to index
        %get3A_355 = tpu.vector_load %arg6[%get3A_354] {strides = array<i32>} : memref<10240xi32, #tpu.memory_space<vmem>>, vector<16xi32>,
        %get3A_356 = vector.shape_cast %get3A_355 : vector<16xi32> to vector<16xi32>
        %and3A_357 = arith.constant 16383 : i32
        %and3A_358 = vector.broadcast %and3A_357 : i32 to vector<16xi32>
        %and3A_359 = arith.andi %get3A_356, %and3A_358 : vector<16xi32>
        %swap3A_360 = arith.constant 16 : index
        %swap3A_361 = tpu.vector_load %arg9[%swap3A_360] {strides = array<i32>} : memref<64xi32, #tpu.memory_space<vmem>>, vector<16xi32>,
        %swap3A_362 = vector.shape_cast %swap3A_361 : vector<16xi32> to vector<16xi32>
        %swap3A_363 = vector.shape_cast %and3A_359 : vector<16xi32> to vector<16xi32>
        tpu.vector_store %arg9[%swap3A_360], %swap3A_363 {strides = array<i32>} : memref<64xi32, #tpu.memory_space<vmem>>, vector<16xi32>,
        %shift_right_logical3A_364 = arith.constant 14 : i32
        %shift_right_logical3A_365 = vector.broadcast %shift_right_logical3A_364 : i32 to vector<16xi32>
        %shift_right_logical3A_366 = arith.shrui %get3A_356, %shift_right_logical3A_365 : vector<16xi32>
        %swap3A_367 = arith.constant 16 : index
        %swap3A_368 = tpu.vector_load %arg13[%swap3A_367] {strides = array<i32>} : memref<64xi32, #tpu.memory_space<vmem>>, vector<16xi32>,
        %swap3A_369 = vector.shape_cast %swap3A_368 : vector<16xi32> to vector<16xi32>
        %swap3A_370 = vector.shape_cast %shift_right_logical3A_366 : vector<16xi32> to vector<16xi32>
        tpu.vector_store %arg13[%swap3A_367], %swap3A_370 {strides = array<i32>} : memref<64xi32, #tpu.memory_space<vmem>>, vector<16xi32>,
        %add3A_371 = arith.constant 32 : i32
        %add3A_372 = arith.addi %mul3A_332, %add3A_371 : i32
        %get3A_373 = arith.index_cast %add3A_372 : i32 to index
        %get3A_374 = tpu.vector_load %arg6[%get3A_373] {strides = array<i32>} : memref<10240xi32, #tpu.memory_space<vmem>>, vector<16xi32>,
        %get3A_375 = vector.shape_cast %get3A_374 : vector<16xi32> to vector<16xi32>
        %and3A_376 = arith.constant 16383 : i32
        %and3A_377 = vector.broadcast %and3A_376 : i32 to vector<16xi32>
        %and3A_378 = arith.andi %get3A_375, %and3A_377 : vector<16xi32>
        %swap3A_379 = arith.constant 32 : index
        %swap3A_380 = tpu.vector_load %arg9[%swap3A_379] {strides = array<i32>} : memref<64xi32, #tpu.memory_space<vmem>>, vector<16xi32>,
        %swap3A_381 = vector.shape_cast %swap3A_380 : vector<16xi32> to vector<16xi32>
        %swap3A_382 = vector.shape_cast %and3A_378 : vector<16xi32> to vector<16xi32>
        tpu.vector_store %arg9[%swap3A_379], %swap3A_382 {strides = array<i32>} : memref<64xi32, #tpu.memory_space<vmem>>, vector<16xi32>,
        %shift_right_logical3A_383 = arith.constant 14 : i32
        %shift_right_logical3A_384 = vector.broadcast %shift_right_logical3A_383 : i32 to vector<16xi32>
        %shift_right_logical3A_385 = arith.shrui %get3A_375, %shift_right_logical3A_384 : vector<16xi32>
        %swap3A_386 = arith.constant 32 : index
        %swap3A_387 = tpu.vector_load %arg13[%swap3A_386] {strides = array<i32>} : memref<64xi32, #tpu.memory_space<vmem>>, vector<16xi32>,
        %swap3A_388 = vector.shape_cast %swap3A_387 : vector<16xi32> to vector<16xi32>
        %swap3A_389 = vector.shape_cast %shift_right_logical3A_385 : vector<16xi32> to vector<16xi32>
        tpu.vector_store %arg13[%swap3A_386], %swap3A_389 {strides = array<i32>} : memref<64xi32, #tpu.memory_space<vmem>>, vector<16xi32>,
        %add3A_390 = arith.constant 48 : i32
        %add3A_391 = arith.addi %mul3A_332, %add3A_390 : i32
        %get3A_392 = arith.index_cast %add3A_391 : i32 to index
        %get3A_393 = tpu.vector_load %arg6[%get3A_392] {strides = array<i32>} : memref<10240xi32, #tpu.memory_space<vmem>>, vector<16xi32>,
        %get3A_394 = vector.shape_cast %get3A_393 : vector<16xi32> to vector<16xi32>
        %and3A_395 = arith.constant 16383 : i32
        %and3A_396 = vector.broadcast %and3A_395 : i32 to vector<16xi32>
        %and3A_397 = arith.andi %get3A_394, %and3A_396 : vector<16xi32>
        %swap3A_398 = arith.constant 48 : index
        %swap3A_399 = tpu.vector_load %arg9[%swap3A_398] {strides = array<i32>} : memref<64xi32, #tpu.memory_space<vmem>>, vector<16xi32>,
        %swap3A_400 = vector.shape_cast %swap3A_399 : vector<16xi32> to vector<16xi32>
        %swap3A_401 = vector.shape_cast %and3A_397 : vector<16xi32> to vector<16xi32>
        tpu.vector_store %arg9[%swap3A_398], %swap3A_401 {strides = array<i32>} : memref<64xi32, #tpu.memory_space<vmem>>, vector<16xi32>,
        %shift_right_logical3A_402 = arith.constant 14 : i32
        %shift_right_logical3A_403 = vector.broadcast %shift_right_logical3A_402 : i32 to vector<16xi32>
        %shift_right_logical3A_404 = arith.shrui %get3A_394, %shift_right_logical3A_403 : vector<16xi32>
        %swap3A_405 = arith.constant 48 : index
        %swap3A_406 = tpu.vector_load %arg13[%swap3A_405] {strides = array<i32>} : memref<64xi32, #tpu.memory_space<vmem>>, vector<16xi32>,
        %swap3A_407 = vector.shape_cast %swap3A_406 : vector<16xi32> to vector<16xi32>
        %swap3A_408 = vector.shape_cast %shift_right_logical3A_404 : vector<16xi32> to vector<16xi32>
        tpu.vector_store %arg13[%swap3A_405], %swap3A_408 {strides = array<i32>} : memref<64xi32, #tpu.memory_space<vmem>>, vector<16xi32>,
        %dma_start3A_409 = arith.constant 0 : i32
        %dma_start3A_410 = arith.constant 0 : i32
        %dma_start3A_411 = tpu.memref_slice %arg2[%dma_start3A_409, %dma_start3A_410] : memref<10000x128xf32, #tpu.memory_space<hbm>> -> memref<10000x128xf32, #tpu.memory_space<hbm>>
        tpu.enqueue_indirect_dma source(%dma_start3A_411 : memref<10000x128xf32, #tpu.memory_space<hbm>>) target(%arg17 : memref<64x128xf32, #tpu.memory_space<vmem>>) offsets(%arg9 : memref<64xi32, #tpu.memory_space<vmem>>) semaphore(%arg22 : memref<!tpu.dma_semaphore, #tpu.memory_space<semaphore_mem>>)
      } else {
      }
      %dma_wait3A_317 = arith.constant 0 : i32
      %dma_wait3A_318 = arith.constant 0 : i32
      %dma_wait3A_319 = tpu.memref_slice %arg2[%dma_wait3A_317, %dma_wait3A_318] : memref<10000x128xf32, #tpu.memory_space<hbm>> -> memref<10000x128xf32, #tpu.memory_space<hbm>>
      tpu.wait_indirect_dma semaphore(%arg23 : memref<!tpu.dma_semaphore, #tpu.memory_space<semaphore_mem>>) src(%dma_wait3A_319 : memref<10000x128xf32, #tpu.memory_space<hbm>>) dst(%arg18 : memref<64x128xf32, #tpu.memory_space<vmem>>)
      "tpu.region"() ({
        %run_scoped3A = tpu.sem_alloc : memref<!tpu.dma_semaphore, #tpu.memory_space<semaphore_mem>>
        %dma_start3A_327 = arith.constant 0 : i32
        %dma_start3A_328 = arith.constant 0 : i32
        %dma_start3A_329 = tpu.memref_slice %arg19[%dma_start3A_327, %dma_start3A_328] : memref<10112x128xf32, #tpu.memory_space<vmem_shared>> -> memref<10112x128xf32, #tpu.memory_space<vmem_shared>>
        tpu.enqueue_indirect_dma source(%arg18 : memref<64x128xf32, #tpu.memory_space<vmem>>) target(%dma_start3A_329 : memref<10112x128xf32, #tpu.memory_space<vmem_shared>>) offsets(%arg14 : memref<64xi32, #tpu.memory_space<vmem>>) semaphore(%run_scoped3A : memref<!tpu.dma_semaphore, #tpu.memory_space<semaphore_mem>>) {add = true}
        %dma_wait3A_330 = arith.constant 0 : i32
        %dma_wait3A_331 = arith.constant 0 : i32
        %dma_wait3A_332 = tpu.memref_slice %arg19[%dma_wait3A_330, %dma_wait3A_331] : memref<10112x128xf32, #tpu.memory_space<vmem_shared>> -> memref<10112x128xf32, #tpu.memory_space<vmem_shared>>
        tpu.wait_indirect_dma semaphore(%run_scoped3A : memref<!tpu.dma_semaphore, #tpu.memory_space<semaphore_mem>>) src(%arg18 : memref<64x128xf32, #tpu.memory_space<vmem>>) dst(%dma_wait3A_332 : memref<10112x128xf32, #tpu.memory_space<vmem_shared>>)
        tpu.yield
      }) : () -> ()
      %add3A_320 = arith.constant 1 : i32
      %add3A_321 = arith.addi %scan3A_288, %add3A_320 : i32
      %lt3A_322 = arith.constant 40 : i32
      %lt3A_323 = arith.cmpi slt, %add3A_321, %lt3A_322 : i32
      %convert_element_type3A_324 = arith.extui %lt3A_323 : i1 to i32
      %cond3A_325 = arith.constant 0 : i32
      %cond3A_326 = arith.cmpi ne, %convert_element_type3A_324, %cond3A_325 : i32
      scf.if %cond3A_326 {
        %add3A_327 = arith.constant 4 : i32
        %add3A_328 = arith.addi %mul3A_290, %add3A_327 : i32
        %add3A_329 = arith.constant 3 : i32
        %add3A_330 = arith.addi %add3A_328, %add3A_329 : i32
        %mul3A_331 = arith.constant 64 : i32
        %mul3A_332 = arith.muli %add3A_330, %mul3A_331 : i32
        %add3A_333 = arith.constant 0 : i32
        %add3A_334 = arith.addi %mul3A_332, %add3A_333 : i32
        %get3A_335 = arith.index_cast %add3A_334 : i32 to index
        %get3A_336 = tpu.vector_load %arg6[%get3A_335] {strides = array<i32>} : memref<10240xi32, #tpu.memory_space<vmem>>, vector<16xi32>,
        %get3A_337 = vector.shape_cast %get3A_336 : vector<16xi32> to vector<16xi32>
        %and3A_338 = arith.constant 16383 : i32
        %and3A_339 = vector.broadcast %and3A_338 : i32 to vector<16xi32>
        %and3A_340 = arith.andi %get3A_337, %and3A_339 : vector<16xi32>
        %swap3A_341 = arith.constant 0 : index
        %swap3A_342 = tpu.vector_load %arg10[%swap3A_341] {strides = array<i32>} : memref<64xi32, #tpu.memory_space<vmem>>, vector<16xi32>,
        %swap3A_343 = vector.shape_cast %swap3A_342 : vector<16xi32> to vector<16xi32>
        %swap3A_344 = vector.shape_cast %and3A_340 : vector<16xi32> to vector<16xi32>
        tpu.vector_store %arg10[%swap3A_341], %swap3A_344 {strides = array<i32>} : memref<64xi32, #tpu.memory_space<vmem>>, vector<16xi32>,
        %shift_right_logical3A_345 = arith.constant 14 : i32
        %shift_right_logical3A_346 = vector.broadcast %shift_right_logical3A_345 : i32 to vector<16xi32>
        %shift_right_logical3A_347 = arith.shrui %get3A_337, %shift_right_logical3A_346 : vector<16xi32>
        %swap3A_348 = arith.constant 0 : index
        %swap3A_349 = tpu.vector_load %arg14[%swap3A_348] {strides = array<i32>} : memref<64xi32, #tpu.memory_space<vmem>>, vector<16xi32>,
        %swap3A_350 = vector.shape_cast %swap3A_349 : vector<16xi32> to vector<16xi32>
        %swap3A_351 = vector.shape_cast %shift_right_logical3A_347 : vector<16xi32> to vector<16xi32>
        tpu.vector_store %arg14[%swap3A_348], %swap3A_351 {strides = array<i32>} : memref<64xi32, #tpu.memory_space<vmem>>, vector<16xi32>,
        %add3A_352 = arith.constant 16 : i32
        %add3A_353 = arith.addi %mul3A_332, %add3A_352 : i32
        %get3A_354 = arith.index_cast %add3A_353 : i32 to index
        %get3A_355 = tpu.vector_load %arg6[%get3A_354] {strides = array<i32>} : memref<10240xi32, #tpu.memory_space<vmem>>, vector<16xi32>,
        %get3A_356 = vector.shape_cast %get3A_355 : vector<16xi32> to vector<16xi32>
        %and3A_357 = arith.constant 16383 : i32
        %and3A_358 = vector.broadcast %and3A_357 : i32 to vector<16xi32>
        %and3A_359 = arith.andi %get3A_356, %and3A_358 : vector<16xi32>
        %swap3A_360 = arith.constant 16 : index
        %swap3A_361 = tpu.vector_load %arg10[%swap3A_360] {strides = array<i32>} : memref<64xi32, #tpu.memory_space<vmem>>, vector<16xi32>,
        %swap3A_362 = vector.shape_cast %swap3A_361 : vector<16xi32> to vector<16xi32>
        %swap3A_363 = vector.shape_cast %and3A_359 : vector<16xi32> to vector<16xi32>
        tpu.vector_store %arg10[%swap3A_360], %swap3A_363 {strides = array<i32>} : memref<64xi32, #tpu.memory_space<vmem>>, vector<16xi32>,
        %shift_right_logical3A_364 = arith.constant 14 : i32
        %shift_right_logical3A_365 = vector.broadcast %shift_right_logical3A_364 : i32 to vector<16xi32>
        %shift_right_logical3A_366 = arith.shrui %get3A_356, %shift_right_logical3A_365 : vector<16xi32>
        %swap3A_367 = arith.constant 16 : index
        %swap3A_368 = tpu.vector_load %arg14[%swap3A_367] {strides = array<i32>} : memref<64xi32, #tpu.memory_space<vmem>>, vector<16xi32>,
        %swap3A_369 = vector.shape_cast %swap3A_368 : vector<16xi32> to vector<16xi32>
        %swap3A_370 = vector.shape_cast %shift_right_logical3A_366 : vector<16xi32> to vector<16xi32>
        tpu.vector_store %arg14[%swap3A_367], %swap3A_370 {strides = array<i32>} : memref<64xi32, #tpu.memory_space<vmem>>, vector<16xi32>,
        %add3A_371 = arith.constant 32 : i32
        %add3A_372 = arith.addi %mul3A_332, %add3A_371 : i32
        %get3A_373 = arith.index_cast %add3A_372 : i32 to index
        %get3A_374 = tpu.vector_load %arg6[%get3A_373] {strides = array<i32>} : memref<10240xi32, #tpu.memory_space<vmem>>, vector<16xi32>,
        %get3A_375 = vector.shape_cast %get3A_374 : vector<16xi32> to vector<16xi32>
        %and3A_376 = arith.constant 16383 : i32
        %and3A_377 = vector.broadcast %and3A_376 : i32 to vector<16xi32>
        %and3A_378 = arith.andi %get3A_375, %and3A_377 : vector<16xi32>
        %swap3A_379 = arith.constant 32 : index
        %swap3A_380 = tpu.vector_load %arg10[%swap3A_379] {strides = array<i32>} : memref<64xi32, #tpu.memory_space<vmem>>, vector<16xi32>,
        %swap3A_381 = vector.shape_cast %swap3A_380 : vector<16xi32> to vector<16xi32>
        %swap3A_382 = vector.shape_cast %and3A_378 : vector<16xi32> to vector<16xi32>
        tpu.vector_store %arg10[%swap3A_379], %swap3A_382 {strides = array<i32>} : memref<64xi32, #tpu.memory_space<vmem>>, vector<16xi32>,
        %shift_right_logical3A_383 = arith.constant 14 : i32
        %shift_right_logical3A_384 = vector.broadcast %shift_right_logical3A_383 : i32 to vector<16xi32>
        %shift_right_logical3A_385 = arith.shrui %get3A_375, %shift_right_logical3A_384 : vector<16xi32>
        %swap3A_386 = arith.constant 32 : index
        %swap3A_387 = tpu.vector_load %arg14[%swap3A_386] {strides = array<i32>} : memref<64xi32, #tpu.memory_space<vmem>>, vector<16xi32>,
        %swap3A_388 = vector.shape_cast %swap3A_387 : vector<16xi32> to vector<16xi32>
        %swap3A_389 = vector.shape_cast %shift_right_logical3A_385 : vector<16xi32> to vector<16xi32>
        tpu.vector_store %arg14[%swap3A_386], %swap3A_389 {strides = array<i32>} : memref<64xi32, #tpu.memory_space<vmem>>, vector<16xi32>,
        %add3A_390 = arith.constant 48 : i32
        %add3A_391 = arith.addi %mul3A_332, %add3A_390 : i32
        %get3A_392 = arith.index_cast %add3A_391 : i32 to index
        %get3A_393 = tpu.vector_load %arg6[%get3A_392] {strides = array<i32>} : memref<10240xi32, #tpu.memory_space<vmem>>, vector<16xi32>,
        %get3A_394 = vector.shape_cast %get3A_393 : vector<16xi32> to vector<16xi32>
        %and3A_395 = arith.constant 16383 : i32
        %and3A_396 = vector.broadcast %and3A_395 : i32 to vector<16xi32>
        %and3A_397 = arith.andi %get3A_394, %and3A_396 : vector<16xi32>
        %swap3A_398 = arith.constant 48 : index
        %swap3A_399 = tpu.vector_load %arg10[%swap3A_398] {strides = array<i32>} : memref<64xi32, #tpu.memory_space<vmem>>, vector<16xi32>,
        %swap3A_400 = vector.shape_cast %swap3A_399 : vector<16xi32> to vector<16xi32>
        %swap3A_401 = vector.shape_cast %and3A_397 : vector<16xi32> to vector<16xi32>
        tpu.vector_store %arg10[%swap3A_398], %swap3A_401 {strides = array<i32>} : memref<64xi32, #tpu.memory_space<vmem>>, vector<16xi32>,
        %shift_right_logical3A_402 = arith.constant 14 : i32
        %shift_right_logical3A_403 = vector.broadcast %shift_right_logical3A_402 : i32 to vector<16xi32>
        %shift_right_logical3A_404 = arith.shrui %get3A_394, %shift_right_logical3A_403 : vector<16xi32>
        %swap3A_405 = arith.constant 48 : index
        %swap3A_406 = tpu.vector_load %arg14[%swap3A_405] {strides = array<i32>} : memref<64xi32, #tpu.memory_space<vmem>>, vector<16xi32>,
        %swap3A_407 = vector.shape_cast %swap3A_406 : vector<16xi32> to vector<16xi32>
        %swap3A_408 = vector.shape_cast %shift_right_logical3A_404 : vector<16xi32> to vector<16xi32>
        tpu.vector_store %arg14[%swap3A_405], %swap3A_408 {strides = array<i32>} : memref<64xi32, #tpu.memory_space<vmem>>, vector<16xi32>,
        %dma_start3A_409 = arith.constant 0 : i32
        %dma_start3A_410 = arith.constant 0 : i32
        %dma_start3A_411 = tpu.memref_slice %arg2[%dma_start3A_409, %dma_start3A_410] : memref<10000x128xf32, #tpu.memory_space<hbm>> -> memref<10000x128xf32, #tpu.memory_space<hbm>>
        tpu.enqueue_indirect_dma source(%dma_start3A_411 : memref<10000x128xf32, #tpu.memory_space<hbm>>) target(%arg18 : memref<64x128xf32, #tpu.memory_space<vmem>>) offsets(%arg10 : memref<64xi32, #tpu.memory_space<vmem>>) semaphore(%arg23 : memref<!tpu.dma_semaphore, #tpu.memory_space<semaphore_mem>>)
      } else {
      }
    }
    %scan3A_286 = arith.constant 40 : i32
    %barrier3A_287 = arith.constant 0 : index
    tpu.barrier barrier_id(%barrier3A_287)
    "tpu.region"() ({
      %run_scoped3A = tpu.sem_alloc : memref<!tpu.dma_semaphore, #tpu.memory_space<semaphore_mem>>
      %dma_start3A_288 = arith.constant 0 : i32
      %dma_start3A_289 = arith.constant 0 : i32
      %dma_start3A_290 = tpu.memref_slice %arg5[%arg0, %dma_start3A_288, %dma_start3A_289] : memref<2x10112x128xf32, #tpu.memory_space<hbm>> -> memref<1x10112x128xf32, #tpu.memory_space<hbm>>
      %dma_start3A_291 = tpu.memref_squeeze %dma_start3A_290 : memref<1x10112x128xf32, #tpu.memory_space<hbm>> -> memref<10112x128xf32, #tpu.memory_space<hbm>>
      %dma_start3A_292 = arith.constant 0 : i32
      %dma_start3A_293 = tpu.memref_slice %dma_start3A_291[%mul3A_2, %dma_start3A_292] : memref<10112x128xf32, #tpu.memory_space<hbm>> -> memref<632x128xf32, #tpu.memory_space<hbm>>
      %dma_start3A_294 = arith.constant 0 : i32
      %dma_start3A_295 = tpu.memref_slice %arg19[%mul3A_2, %dma_start3A_294] : memref<10112x128xf32, #tpu.memory_space<vmem_shared>> -> memref<632x128xf32, #tpu.memory_space<vmem_shared>>
      tpu.enqueue_dma source(%dma_start3A_295 : memref<632x128xf32, #tpu.memory_space<vmem_shared>>) target(%dma_start3A_293 : memref<632x128xf32, #tpu.memory_space<hbm>>) target_semaphore(%run_scoped3A : memref<!tpu.dma_semaphore, #tpu.memory_space<semaphore_mem>>)
      %dma_wait3A = arith.constant 0 : i32
      %dma_wait3A_296 = arith.constant 0 : i32
      %dma_wait3A_297 = tpu.memref_slice %arg5[%arg0, %dma_wait3A, %dma_wait3A_296] : memref<2x10112x128xf32, #tpu.memory_space<hbm>> -> memref<1x10112x128xf32, #tpu.memory_space<hbm>>
      %dma_wait3A_298 = tpu.memref_squeeze %dma_wait3A_297 : memref<1x10112x128xf32, #tpu.memory_space<hbm>> -> memref<10112x128xf32, #tpu.memory_space<hbm>>
      %dma_wait3A_299 = arith.constant 0 : i32
      %dma_wait3A_300 = tpu.memref_slice %dma_wait3A_298[%mul3A_2, %dma_wait3A_299] : memref<10112x128xf32, #tpu.memory_space<hbm>> -> memref<632x128xf32, #tpu.memory_space<hbm>>
      %dma_wait3A_301 = arith.constant 0 : i32
      %dma_wait3A_302 = tpu.memref_slice %arg19[%mul3A_2, %dma_wait3A_301] : memref<10112x128xf32, #tpu.memory_space<vmem_shared>> -> memref<632x128xf32, #tpu.memory_space<vmem_shared>>
      tpu.wait_dma2 semaphore(%run_scoped3A : memref<!tpu.dma_semaphore, #tpu.memory_space<semaphore_mem>>) src(%dma_wait3A_302 : memref<632x128xf32, #tpu.memory_space<vmem_shared>>) dst(%dma_wait3A_300 : memref<632x128xf32, #tpu.memory_space<hbm>>)
      tpu.yield
    }) : () -> ()
    return
  }
}

module attributes {stable_mosaic.version = 14 : i64} {
  func.func @body(%arg0: i32, %arg1: memref<8x10000xi32, #tpu.memory_space<vmem>>, %arg2: memref<8x10000xi32, #tpu.memory_space<vmem>>, %arg3: memref<8x10240xi32, #tpu.memory_space<vmem>>) attributes {dimension_semantics = [#tpu.dimension_semantics<arbitrary>], iteration_bounds = array<i64: 4>, scalar_prefetch = 0 : i64, scratch_operands = 0 : i64, tpu.core_type = #tpu.core_type<tc>, window_params = [{transform_indices = @transform_0, window_bounds = array<i64: 8, 10000>}, {transform_indices = @transform_1, window_bounds = array<i64: 8, 10000>}, {transform_indices = @transform_2, window_bounds = array<i64: 8, 10240>}]} {
    %get3A = arith.constant 0 : index
    %get3A_0 = arith.constant 0 : index
    %get3A_1 = vector.load %arg1[%get3A, %get3A_0] : memref<8x10000xi32, #tpu.memory_space<vmem>>, vector<8x10000xi32>
    %get3A_2 = arith.constant 0 : index
    %get3A_3 = arith.constant 0 : index
    %get3A_4 = vector.load %arg2[%get3A_2, %get3A_3] : memref<8x10000xi32, #tpu.memory_space<vmem>>, vector<8x10000xi32>
    %shift_left3A = arith.constant 14 : i32
    %shift_left3A_5 = vector.broadcast %shift_left3A : i32 to vector<8x10000xi32>
    %shift_left3A_6 = arith.shli %get3A_4, %shift_left3A_5 : vector<8x10000xi32>
    %or3A = arith.ori %get3A_1, %shift_left3A_6 : vector<8x10000xi32>
    %iota3A = tpu.iota {dimensions = array<i32: 1>} : vector<8x240xi32>
    %rem3A = arith.constant 112 : i32
    %rem3A_7 = vector.broadcast %rem3A : i32 to vector<8x240xi32>
    %rem3A_8 = arith.remsi %iota3A, %rem3A_7 : vector<8x240xi32>
    %add3A = arith.constant 10000 : i32
    %add3A_9 = vector.broadcast %add3A : i32 to vector<8x240xi32>
    %add3A_10 = arith.addi %add3A_9, %rem3A_8 : vector<8x240xi32>
    %shift_left3A_11 = arith.constant 14 : i32
    %shift_left3A_12 = vector.broadcast %shift_left3A_11 : i32 to vector<8x240xi32>
    %shift_left3A_13 = arith.shli %add3A_10, %shift_left3A_12 : vector<8x240xi32>
    %concatenate3A = tpu.concatenate %or3A, %shift_left3A_13 in 1 : vector<8x10000xi32>, vector<8x240xi32> -> vector<8x10240xi32>
    %swap3A = arith.constant 0 : index
    %swap3A_14 = arith.constant 0 : index
    %swap3A_15 = vector.load %arg3[%swap3A, %swap3A_14] : memref<8x10240xi32, #tpu.memory_space<vmem>>, vector<8x10240xi32>
    tpu.vector_store %arg3[%swap3A, %swap3A_14], %concatenate3A {strides = array<i32>} : memref<8x10240xi32, #tpu.memory_space<vmem>>, vector<8x10240xi32>,
    return
  }
  func.func @transform_0(%arg0: i32) -> (i32, i32) {
    %c0_i32 = arith.constant 0 : i32
    %c0_i32_0 = arith.constant 0 : i32
    return %arg0, %c0_i32 : i32, i32
  }
  func.func @transform_1(%arg0: i32) -> (i32, i32) {
    %c0_i32 = arith.constant 0 : i32
    %c0_i32_0 = arith.constant 0 : i32
    return %arg0, %c0_i32 : i32, i32
  }
  func.func @transform_2(%arg0: i32) -> (i32, i32) {
    %c0_i32 = arith.constant 0 : i32
    %c0_i32_0 = arith.constant 0 : i32
    return %arg0, %c0_i32 : i32, i32
  }
}

module attributes {stable_mosaic.version = 14 : i64} {
  func.func @body(%arg0: memref<2x12288xf32, #tpu.memory_space<vmem>>, %arg1: memref<12288x16xf32, #tpu.memory_space<vmem>>) attributes {dimension_semantics = [], scalar_prefetch = 0 : i64, scratch_operands = 0 : i64, tpu.core_type = #tpu.core_type<tc>} {
    %get3A = arith.constant 0 : index
    %get3A_0 = arith.constant 0 : index
    %get3A_1 = vector.load %arg0[%get3A, %get3A_0] : memref<2x12288xf32, #tpu.memory_space<vmem>>, vector<1x12288xf32>
    %get3A_2 = vector.shape_cast %get3A_1 : vector<1x12288xf32> to vector<12288xf32>
    %add3A = arith.constant 1.000000e+00 : f32
    %add3A_3 = vector.broadcast %add3A : f32 to vector<12288xf32>
    %add3A_4 = arith.addf %add3A_3, %get3A_2 : vector<12288xf32>
    %get3A_5 = arith.constant 1 : index
    %get3A_6 = arith.constant 0 : index
    %get3A_7 = vector.load %arg0[%get3A_5, %get3A_6] : memref<2x12288xf32, #tpu.memory_space<vmem>>, vector<1x12288xf32>
    %get3A_8 = vector.shape_cast %get3A_7 : vector<1x12288xf32> to vector<12288xf32>
    %add3A_9 = arith.addf %add3A_4, %get3A_8 : vector<12288xf32>
    %rsqrt3A = math.rsqrt %add3A_9 : vector<12288xf32>
    %broadcast_in_dim3A = vector.shape_cast %rsqrt3A : vector<12288xf32> to vector<12288x1xf32>
    %broadcast_in_dim3A_10 = vector.shape_cast %broadcast_in_dim3A : vector<12288x1xf32> to vector<12288x1xf32>
    %broadcast_in_dim3A_11 = vector.broadcast %broadcast_in_dim3A_10 : vector<12288x1xf32> to vector<12288x16xf32>
    %swap3A = arith.constant 0 : index
    %swap3A_12 = arith.constant 0 : index
    %swap3A_13 = vector.load %arg1[%swap3A, %swap3A_12] : memref<12288x16xf32, #tpu.memory_space<vmem>>, vector<12288x16xf32>
    tpu.vector_store %arg1[%swap3A, %swap3A_12], %broadcast_in_dim3A_11 {strides = array<i32>} : memref<12288x16xf32, #tpu.memory_space<vmem>>, vector<12288x16xf32>,
    return
  }
}

module attributes {stable_mosaic.version = 14 : i64} {
  func.func @body(%arg0: i32, %arg1: memref<1000x16xf32, #tpu.memory_space<vmem>>, %arg2: memref<1000x128xf32, #tpu.memory_space<vmem>>, %arg3: memref<128x128xf32, #tpu.memory_space<vmem>>, %arg4: memref<1000x128xf32, #tpu.memory_space<vmem>>) attributes {dimension_semantics = [#tpu.dimension_semantics<arbitrary>], iteration_bounds = array<i64: 10>, scalar_prefetch = 0 : i64, scratch_operands = 0 : i64, tpu.core_type = #tpu.core_type<tc>, window_params = [{transform_indices = @transform_0, window_bounds = array<i64: 1000, 16>}, {transform_indices = @transform_1, window_bounds = array<i64: 1000, 128>}, {pipeline_mode = #tpu.pipeline_mode<synchronous>, transform_indices = @transform_2, window_bounds = array<i64: 128, 128>}, {transform_indices = @transform_3, window_bounds = array<i64: 1000, 128>}]} {
    %get3A = arith.constant 0 : index
    %get3A_0 = arith.constant 0 : index
    %get3A_1 = vector.load %arg2[%get3A, %get3A_0] : memref<1000x128xf32, #tpu.memory_space<vmem>>, vector<1000x128xf32>
    %get3A_2 = arith.constant 0 : index
    %get3A_3 = arith.constant 0 : index
    %get3A_4 = vector.load %arg3[%get3A_2, %get3A_3] : memref<128x128xf32, #tpu.memory_space<vmem>>, vector<128x128xf32>
    %dot_general3A = arith.constant dense<0.000000e+00> : vector<1000x128xf32>
    %dot_general3A_5 = tpu.matmul %get3A_1, %get3A_4, %dot_general3A {dimension_numbers = #tpu.dot_dimension_numbers<[1], [0], [0], [1], [0, 0, 1, 1], [], []>, transpose_lhs_hint = false} : vector<1000x128xf32>, vector<128x128xf32>, vector<1000x128xf32> -> vector<1000x128xf32>
    %get3A_6 = arith.constant 0 : index
    %get3A_7 = arith.constant 0 : index
    %get3A_8 = vector.load %arg1[%get3A_6, %get3A_7] : memref<1000x16xf32, #tpu.memory_space<vmem>>, vector<1000x1xf32>
    %mul3A = vector.broadcast %get3A_8 : vector<1000x1xf32> to vector<1000x128xf32>
    %mul3A_9 = arith.mulf %dot_general3A_5, %mul3A : vector<1000x128xf32>
    %swap3A = arith.constant 0 : index
    %swap3A_10 = arith.constant 0 : index
    %swap3A_11 = vector.load %arg4[%swap3A, %swap3A_10] : memref<1000x128xf32, #tpu.memory_space<vmem>>, vector<1000x128xf32>
    tpu.vector_store %arg4[%swap3A, %swap3A_10], %mul3A_9 {strides = array<i32>} : memref<1000x128xf32, #tpu.memory_space<vmem>>, vector<1000x128xf32>,
    return
  }
  func.func @transform_0(%arg0: i32) -> (i32, i32) {
    %c0_i32 = arith.constant 0 : i32
    %c0_i32_0 = arith.constant 0 : i32
    return %arg0, %c0_i32 : i32, i32
  }
  func.func @transform_1(%arg0: i32) -> (i32, i32) {
    %c0_i32 = arith.constant 0 : i32
    %c0_i32_0 = arith.constant 0 : i32
    return %arg0, %c0_i32 : i32, i32
  }
  func.func @transform_2(%arg0: i32) -> (i32, i32) {
    %c0_i32 = arith.constant 0 : i32
    %c0_i32_0 = arith.constant 0 : i32
    %c0_i32_1 = arith.constant 0 : i32
    return %c0_i32, %c0_i32_0 : i32, i32
  }
  func.func @transform_3(%arg0: i32) -> (i32, i32) {
    %c0_i32 = arith.constant 0 : i32
    %c0_i32_0 = arith.constant 0 : i32
    return %arg0, %c0_i32 : i32, i32
  }
}

module attributes {stable_mosaic.version = 14 : i64} {
  func.func @body(%arg0: i32, %arg1: memref<2x1000x128xf32, #tpu.memory_space<vmem>>, %arg2: memref<1000x128xf32, #tpu.memory_space<vmem>>, %arg3: memref<1000x16xf32, #tpu.memory_space<vmem>>, %arg4: memref<1x128xf32, #tpu.memory_space<vmem>>, %arg5: memref<128x128xf32, #tpu.memory_space<vmem>>, %arg6: memref<1000x128xf32, #tpu.memory_space<vmem>>, %arg7: memref<1000x128xf32, #tpu.memory_space<vmem>>) attributes {dimension_semantics = [#tpu.dimension_semantics<arbitrary>], iteration_bounds = array<i64: 10>, scalar_prefetch = 0 : i64, scratch_operands = 0 : i64, tpu.core_type = #tpu.core_type<tc>, window_params = [{transform_indices = @transform_0, window_bounds = array<i64: 2, 1000, 128>}, {transform_indices = @transform_1, window_bounds = array<i64: 1000, 128>}, {transform_indices = @transform_2, window_bounds = array<i64: 1000, 16>}, {pipeline_mode = #tpu.pipeline_mode<synchronous>, transform_indices = @transform_3, window_bounds = array<i64: 1, 128>}, {pipeline_mode = #tpu.pipeline_mode<synchronous>, transform_indices = @transform_4, window_bounds = array<i64: 128, 128>}, {transform_indices = @transform_5, window_bounds = array<i64: 1000, 128>}, {transform_indices = @transform_6, window_bounds = array<i64: 1000, 128>}]} {
    %get3A = arith.constant 0 : index
    %get3A_0 = arith.constant 0 : index
    %get3A_1 = vector.load %arg3[%get3A, %get3A_0] : memref<1000x16xf32, #tpu.memory_space<vmem>>, vector<1000x1xf32>
    %get3A_2 = arith.constant 0 : index
    %get3A_3 = arith.constant 0 : index
    %get3A_4 = arith.constant 0 : index
    %get3A_5 = vector.load %arg1[%get3A_2, %get3A_3, %get3A_4] : memref<2x1000x128xf32, #tpu.memory_space<vmem>>, vector<1x1000x128xf32>
    %get3A_6 = vector.shape_cast %get3A_5 : vector<1x1000x128xf32> to vector<1000x128xf32>
    %get3A_7 = arith.constant 1 : index
    %get3A_8 = arith.constant 0 : index
    %get3A_9 = arith.constant 0 : index
    %get3A_10 = vector.load %arg1[%get3A_7, %get3A_8, %get3A_9] : memref<2x1000x128xf32, #tpu.memory_space<vmem>>, vector<1x1000x128xf32>
    %get3A_11 = vector.shape_cast %get3A_10 : vector<1x1000x128xf32> to vector<1000x128xf32>
    %add3A = arith.addf %get3A_6, %get3A_11 : vector<1000x128xf32>
    %get3A_12 = arith.constant 0 : index
    %get3A_13 = arith.constant 0 : index
    %get3A_14 = vector.load %arg2[%get3A_12, %get3A_13] : memref<1000x128xf32, #tpu.memory_space<vmem>>, vector<1000x128xf32>
    %add3A_15 = arith.addf %add3A, %get3A_14 : vector<1000x128xf32>
    %mul3A = vector.broadcast %get3A_1 : vector<1000x1xf32> to vector<1000x128xf32>
    %mul3A_16 = arith.mulf %add3A_15, %mul3A : vector<1000x128xf32>
    %get3A_17 = arith.constant 0 : index
    %get3A_18 = arith.constant 0 : index
    %get3A_19 = vector.load %arg4[%get3A_17, %get3A_18] : memref<1x128xf32, #tpu.memory_space<vmem>>, vector<1x128xf32>
    %add3A_20 = vector.broadcast %get3A_19 : vector<1x128xf32> to vector<1000x128xf32>
    %add3A_21 = arith.addf %mul3A_16, %add3A_20 : vector<1000x128xf32>
    %max3A = arith.constant 0.000000e+00 : f32
    %max3A_22 = vector.broadcast %max3A : f32 to vector<1000x128xf32>
    %max3A_23 = arith.maximumf %add3A_21, %max3A_22 : vector<1000x128xf32>
    %swap3A = arith.constant 0 : index
    %swap3A_24 = arith.constant 0 : index
    %swap3A_25 = vector.load %arg6[%swap3A, %swap3A_24] : memref<1000x128xf32, #tpu.memory_space<vmem>>, vector<1000x128xf32>
    tpu.vector_store %arg6[%swap3A, %swap3A_24], %max3A_23 {strides = array<i32>} : memref<1000x128xf32, #tpu.memory_space<vmem>>, vector<1000x128xf32>,
    %get3A_26 = arith.constant 0 : index
    %get3A_27 = arith.constant 0 : index
    %get3A_28 = vector.load %arg5[%get3A_26, %get3A_27] : memref<128x128xf32, #tpu.memory_space<vmem>>, vector<128x128xf32>
    %dot_general3A = arith.constant dense<0.000000e+00> : vector<1000x128xf32>
    %dot_general3A_29 = tpu.matmul %max3A_23, %get3A_28, %dot_general3A {dimension_numbers = #tpu.dot_dimension_numbers<[1], [0], [0], [1], [0, 0, 1, 1], [], []>, transpose_lhs_hint = false} : vector<1000x128xf32>, vector<128x128xf32>, vector<1000x128xf32> -> vector<1000x128xf32>
    %mul3A_30 = vector.broadcast %get3A_1 : vector<1000x1xf32> to vector<1000x128xf32>
    %mul3A_31 = arith.mulf %dot_general3A_29, %mul3A_30 : vector<1000x128xf32>
    %swap3A_32 = arith.constant 0 : index
    %swap3A_33 = arith.constant 0 : index
    %swap3A_34 = vector.load %arg7[%swap3A_32, %swap3A_33] : memref<1000x128xf32, #tpu.memory_space<vmem>>, vector<1000x128xf32>
    tpu.vector_store %arg7[%swap3A_32, %swap3A_33], %mul3A_31 {strides = array<i32>} : memref<1000x128xf32, #tpu.memory_space<vmem>>, vector<1000x128xf32>,
    return
  }
  func.func @transform_0(%arg0: i32) -> (i32, i32, i32) {
    %c0_i32 = arith.constant 0 : i32
    %c0_i32_0 = arith.constant 0 : i32
    %c0_i32_1 = arith.constant 0 : i32
    return %c0_i32, %arg0, %c0_i32_0 : i32, i32, i32
  }
  func.func @transform_1(%arg0: i32) -> (i32, i32) {
    %c0_i32 = arith.constant 0 : i32
    %c0_i32_0 = arith.constant 0 : i32
    return %arg0, %c0_i32 : i32, i32
  }
  func.func @transform_2(%arg0: i32) -> (i32, i32) {
    %c0_i32 = arith.constant 0 : i32
    %c0_i32_0 = arith.constant 0 : i32
    return %arg0, %c0_i32 : i32, i32
  }
  func.func @transform_3(%arg0: i32) -> (i32, i32) {
    %c0_i32 = arith.constant 0 : i32
    %c0_i32_0 = arith.constant 0 : i32
    %c0_i32_1 = arith.constant 0 : i32
    return %c0_i32, %c0_i32_0 : i32, i32
  }
  func.func @transform_4(%arg0: i32) -> (i32, i32) {
    %c0_i32 = arith.constant 0 : i32
    %c0_i32_0 = arith.constant 0 : i32
    %c0_i32_1 = arith.constant 0 : i32
    return %c0_i32, %c0_i32_0 : i32, i32
  }
  func.func @transform_5(%arg0: i32) -> (i32, i32) {
    %c0_i32 = arith.constant 0 : i32
    %c0_i32_0 = arith.constant 0 : i32
    return %arg0, %c0_i32 : i32, i32
  }
  func.func @transform_6(%arg0: i32) -> (i32, i32) {
    %c0_i32 = arith.constant 0 : i32
    %c0_i32_0 = arith.constant 0 : i32
    return %arg0, %c0_i32 : i32, i32
  }
}

module attributes {stable_mosaic.version = 14 : i64} {
  func.func @body(%arg0: i32, %arg1: memref<2x1000x128xf32, #tpu.memory_space<vmem>>, %arg2: memref<1000x128xf32, #tpu.memory_space<vmem>>, %arg3: memref<1000x16xf32, #tpu.memory_space<vmem>>, %arg4: memref<1x128xf32, #tpu.memory_space<vmem>>, %arg5: memref<128x16xf32, #tpu.memory_space<vmem>>, %arg6: memref<1x16xf32, #tpu.memory_space<vmem>>, %arg7: memref<1000x128xf32, #tpu.memory_space<vmem>>, %arg8: memref<1000x16xf32, #tpu.memory_space<vmem>>, %arg9: memref<1000x272xf32, #tpu.memory_space<vmem>>) attributes {dimension_semantics = [#tpu.dimension_semantics<arbitrary>], iteration_bounds = array<i64: 10>, scalar_prefetch = 0 : i64, scratch_operands = 0 : i64, tpu.core_type = #tpu.core_type<tc>, window_params = [{transform_indices = @transform_0, window_bounds = array<i64: 2, 1000, 128>}, {transform_indices = @transform_1, window_bounds = array<i64: 1000, 128>}, {transform_indices = @transform_2, window_bounds = array<i64: 1000, 16>}, {pipeline_mode = #tpu.pipeline_mode<synchronous>, transform_indices = @transform_3, window_bounds = array<i64: 1, 128>}, {pipeline_mode = #tpu.pipeline_mode<synchronous>, transform_indices = @transform_4, window_bounds = array<i64: 128, 16>}, {pipeline_mode = #tpu.pipeline_mode<synchronous>, transform_indices = @transform_5, window_bounds = array<i64: 1, 16>}, {transform_indices = @transform_6, window_bounds = array<i64: 1000, 128>}, {transform_indices = @transform_7, window_bounds = array<i64: 1000, 16>}, {transform_indices = @transform_8, window_bounds = array<i64: 1000, 272>}]} {
    %get3A = arith.constant 0 : index
    %get3A_0 = arith.constant 0 : index
    %get3A_1 = vector.load %arg3[%get3A, %get3A_0] : memref<1000x16xf32, #tpu.memory_space<vmem>>, vector<1000x1xf32>
    %get3A_2 = arith.constant 0 : index
    %get3A_3 = arith.constant 0 : index
    %get3A_4 = arith.constant 0 : index
    %get3A_5 = vector.load %arg1[%get3A_2, %get3A_3, %get3A_4] : memref<2x1000x128xf32, #tpu.memory_space<vmem>>, vector<1x1000x128xf32>
    %get3A_6 = vector.shape_cast %get3A_5 : vector<1x1000x128xf32> to vector<1000x128xf32>
    %get3A_7 = arith.constant 1 : index
    %get3A_8 = arith.constant 0 : index
    %get3A_9 = arith.constant 0 : index
    %get3A_10 = vector.load %arg1[%get3A_7, %get3A_8, %get3A_9] : memref<2x1000x128xf32, #tpu.memory_space<vmem>>, vector<1x1000x128xf32>
    %get3A_11 = vector.shape_cast %get3A_10 : vector<1x1000x128xf32> to vector<1000x128xf32>
    %add3A = arith.addf %get3A_6, %get3A_11 : vector<1000x128xf32>
    %get3A_12 = arith.constant 0 : index
    %get3A_13 = arith.constant 0 : index
    %get3A_14 = vector.load %arg2[%get3A_12, %get3A_13] : memref<1000x128xf32, #tpu.memory_space<vmem>>, vector<1000x128xf32>
    %add3A_15 = arith.addf %add3A, %get3A_14 : vector<1000x128xf32>
    %mul3A = vector.broadcast %get3A_1 : vector<1000x1xf32> to vector<1000x128xf32>
    %mul3A_16 = arith.mulf %add3A_15, %mul3A : vector<1000x128xf32>
    %get3A_17 = arith.constant 0 : index
    %get3A_18 = arith.constant 0 : index
    %get3A_19 = vector.load %arg4[%get3A_17, %get3A_18] : memref<1x128xf32, #tpu.memory_space<vmem>>, vector<1x128xf32>
    %add3A_20 = vector.broadcast %get3A_19 : vector<1x128xf32> to vector<1000x128xf32>
    %add3A_21 = arith.addf %mul3A_16, %add3A_20 : vector<1000x128xf32>
    %max3A = arith.constant 0.000000e+00 : f32
    %max3A_22 = vector.broadcast %max3A : f32 to vector<1000x128xf32>
    %max3A_23 = arith.maximumf %add3A_21, %max3A_22 : vector<1000x128xf32>
    %get3A_24 = arith.constant 0 : index
    %get3A_25 = arith.constant 0 : index
    %get3A_26 = vector.load %arg5[%get3A_24, %get3A_25] : memref<128x16xf32, #tpu.memory_space<vmem>>, vector<128x16xf32>
    %dot_general3A = arith.constant dense<0.000000e+00> : vector<1000x16xf32>
    %dot_general3A_27 = tpu.matmul %max3A_23, %get3A_26, %dot_general3A {dimension_numbers = #tpu.dot_dimension_numbers<[1], [0], [0], [1], [0, 0, 1, 1], [], []>, transpose_lhs_hint = false} : vector<1000x128xf32>, vector<128x16xf32>, vector<1000x16xf32> -> vector<1000x16xf32>
    %get3A_28 = arith.constant 0 : index
    %get3A_29 = arith.constant 0 : index
    %get3A_30 = vector.load %arg6[%get3A_28, %get3A_29] : memref<1x16xf32, #tpu.memory_space<vmem>>, vector<1x16xf32>
    %add3A_31 = vector.broadcast %get3A_30 : vector<1x16xf32> to vector<1000x16xf32>
    %add3A_32 = arith.addf %dot_general3A_27, %add3A_31 : vector<1000x16xf32>
    %swap3A = arith.constant 0 : index
    %swap3A_33 = arith.constant 0 : index
    %swap3A_34 = vector.load %arg8[%swap3A, %swap3A_33] : memref<1000x16xf32, #tpu.memory_space<vmem>>, vector<1000x16xf32>
    tpu.vector_store %arg8[%swap3A, %swap3A_33], %add3A_32 {strides = array<i32>} : memref<1000x16xf32, #tpu.memory_space<vmem>>, vector<1000x16xf32>,
    %get3A_35 = arith.constant 0 : index
    %get3A_36 = arith.constant 0 : index
    %get3A_37 = vector.load %arg7[%get3A_35, %get3A_36] : memref<1000x128xf32, #tpu.memory_space<vmem>>, vector<1000x128xf32>
    %concatenate3A = tpu.concatenate %get3A_37, %max3A_23, %add3A_32 in 1 : vector<1000x128xf32>, vector<1000x128xf32>, vector<1000x16xf32> -> vector<1000x272xf32>
    %swap3A_38 = arith.constant 0 : index
    %swap3A_39 = arith.constant 0 : index
    %swap3A_40 = vector.load %arg9[%swap3A_38, %swap3A_39] : memref<1000x272xf32, #tpu.memory_space<vmem>>, vector<1000x272xf32>
    tpu.vector_store %arg9[%swap3A_38, %swap3A_39], %concatenate3A {strides = array<i32>} : memref<1000x272xf32, #tpu.memory_space<vmem>>, vector<1000x272xf32>,
    return
  }
  func.func @transform_0(%arg0: i32) -> (i32, i32, i32) {
    %c0_i32 = arith.constant 0 : i32
    %c0_i32_0 = arith.constant 0 : i32
    %c0_i32_1 = arith.constant 0 : i32
    return %c0_i32, %arg0, %c0_i32_0 : i32, i32, i32
  }
  func.func @transform_1(%arg0: i32) -> (i32, i32) {
    %c0_i32 = arith.constant 0 : i32
    %c0_i32_0 = arith.constant 0 : i32
    return %arg0, %c0_i32 : i32, i32
  }
  func.func @transform_2(%arg0: i32) -> (i32, i32) {
    %c0_i32 = arith.constant 0 : i32
    %c0_i32_0 = arith.constant 0 : i32
    return %arg0, %c0_i32 : i32, i32
  }
  func.func @transform_3(%arg0: i32) -> (i32, i32) {
    %c0_i32 = arith.constant 0 : i32
    %c0_i32_0 = arith.constant 0 : i32
    %c0_i32_1 = arith.constant 0 : i32
    return %c0_i32, %c0_i32_0 : i32, i32
  }
  func.func @transform_4(%arg0: i32) -> (i32, i32) {
    %c0_i32 = arith.constant 0 : i32
    %c0_i32_0 = arith.constant 0 : i32
    %c0_i32_1 = arith.constant 0 : i32
    return %c0_i32, %c0_i32_0 : i32, i32
  }
  func.func @transform_5(%arg0: i32) -> (i32, i32) {
    %c0_i32 = arith.constant 0 : i32
    %c0_i32_0 = arith.constant 0 : i32
    %c0_i32_1 = arith.constant 0 : i32
    return %c0_i32, %c0_i32_0 : i32, i32
  }
  func.func @transform_6(%arg0: i32) -> (i32, i32) {
    %c0_i32 = arith.constant 0 : i32
    %c0_i32_0 = arith.constant 0 : i32
    return %arg0, %c0_i32 : i32, i32
  }
  func.func @transform_7(%arg0: i32) -> (i32, i32) {
    %c0_i32 = arith.constant 0 : i32
    %c0_i32_0 = arith.constant 0 : i32
    return %arg0, %c0_i32 : i32, i32
  }
  func.func @transform_8(%arg0: i32) -> (i32, i32) {
    %c0_i32 = arith.constant 0 : i32
    %c0_i32_0 = arith.constant 0 : i32
    return %arg0, %c0_i32 : i32, i32
  }
}

</mosaic_0001>

<sc_bundles>
// kernel: kernel.10.cloned.1.call-start
scs
__scs_entry_jumppad:
0x0: {  	(pc) =	sbr.rel $0x88, $3  }
0x1: {  	(tag) =	ssettag $0x0;
	lr =	simm.s32 $0x1  }
0x2: {  	[smem:$0x3F99] =	sst lr;
	_ =	strace $0xD0000000  }
0x3: {  	_ = 	snop  }
0x4: {  	_ = 	snop  }
0x5: {  	_ = 	snop  }
0x6: {  	_ = 	snop  }
0x7: {  	_ = 	snop  }
__scs_overlays_trampoline_lowered:
0x8: {  	[smem:$0x3FA8] =	sst s0  }
0x9: {  	[smem:$0x3FA9] =	sst s1  }
0xa: {  	[smem:$0x3FAA] =	sst s2  }
0xb: {  	[smem:$0x3FAB] =	sst s3  }
0xc: {  	[smem:$0x3FAC] =	sst s4  }
0xd: {  	[smem:$0x3FAD] =	sst s5  }
0xe: {  	[smem:$0x3FAE] =	sst s6  }
0xf: {  	[smem:$0x3FAF] =	sst s7  }
0x10: {  	[smem:$0x3FB0] =	sst s8  }
0x11: {  	[smem:$0x3FB1] =	sst s9;
	s0 =	simm.s32 @!p0 $0x0  }
0x12: {  	s1 =	sld [smem:$0x3F97];
	s0 =	simm.s32 @p0 $0x1  }
0x13: {  	[smem:$0x3FB2] =	sst s0;
	s0 =	simm.s32 @!p1 $0x0  }
0x14: {  	s2 =	sld [smem:$0x3F96];
	s0 =	simm.s32 @p1 $0x1  }
0x15: {  	[smem:$0x3FB3] =	sst s0;
	s0 =	simm.s32 @!p2 $0x0  }
0x16: {  	s3 =	sld [smem:$0x3FDB];
	s0 =	simm.s32 @p2 $0x1  }
0x17: {  	s4 =	simm.s32 $0x1BF5;
	[smem:$0x3FB5] =	sst s0  }
0x18: {  	s0 =	sld [smem:$0x3F98];
	_ =	swait.ge [sflag:s4], $0x0  }
0x19: {  	s7 =	sld [smem:$0x3F99]  }
0x1a: {  	s8 =	sadd.s32 $0xFFFFE003, lr  }
0x1b: {  	s9 =	sadd.s32 $0xFFFFFEF7, lr;
	s5 =	simm.s32 $0xFFFFFFFF;
	p2 =	slt.u32 s8, $0xFFFFF086  }
0x1c: {  	p1 =	slt.u32 s9, $0xF7A;
	s5 =	simm.s32 @!p2 $0x0  }
0x1d: {  	s5 =	simm.s32 @p1 $0x1;
	p0 =	seq.s32 s7, s2  }
0x1e: {  	s7 =	smul.u32 @!p0 $0xF7A, s2;
	p2 =	seq.s32 @!p0 s5, $0x0  }
0x1f: {  	s9 =	smul.u32 $0xF7A, s1;
	s8 =	simm.s32 @!p0 $0x1BF5;
	p2 =	por !p2, p0  }
0x20: {  	[sflag:s8] =	ssyncset.s32 @!p0 $0xFFFFF086;
	s6 =	sadd.s32 @!p0 s3, s7;
	s7 =	simm.s32 @!p0 $0x108  }
0x21: {  	s3 =	sadd.s32 s3, s9;
	s6 =	sadd.s32 @!p0 $0x88, s6;
	s7 =	simm.s32 @p2 $0x1082  }
0x22: {  	[simem:s7], [sflag:s8] =	dma.local @!p0 [hbm:s6], $0xF7A  }
0x23: {  	s9 =	sor.u32 $0xD0000000, s2;
	s6 =	simm.s32 $0x108;
	_ =	swait.ge @!p0 [sflag:s8], $0x0  }
0x24: {  	s3 =	sadd.s32 $0x88, s3;
	s6 =	simm.s32 @!p1 $0x1082;
	[sflag:s4] =	ssyncset.s32 $0xFFFFF086  }
0x25: {  	[simem:s6], [sflag:s4] =	dma.local [hbm:s3], $0xF7A  }
0x26: {  	[smem:$0x3F99] =	sst s1;
	(tag) =	ssettag s2;
	_ =	strace s9  }
0x27: {  	s1 =	sld [smem:$0x3FA9]  }
0x28: {  	s2 =	sld [smem:$0x3FAA]  }
0x29: {  	s4 =	sld [smem:$0x3FAC]  }
0x2a: {  	p0 =	seq.s32 s5, $0x0;
	s5 =	sld [smem:$0x3FAD]  }
0x2b: {  	s6 =	sld [smem:$0x3FAE]  }
0x2c: {  	s7 =	sld [smem:$0x3FAF]  }
0x2d: {  	s3 =	simm.s32 $0x108;
	s8 =	sld [smem:$0x3FB0]  }
0x2e: {  	s3 =	simm.s32 @!p0 $0x1082;
	s9 =	sld [smem:$0x3FB1]  }
0x2f: {  	lr =	sadd.s32 s0, s3;
	s0 =	sld [smem:$0x3FA8]  }
0x30: {  	s3 =	sld [smem:$0x3FAB]  }
0x31: {  	[smem:$0x3FB4] =	sst s10  }
0x32: {  	s10 =	sld [smem:$0x3FB2];
	_ =	sdelay $0x3  }
0x33: {  	p0 =	seq.s32 s10, $0x1;
	s10 =	sld [smem:$0x3FB4];
	_ =	sdelay $0x3  }
0x34: {  	[smem:$0x3FB4] =	sst s10  }
0x35: {  	s10 =	sld [smem:$0x3FB3];
	_ =	sdelay $0x3  }
0x36: {  	p1 =	seq.s32 s10, $0x1;
	s10 =	sld [smem:$0x3FB4];
	_ =	sdelay $0x3  }
0x37: {  	[smem:$0x3FB4] =	sst s10  }
0x38: {  	s10 =	sld [smem:$0x3FB5]  }
0x39: {  	_ = 	snop;
	(pc) =	sbr.ind lr, $3  }
0x3a: {  	_ = 	snop  }
0x3b: {  	_ = 	snop  }
0x3c: {  	p2 =	seq.s32 s10, $0x1;
	s10 =	sld [smem:$0x3FB4]  }
0x3d: {  	_ =	shalt  }
0x3e: {  	_ =	shalt  }
0x3f: {  	_ =	shalt  }
0x40: {  	_ =	shalt  }
0x41: {  	_ =	shalt  }
0x42: {  	_ =	shalt  }
0x43: {  	_ =	shalt  }
0x44: {  	_ =	shalt  }
0x45: {  	_ =	shalt  }
0x46: {  	_ =	shalt  }
0x47: {  	_ =	shalt  }
0x48: {  	_ =	shalt  }
0x49: {  	_ =	shalt  }
0x4a: {  	_ =	shalt  }
0x4b: {  	_ =	shalt  }
0x4c: {  	_ =	shalt  }
0x4d: {  	_ =	shalt  }
0x4e: {  	_ =	shalt  }
0x4f: {  	_ =	shalt  }
0x50: {  	_ =	shalt  }
0x51: {  	_ =	shalt  }
0x52: {  	_ =	shalt  }
0x53: {  	_ =	shalt  }
0x54: {  	_ =	shalt  }
0x55: {  	_ =	shalt  }
0x56: {  	_ =	shalt  }
0x57: {  	_ =	shalt  }
0x58: {  	_ =	shalt  }
0x59: {  	_ =	shalt  }
0x5a: {  	_ =	shalt  }
0x5b: {  	_ =	shalt  }
0x5c: {  	_ =	shalt  }
0x5d: {  	_ =	shalt  }
0x5e: {  	_ =	shalt  }
0x5f: {  	_ =	shalt  }
0x60: {  	_ =	shalt  }
0x61: {  	_ =	shalt  }
0x62: {  	_ =	shalt  }
0x63: {  	_ =	shalt  }
0x64: {  	_ =	shalt  }
0x65: {  	_ =	shalt  }
0x66: {  	_ =	shalt  }
0x67: {  	_ =	shalt  }
0x68: {  	_ =	shalt  }
0x69: {  	_ =	shalt  }
0x6a: {  	_ =	shalt  }
0x6b: {  	_ =	shalt  }
0x6c: {  	_ =	shalt  }
0x6d: {  	_ =	shalt  }
0x6e: {  	_ =	shalt  }
0x6f: {  	_ =	shalt  }
0x70: {  	_ =	shalt  }
0x71: {  	_ =	shalt  }
0x72: {  	_ =	shalt  }
0x73: {  	_ =	shalt  }
0x74: {  	_ =	shalt  }
0x75: {  	_ =	shalt  }
0x76: {  	_ =	shalt  }
0x77: {  	_ =	shalt  }
0x78: {  	_ =	shalt  }
0x79: {  	_ =	shalt  }
0x7a: {  	_ =	shalt  }
0x7b: {  	_ =	shalt  }
0x7c: {  	_ =	shalt  }
0x7d: {  	_ =	shalt  }
0x7e: {  	_ =	shalt  }
0x7f: {  	_ =	shalt  }
0x80: {  	_ =	shalt  }
0x81: {  	_ =	shalt  }
0x82: {  	_ =	shalt  }
0x83: {  	_ =	shalt  }
0x84: {  	_ =	shalt  }
0x85: {  	_ =	shalt  }
0x86: {  	_ =	shalt  }
0x87: {  	_ =	shalt  }
.Lfunc_end0:
.L_simem_size_0:
called_computation_lowered:
.L_overlay_start_0:
0x88: {  	s2 =	sld [smem:$0x3FD9]  }
0x89: {  	s3 =	sld [smem:$0x3FFE];
	_ =	sdelay $0x1  }
0x8a: {  	s1 =	srdreg.scid  }
0x8b: {  	s0 =	sand.u32 $0x1, s1  }
0x8c: {  	s14 =	sshll.u32 s0, $0xA;
	s2 =	sadd.s32 s3, s2  }
0x8d: {  	s2 =	sadd.s32 s2, s14  }
0x8e: {  	[smem:$0x3FC0] =	sst s2  }
0x8f: {  	_ = 	snop  }
0x90: {  	s2 =	sld [smem:$0x3FD0];
	_ =	sdelay $0x2  }
0x91: {  	s15 =	simm.s32 $0xA;
	s4 =	simm.s32 $0x10  }
0x92: {  	[smem:s4], [sflag:s15] =	dma.local [hbm:s2], $0x1  }
0x93: {  	_ =	swait.eq [sflag:s15], $0x1  }
0x94: {  	[sflag:s15] =	ssyncset.done $0x0  }
0x95: {  	s16 =	sld [smem:$0x10];
	[sflag:s15] =	ssyncadd.s32 $0xFFFFFFFF  }
0x96: {  	s17 =	sld [smem:$0x11];
	(tm) =	ssettm $0x1  }
0x97: {  	s18 =	sld [smem:$0x3FFB];
	_ =	sdelay $0x3  }
0x98: {  	_ =	strace s18  }
0x99: {  	s4 =	sld [smem:$0x3FFC];
	_ =	sdelay $0x3  }
0x9a: {  	_ =	strace s4  }
0x9b: {  	s4 =	sld [smem:$0x3FFD];
	_ =	sdelay $0x3  }
0x9c: {  	_ =	strace s4  }
0x9d: {  	_ =	strace $0x8FFFFFFF  }
0x9e: {  	s19 =	sld [smem:$0x3FDB];
	_ =	sdelay $0x1  }
0x9f: {  	s5 =	simm.s32 $_scs_section_size  }
0xa0: {  	s6 =	simm.s32 $_size__tile_overlayer_lowered;
	s7 =	simm.s32 $_tile_overlayer_lowered  }
0xa1: {  	s22 =	simm.s32 $0x1BFF;
	s21 =	sshll.u32 s7, $0x1;
	s4 =	sadd.s32 s5, s19  }
0xa2: {  	s8 =	simm.s32 $0x0;
	s20 =	sshll.u32 s6, $0x1;
	s6 =	sadd.s32 s21, s4  }
0xa3: {  	[timem:s8], [sflag:s22] =	dma.local [hbm:s6], s20  }
0xa4: {  	_ =	swait.ge [sflag:s22], s20  }
0xa5: {  	s5 =	ssub.s32 $0x0, s20;
	[sflag:s22] =	ssyncset.done $0x0  }
0xa6: {  	[sflag:s22] =	ssyncadd.s32 s5;
	_ =	sdelay $0x1  }
0xa7: {  	s23 =	simm.s32 $0x1B8B  }
0xa8: {  	_ =	swait.ge [sflag:s23], $0x1  }
0xa9: {  	[sflag:s23] =	ssyncset.done $0x0  }
0xaa: {  	s25 =	simm.s32 $0x1B8E;
	s24 =	sld [smem:$0x3FFE];
	[sflag:s23] =	ssyncadd.s32 $0xFFFFFFFF  }
0xab: {  	s26 =	simm.s32 $execute0_lowered;
	[smem:$0x3FD2] =	sst s25  }
0xac: {  	s6 =	sshll.u32 s26, $0x1;
	_ =	strace $0x80000046;
	[dreg:$0x1] =	wrdreg $0xFFFFFFFF  }
0xad: {  	s28 =	simm.s32 $_size_execute0_lowered;
	s4 =	sadd.s32 s4, s6;
	[dreg:$0x0] =	wrdreg $0x0  }
0xae: {  	s6 =	sshll.u32 s28, $0x1;
	[dreg:$0x2] =	wrdreg s4  }
0xaf: {  	[dreg:$0x3] =	wrdreg s6  }
0xb0: {  	[dreg:$0x4] =	wrdreg $0xC0  }
0xb1: {  	_ =	task [dreg:s8], $0x5FFFF  }
0xb2: {  	[dreg:$0x1] =	wrdreg $0xFFFFFFFF  }
0xb3: {  	[dreg:$0x0] =	wrdreg $0x60  }
0xb4: {  	[dreg:$0x2] =	wrdreg s24  }
0xb5: {  	[dreg:$0x3] =	wrdreg s17  }
0xb6: {  	[dreg:$0x4] =	wrdreg s16  }
0xb7: {  	[dreg:$0x5] =	wrdreg $0x29000  }
0xb8: {  	[dreg:$0x6] =	wrdreg $0x9  }
0xb9: {  	_ =	task.clear_ibuf [dreg:s8], $0x7FFFF;
	_ =	strace $0x90000046  }
0xba: {  	s29 =	simm.s32 $0x9;
	_ =	strace $0x80000048  }
0xbb: {  	_ =	swait.ge [sflag:s29], $0x1  }
0xbc: {  	[sflag:s29] =	ssyncadd.s32 $0xFFFFFFFF  }
0xbd: {  	_ =	strace $0x90000048  }
0xbe: {  	_ =	sfence  }
0xbf: {  	s30 =	sld [smem:$0x0];
	_ =	sdelay $0x2  }
0xc0: {  	s31 =	sshll.u32 s1, $0xD;
	s1 =	sshrl.u32 s1, $0x2  }
0xc1: {  	s3 =	sand.u32 $0x4000, s31;
	s1 =	sadd.s32 s1, s30  }
0xc2: {  	s0 =	sor.u32 s3, s0;
	s1 =	sshll.u32 s1, $0x11  }
0xc3: {  	s0 =	sor.u32 s1, s0  }
0xc4: {  	s0 =	sadd.s32 $0x8F2B, s0  }
0xc5: {  	[sflag:s0] =	ssyncadd.remote.s32 $0x1  }
0xc6: {  	_ =	sfence.sel $0xFFFF  }
0xc7: {  	[dreg:$0x0] =	wrdreg $0xFFFFFFFF;
	(pc) =	sbr.abs _section_cstart, $3  }
0xc8: {  	[dreg:$0x1] =	wrdreg $0xFFFFFFFF  }
0xc9: {  	_ =	task.clear_ibuf [dreg:s8], $0x2FFFF;
	_ =	strace $0x9FFFFFFF  }
0xca: {  	(tm) =	ssettm $0x7FFFFFFF  }
0xcb: {  	_ =	shalt  }
tec
execute0_lowered:
.L_overlay_start_1:
0x0: {  	(tag) =	ssettag $0x1  }
0x1: {  	s5 =	rddreg [dreg:$0x0]  }
0x2: {  	s1 =	rddreg [dreg:$0x1]  }
0x3: {  	s7 =	rddreg [dreg:$0x2]  }
0x4: {  	s2 =	rddreg [dreg:$0x3];
	s3 =	srdreg.scid  }
0x5: {  	s0 =	stileid.u32;
	s14 =	simm.s32 $0x2800;
	s17 =	simm.s32 $0x10  }
0x6: {  	s18 =	simm.s32 $0x0;
	s8 =	sand.u32 $0x1, s3;
	s31 =	smul.u32 $0xC00, s0  }
0x7: {  	s29 =	sshrl.u32 s0, $0x2;
	s4 =	sshll.u32 s0, $0x8;
	s16 =	smul.u32 $0xC0, s0  }
0x8: {  	s3 =	rddreg [dreg:$0x4];
	s12 =	sshll.u32 s0, $0x6;
	s6 =	smul.u32 $0x14000, s29  }
0x9: {  	s9 =	sshll.u32 s8, $0x7;
	s10 =	sand.u32 $0x300, s4;
	s4 =	simm.s32 $0x0  }
0xa: {  	s30 =	ssub.s32 $0x2, s8;
	s8 =	sshll.u32 s8, $0x4;
	s12 =	sor.u32 $0x1C01, s12  }
0xb: {  	s9 =	sor.u32 s9, s10;
	[smem:$0x7FF] =	sst s4;
	s11 =	sshrl.u32 s30, $0x1  }
0xc: {  	s10 =	sshrl.u32 s31, $0x2;
	s15 =	sadd.s32 s7, s8;
	s8 =	simm.s32 $0x80  }
0xd: {  	s6 =	sor.u32 s6, s9;
	_ =	strace $0x80000047;
	s9 =	ssub.s32 s30, s11  }
0xe: {  	s13 =	sadd.s32 s10, s2;
	s10 =	simm.s32 $0x1;
	s11 =	simm.s32 $0x2880  }
0xf: {  	s15 =	sadd.s32 s16, s15;
	s16 =	simm.s32 $0x20;
	s6 =	sshrl.u32 s6, $0x3  }
0x10: {  	s7 =	smax.u32 s9, $0x1;
	s9 =	simm.s32 $0x400;
	s6 =	sadd.s32 s6, s5  }
0x11: {  	s13 =	sshrl.u32 s13, $0x3;
	s5 =	sadd.s32 $0xD400, s5;
	s6 =	sadd.s32 $0x3400, s6  }
.LBB2_1:
0x12: {  	[tilespmem:s4], [sflag:$0x1] =	stream.strided.gather [hbm4b:s6+s8], $0x2800, s9, s8, $0x38;
	[tilespmem:$0x2C00] =	vst v63  }
0x13: {  	_ =	swait.ge [sflag:s10], $0x2800  }
0x14: {  	[sflag:s10] =	ssyncset.done $0x0  }
0x15: {  	[sflag:s10] =	ssyncadd.s32 $0xFFFFD800  }
0x16: {  	[tilespmem:s11], [sflag:$0x1] =	stream.linear.gather [hbm4b:s5+s4], $0x80, $0x38;
	[tilespmem:$0x2C00] =	vst v63  }
0x17: {  	_ =	swait.ge [sflag:s10], $0x80  }
0x18: {  	[sflag:s10] =	ssyncset.done $0x0  }
0x19: {  	[sflag:s10] =	ssyncadd.s32 $0xFFFFFF80  }
0x1a: {  	[spmem:s13], [sflag:s12] =	dma.local [hbm:s1], $0x60  }
0x1b: {  	_ =	swait.ge [sflag:s10], $0x60  }
0x1c: {  	[sflag:s10] =	ssyncset.done $0x0  }
0x1d: {  	[sflag:s10] =	ssyncadd.s32 $0xFFFFFFA0  }
0x1e: {  	s19 =	simm.s32 $0x0;
	[bflag:$0x0] =	sbarrier.arrive $0xFFFF  }
0x1f: {  	v0 =	vld [tilespmem:s19+$0x0];
	_ =	sdelay $0x4  }
0x20: {  	v0 =	vshrl.u32 v0, $0xE  }
0x21: {  	[tilespmem:$0x2800] =	vst v0  }
0x22: {  	v0 =	vld [tilespmem:s19+$0x10];
	_ =	sdelay $0x4  }
0x23: {  	v0 =	vshrl.u32 v0, $0xE  }
0x24: {  	[tilespmem:$0x2810] =	vst v0  }
0x25: {  	v0 =	vld [tilespmem:s19+$0x20];
	_ =	sdelay $0x4  }
0x26: {  	v0 =	vshrl.u32 v0, $0xE  }
0x27: {  	[tilespmem:$0x2820] =	vst v0  }
0x28: {  	v0 =	vld [tilespmem:s19+$0x30];
	_ =	sdelay $0x4  }
0x29: {  	v0 =	vshrl.u32 v0, $0xE  }
0x2a: {  	[tilespmem:$0x2830] =	vst v0  }
0x2b: {  	v0 =	vld [tilespmem:s19+$0x40];
	_ =	sdelay $0x4  }
0x2c: {  	v0 =	vshrl.u32 v0, $0xE  }
0x2d: {  	[tilespmem:$0x2840] =	vst v0  }
0x2e: {  	v0 =	vld [tilespmem:s19+$0x50];
	_ =	sdelay $0x4  }
0x2f: {  	v0 =	vshrl.u32 v0, $0xE  }
0x30: {  	[tilespmem:$0x2850] =	vst v0  }
0x31: {  	v0 =	vld [tilespmem:s19+$0x60];
	_ =	sdelay $0x4  }
0x32: {  	v0 =	vshrl.u32 v0, $0xE  }
0x33: {  	[tilespmem:$0x2860] =	vst v0  }
0x34: {  	v0 =	vld [tilespmem:s19+$0x70];
	_ =	sdelay $0x4  }
0x35: {  	v0 =	vshrl.u32 v0, $0xE  }
0x36: {  	[tilespmem:$0x2870] =	vst v0  }
0x37: {  	[spmem:s2] =	stream.indirect.scatter.add.f32 [tilespmem:s11], [sflag:$0x1], $0x1, s14, s8, $0xb8;
	[tilespmem:$0x2C00] =	vst v63  }
0x38: {  	_ =	swait.ge [sflag:s10], $0x80  }
0x39: {  	s22 =	simm.s32 $0x400;
	s19 =	simm.s32 $0x200;
	[sflag:s10] =	ssyncset.done $0x0  }
.LBB2_2:
0x3a: {  	s21 =	sshra.s32 s19, $0x2  }
0x3b: {  	[sflag:s10] =	ssyncadd.s32 $0xFFFFFF80;
	s19 =	smov.u32 s22;
	s20 =	sadd.s32 $0x200, s22  }
0x3c: {  	p0 =	sne.s32 s22, $0x9E00;
	v0 =	vld [tilespmem:s21+$0x0];
	_ =	sdelay $0x4  }
0x3d: {  	v0 =	vshrl.u32 v0, $0xE  }
0x3e: {  	[tilespmem:$0x2800] =	vst v0  }
0x3f: {  	v0 =	vld [tilespmem:s21+$0x10];
	_ =	sdelay $0x4  }
0x40: {  	v0 =	vshrl.u32 v0, $0xE  }
0x41: {  	[tilespmem:$0x2810] =	vst v0  }
0x42: {  	v0 =	vld [tilespmem:s21+$0x20];
	_ =	sdelay $0x4  }
0x43: {  	v0 =	vshrl.u32 v0, $0xE  }
0x44: {  	[tilespmem:$0x2820] =	vst v0  }
0x45: {  	v0 =	vld [tilespmem:s21+$0x30];
	_ =	sdelay $0x4  }
0x46: {  	v0 =	vshrl.u32 v0, $0xE  }
0x47: {  	[tilespmem:$0x2830] =	vst v0  }
0x48: {  	v0 =	vld [tilespmem:s21+$0x40];
	_ =	sdelay $0x4  }
0x49: {  	v0 =	vshrl.u32 v0, $0xE  }
0x4a: {  	[tilespmem:$0x2840] =	vst v0  }
0x4b: {  	v0 =	vld [tilespmem:s21+$0x50];
	_ =	sdelay $0x4  }
0x4c: {  	v0 =	vshrl.u32 v0, $0xE  }
0x4d: {  	[tilespmem:$0x2850] =	vst v0  }
0x4e: {  	v0 =	vld [tilespmem:s21+$0x60];
	_ =	sdelay $0x4  }
0x4f: {  	v0 =	vshrl.u32 v0, $0xE  }
0x50: {  	[tilespmem:$0x2860] =	vst v0  }
0x51: {  	v0 =	vld [tilespmem:s21+$0x70];
	_ =	sdelay $0x4  }
.Ltmp0:
0x52: {  	v0 =	vshrl.u32 v0, $0xE;
	(pc) =	sbr.rel @p0 .LBB2_2-.Ltmp0, $4  }
0x53: {  	[tilespmem:$0x2870] =	vst v0  }
0x54: {  	[spmem:s2] =	stream.indirect.scatter.add.f32 [tilespmem:s11], [sflag:$0x1], $0x1, s14, s8, $0xb8;
	[tilespmem:$0x2C00] =	vst v63  }
0x55: {  	_ =	swait.ge [sflag:s10], $0x80  }
0x56: {  	s22 =	smov.u32 s20;
	[sflag:s10] =	ssyncset.done $0x0  }
0x57: {  	s19 =	sshra.s32 s19, $0x2;
	[sflag:s10] =	ssyncadd.s32 $0xFFFFFF80  }
0x58: {  	v0 =	vld [tilespmem:s19+$0x0];
	_ =	sdelay $0x4  }
0x59: {  	v0 =	vshrl.u32 v0, $0xE  }
0x5a: {  	[tilespmem:$0x2800] =	vst v0  }
0x5b: {  	v0 =	vld [tilespmem:s19+$0x10];
	_ =	sdelay $0x4  }
0x5c: {  	v0 =	vshrl.u32 v0, $0xE  }
0x5d: {  	[tilespmem:$0x2810] =	vst v0  }
0x5e: {  	v0 =	vld [tilespmem:s19+$0x20];
	_ =	sdelay $0x4  }
0x5f: {  	v0 =	vshrl.u32 v0, $0xE  }
0x60: {  	[tilespmem:$0x2820] =	vst v0  }
0x61: {  	v0 =	vld [tilespmem:s19+$0x30];
	_ =	sdelay $0x4  }
0x62: {  	v0 =	vshrl.u32 v0, $0xE  }
0x63: {  	[tilespmem:$0x2830] =	vst v0  }
0x64: {  	v0 =	vld [tilespmem:s19+$0x40];
	_ =	sdelay $0x4  }
0x65: {  	v0 =	vshrl.u32 v0, $0xE  }
0x66: {  	[tilespmem:$0x2840] =	vst v0  }
0x67: {  	v0 =	vld [tilespmem:s19+$0x50];
	_ =	sdelay $0x4  }
0x68: {  	v0 =	vshrl.u32 v0, $0xE  }
0x69: {  	[tilespmem:$0x2850] =	vst v0  }
0x6a: {  	v0 =	vld [tilespmem:s19+$0x60];
	_ =	sdelay $0x4  }
0x6b: {  	v0 =	vshrl.u32 v0, $0xE  }
0x6c: {  	[tilespmem:$0x2860] =	vst v0  }
0x6d: {  	v0 =	vld [tilespmem:s19+$0x70];
	_ =	sdelay $0x4  }
0x6e: {  	v0 =	vshrl.u32 v0, $0xE  }
0x6f: {  	[tilespmem:$0x2870] =	vst v0  }
0x70: {  	[spmem:s2] =	stream.indirect.scatter.add.f32 [tilespmem:s11], [sflag:$0x1], $0x1, s14, s8, $0xb8;
	[tilespmem:$0x2C00] =	vst v63  }
0x71: {  	_ =	swait.ge [sflag:s10], $0x80  }
0x72: {  	s18 =	sadd.s32 $0x1, s18;
	[sflag:s10] =	ssyncset.done $0x0  }
0x73: {  	p0 =	sne.s32 s18, s7;
	[sflag:s10] =	ssyncadd.s32 $0xFFFFFF80  }
.Ltmp1:
0x74: {  	[bflag:$0x0] =	sbarrier.arrive $0xFFFF;
	(pc) =	sbr.rel @p0 .LBB2_1-.Ltmp1, $4  }
0x75: {  	[hbm:s15@s16], [sflag:s12] =	dma.strided [spmem:s13@s17], $0x60, s10, $0x10   }
0x76: {  	_ =	swait.ge [sflag:s10], $0x60  }
0x77: {  	[sflag:s10] =	ssyncset.done $0x0  }
0x78: {  	[sflag:s10] =	ssyncadd.s32 $0xFFFFFFA0  }
0x79: {  	_ =	sfence.sel $0x180000  }
0x7a: {  	[bflag:$0x0] =	sbarrier.arrive $0xFFFF  }
0x7b: {  	p0 =	sne.s32 s0, $0x0;
	_ =	strace $0x90000047  }
0x7c: {  	s0 =	sadd.s32 @!p0 $0x100000, s3;
	[bflag:$0x2] =	sbarrier.arrive $0xFFFF  }
0x7d: {  	[sflag:s0] =	ssyncadd.tile.s32 @!p0 $0x1;
	_ =	shalt  }
.Lfunc_end2:
_tile_overlayer_lowered:
.L_overlay_start_2:
0x7e: {  	(tag) =	ssettag $0x2  }
0x7f: {  	s0 =	rddreg [dreg:$0x0];
	s2 =	stileid.u32  }
0x80: {  	s1 =	rddreg [dreg:$0x1];
	p0 =	sne.s32 s2, $0x0  }
0x81: {  	s3 =	rddreg [dreg:$0x2];
	[bflag:$0x3] =	sbarrier.arrive $0xFFFF;
	s2 =	simm.s32 @!p0 $0x1C01  }
0x82: {  	[timem:s3], [sflag:s2] =	dma.local @!p0 [hbm:s0], s1  }
0x83: {  	s0 =	simm.s32 @!p0 $0x1  }
0x84: {  	_ =	swait.ge @!p0 [sflag:s0], s1  }
0x85: {  	s1 =	ssub.s32 @!p0 $0x0, s1;
	[sflag:s0] =	ssyncset.done @!p0 $0x0  }
0x86: {  	[sflag:s0] =	ssyncadd.s32 @!p0 s1  }
0x87: {  	[bflag:$0x3] =	sbarrier.arrive $0xFFFF  }
0x88: {  	_ =	shalt  }

// kernel: kernel.13.cloned.1.call-start
scs
__scs_entry_jumppad:
0x0: {  	(pc) =	sbr.rel $0x88, $3  }
0x1: {  	(tag) =	ssettag $0x0;
	lr =	simm.s32 $0x1  }
0x2: {  	[smem:$0x3F99] =	sst lr;
	_ =	strace $0xD0000000  }
0x3: {  	_ = 	snop  }
0x4: {  	_ = 	snop  }
0x5: {  	_ = 	snop  }
0x6: {  	_ = 	snop  }
0x7: {  	_ = 	snop  }
__scs_overlays_trampoline_lowered:
0x8: {  	[smem:$0x3FA8] =	sst s0  }
0x9: {  	[smem:$0x3FA9] =	sst s1  }
0xa: {  	[smem:$0x3FAA] =	sst s2  }
0xb: {  	[smem:$0x3FAB] =	sst s3  }
0xc: {  	[smem:$0x3FAC] =	sst s4  }
0xd: {  	[smem:$0x3FAD] =	sst s5  }
0xe: {  	[smem:$0x3FAE] =	sst s6  }
0xf: {  	[smem:$0x3FAF] =	sst s7  }
0x10: {  	[smem:$0x3FB0] =	sst s8  }
0x11: {  	[smem:$0x3FB1] =	sst s9;
	s0 =	simm.s32 @!p0 $0x0  }
0x12: {  	s1 =	sld [smem:$0x3F97];
	s0 =	simm.s32 @p0 $0x1  }
0x13: {  	[smem:$0x3FB2] =	sst s0;
	s0 =	simm.s32 @!p1 $0x0  }
0x14: {  	s2 =	sld [smem:$0x3F96];
	s0 =	simm.s32 @p1 $0x1  }
0x15: {  	[smem:$0x3FB3] =	sst s0;
	s0 =	simm.s32 @!p2 $0x0  }
0x16: {  	s3 =	sld [smem:$0x3FDB];
	s0 =	simm.s32 @p2 $0x1  }
0x17: {  	s4 =	simm.s32 $0x1BF5;
	[smem:$0x3FB5] =	sst s0  }
0x18: {  	s0 =	sld [smem:$0x3F98];
	_ =	swait.ge [sflag:s4], $0x0  }
0x19: {  	s7 =	sld [smem:$0x3F99]  }
0x1a: {  	s8 =	sadd.s32 $0xFFFFE003, lr  }
0x1b: {  	s9 =	sadd.s32 $0xFFFFFEF7, lr;
	s5 =	simm.s32 $0xFFFFFFFF;
	p2 =	slt.u32 s8, $0xFFFFF086  }
0x1c: {  	p1 =	slt.u32 s9, $0xF7A;
	s5 =	simm.s32 @!p2 $0x0  }
0x1d: {  	s5 =	simm.s32 @p1 $0x1;
	p0 =	seq.s32 s7, s2  }
0x1e: {  	s7 =	smul.u32 @!p0 $0xF7A, s2;
	p2 =	seq.s32 @!p0 s5, $0x0  }
0x1f: {  	s9 =	smul.u32 $0xF7A, s1;
	s8 =	simm.s32 @!p0 $0x1BF5;
	p2 =	por !p2, p0  }
0x20: {  	[sflag:s8] =	ssyncset.s32 @!p0 $0xFFFFF086;
	s6 =	sadd.s32 @!p0 s3, s7;
	s7 =	simm.s32 @!p0 $0x108  }
0x21: {  	s3 =	sadd.s32 s3, s9;
	s6 =	sadd.s32 @!p0 $0x88, s6;
	s7 =	simm.s32 @p2 $0x1082  }
0x22: {  	[simem:s7], [sflag:s8] =	dma.local @!p0 [hbm:s6], $0xF7A  }
0x23: {  	s9 =	sor.u32 $0xD0000000, s2;
	s6 =	simm.s32 $0x108;
	_ =	swait.ge @!p0 [sflag:s8], $0x0  }
0x24: {  	s3 =	sadd.s32 $0x88, s3;
	s6 =	simm.s32 @!p1 $0x1082;
	[sflag:s4] =	ssyncset.s32 $0xFFFFF086  }
0x25: {  	[simem:s6], [sflag:s4] =	dma.local [hbm:s3], $0xF7A  }
0x26: {  	[smem:$0x3F99] =	sst s1;
	(tag) =	ssettag s2;
	_ =	strace s9  }
0x27: {  	s1 =	sld [smem:$0x3FA9]  }
0x28: {  	s2 =	sld [smem:$0x3FAA]  }
0x29: {  	s4 =	sld [smem:$0x3FAC]  }
0x2a: {  	p0 =	seq.s32 s5, $0x0;
	s5 =	sld [smem:$0x3FAD]  }
0x2b: {  	s6 =	sld [smem:$0x3FAE]  }
0x2c: {  	s7 =	sld [smem:$0x3FAF]  }
0x2d: {  	s3 =	simm.s32 $0x108;
	s8 =	sld [smem:$0x3FB0]  }
0x2e: {  	s3 =	simm.s32 @!p0 $0x1082;
	s9 =	sld [smem:$0x3FB1]  }
0x2f: {  	lr =	sadd.s32 s0, s3;
	s0 =	sld [smem:$0x3FA8]  }
0x30: {  	s3 =	sld [smem:$0x3FAB]  }
0x31: {  	[smem:$0x3FB4] =	sst s10  }
0x32: {  	s10 =	sld [smem:$0x3FB2];
	_ =	sdelay $0x3  }
0x33: {  	p0 =	seq.s32 s10, $0x1;
	s10 =	sld [smem:$0x3FB4];
	_ =	sdelay $0x3  }
0x34: {  	[smem:$0x3FB4] =	sst s10  }
0x35: {  	s10 =	sld [smem:$0x3FB3];
	_ =	sdelay $0x3  }
0x36: {  	p1 =	seq.s32 s10, $0x1;
	s10 =	sld [smem:$0x3FB4];
	_ =	sdelay $0x3  }
0x37: {  	[smem:$0x3FB4] =	sst s10  }
0x38: {  	s10 =	sld [smem:$0x3FB5]  }
0x39: {  	_ = 	snop;
	(pc) =	sbr.ind lr, $3  }
0x3a: {  	_ = 	snop  }
0x3b: {  	_ = 	snop  }
0x3c: {  	p2 =	seq.s32 s10, $0x1;
	s10 =	sld [smem:$0x3FB4]  }
0x3d: {  	_ =	shalt  }
0x3e: {  	_ =	shalt  }
0x3f: {  	_ =	shalt  }
0x40: {  	_ =	shalt  }
0x41: {  	_ =	shalt  }
0x42: {  	_ =	shalt  }
0x43: {  	_ =	shalt  }
0x44: {  	_ =	shalt  }
0x45: {  	_ =	shalt  }
0x46: {  	_ =	shalt  }
0x47: {  	_ =	shalt  }
0x48: {  	_ =	shalt  }
0x49: {  	_ =	shalt  }
0x4a: {  	_ =	shalt  }
0x4b: {  	_ =	shalt  }
0x4c: {  	_ =	shalt  }
0x4d: {  	_ =	shalt  }
0x4e: {  	_ =	shalt  }
0x4f: {  	_ =	shalt  }
0x50: {  	_ =	shalt  }
0x51: {  	_ =	shalt  }
0x52: {  	_ =	shalt  }
0x53: {  	_ =	shalt  }
0x54: {  	_ =	shalt  }
0x55: {  	_ =	shalt  }
0x56: {  	_ =	shalt  }
0x57: {  	_ =	shalt  }
0x58: {  	_ =	shalt  }
0x59: {  	_ =	shalt  }
0x5a: {  	_ =	shalt  }
0x5b: {  	_ =	shalt  }
0x5c: {  	_ =	shalt  }
0x5d: {  	_ =	shalt  }
0x5e: {  	_ =	shalt  }
0x5f: {  	_ =	shalt  }
0x60: {  	_ =	shalt  }
0x61: {  	_ =	shalt  }
0x62: {  	_ =	shalt  }
0x63: {  	_ =	shalt  }
0x64: {  	_ =	shalt  }
0x65: {  	_ =	shalt  }
0x66: {  	_ =	shalt  }
0x67: {  	_ =	shalt  }
0x68: {  	_ =	shalt  }
0x69: {  	_ =	shalt  }
0x6a: {  	_ =	shalt  }
0x6b: {  	_ =	shalt  }
0x6c: {  	_ =	shalt  }
0x6d: {  	_ =	shalt  }
0x6e: {  	_ =	shalt  }
0x6f: {  	_ =	shalt  }
0x70: {  	_ =	shalt  }
0x71: {  	_ =	shalt  }
0x72: {  	_ =	shalt  }
0x73: {  	_ =	shalt  }
0x74: {  	_ =	shalt  }
0x75: {  	_ =	shalt  }
0x76: {  	_ =	shalt  }
0x77: {  	_ =	shalt  }
0x78: {  	_ =	shalt  }
0x79: {  	_ =	shalt  }
0x7a: {  	_ =	shalt  }
0x7b: {  	_ =	shalt  }
0x7c: {  	_ =	shalt  }
0x7d: {  	_ =	shalt  }
0x7e: {  	_ =	shalt  }
0x7f: {  	_ =	shalt  }
0x80: {  	_ =	shalt  }
0x81: {  	_ =	shalt  }
0x82: {  	_ =	shalt  }
0x83: {  	_ =	shalt  }
0x84: {  	_ =	shalt  }
0x85: {  	_ =	shalt  }
0x86: {  	_ =	shalt  }
0x87: {  	_ =	shalt  }
.Lfunc_end0:
.L_simem_size_0:
called_computation.1_lowered:
.L_overlay_start_0:
0x88: {  	s2 =	sld [smem:$0x3FD9]  }
0x89: {  	s3 =	sld [smem:$0x3FFE];
	_ =	sdelay $0x1  }
0x8a: {  	s1 =	srdreg.scid  }
0x8b: {  	s0 =	sand.u32 $0x1, s1  }
0x8c: {  	s14 =	sshll.u32 s0, $0xA;
	s2 =	sadd.s32 s3, s2  }
0x8d: {  	s2 =	sadd.s32 s2, s14  }
0x8e: {  	[smem:$0x3FC0] =	sst s2  }
0x8f: {  	_ = 	snop  }
0x90: {  	s2 =	sld [smem:$0x3FD0];
	_ =	sdelay $0x2  }
0x91: {  	s15 =	simm.s32 $0xA;
	s4 =	simm.s32 $0x10  }
0x92: {  	[smem:s4], [sflag:s15] =	dma.local [hbm:s2], $0x1  }
0x93: {  	_ =	swait.eq [sflag:s15], $0x1  }
0x94: {  	[sflag:s15] =	ssyncset.done $0x0  }
0x95: {  	s16 =	sld [smem:$0x10];
	[sflag:s15] =	ssyncadd.s32 $0xFFFFFFFF  }
0x96: {  	s17 =	sld [smem:$0x11];
	(tm) =	ssettm $0x1  }
0x97: {  	s18 =	sld [smem:$0x3FFB];
	_ =	sdelay $0x3  }
0x98: {  	_ =	strace s18  }
0x99: {  	s4 =	sld [smem:$0x3FFC];
	_ =	sdelay $0x3  }
0x9a: {  	_ =	strace s4  }
0x9b: {  	s4 =	sld [smem:$0x3FFD];
	_ =	sdelay $0x3  }
0x9c: {  	_ =	strace s4  }
0x9d: {  	_ =	strace $0x8FFFFFFF  }
0x9e: {  	s19 =	sld [smem:$0x3FDB];
	_ =	sdelay $0x1  }
0x9f: {  	s5 =	simm.s32 $_scs_section_size  }
0xa0: {  	s6 =	simm.s32 $_size__tile_overlayer_lowered;
	s7 =	simm.s32 $_tile_overlayer_lowered  }
0xa1: {  	s22 =	simm.s32 $0x1BFF;
	s21 =	sshll.u32 s7, $0x1;
	s4 =	sadd.s32 s5, s19  }
0xa2: {  	s8 =	simm.s32 $0x0;
	s20 =	sshll.u32 s6, $0x1;
	s6 =	sadd.s32 s21, s4  }
0xa3: {  	[timem:s8], [sflag:s22] =	dma.local [hbm:s6], s20  }
0xa4: {  	_ =	swait.ge [sflag:s22], s20  }
0xa5: {  	s5 =	ssub.s32 $0x0, s20;
	[sflag:s22] =	ssyncset.done $0x0  }
0xa6: {  	[sflag:s22] =	ssyncadd.s32 s5;
	_ =	sdelay $0x1  }
0xa7: {  	s23 =	simm.s32 $0x1B8B  }
0xa8: {  	_ =	swait.ge [sflag:s23], $0x1  }
0xa9: {  	[sflag:s23] =	ssyncset.done $0x0  }
0xaa: {  	s25 =	simm.s32 $0x1B8E;
	s24 =	sld [smem:$0x3FFE];
	[sflag:s23] =	ssyncadd.s32 $0xFFFFFFFF  }
0xab: {  	s26 =	simm.s32 $execute0_lowered;
	[smem:$0x3FD2] =	sst s25  }
0xac: {  	s6 =	sshll.u32 s26, $0x1;
	_ =	strace $0x80000049;
	[dreg:$0x1] =	wrdreg $0xFFFFFFFF  }
0xad: {  	s28 =	simm.s32 $_size_execute0_lowered;
	s4 =	sadd.s32 s4, s6;
	[dreg:$0x0] =	wrdreg $0x0  }
0xae: {  	s6 =	sshll.u32 s28, $0x1;
	[dreg:$0x2] =	wrdreg s4  }
0xaf: {  	[dreg:$0x3] =	wrdreg s6  }
0xb0: {  	[dreg:$0x4] =	wrdreg $0xC0  }
0xb1: {  	_ =	task [dreg:s8], $0x5FFFF  }
0xb2: {  	[dreg:$0x1] =	wrdreg $0xFFFFFFFF  }
0xb3: {  	[dreg:$0x0] =	wrdreg $0x60  }
0xb4: {  	[dreg:$0x2] =	wrdreg s24  }
0xb5: {  	[dreg:$0x3] =	wrdreg s16  }
0xb6: {  	[dreg:$0x4] =	wrdreg s17  }
0xb7: {  	[dreg:$0x5] =	wrdreg $0xAC000  }
0xb8: {  	[dreg:$0x6] =	wrdreg $0x9  }
0xb9: {  	_ =	task.clear_ibuf [dreg:s8], $0x7FFFF;
	_ =	strace $0x90000049  }
0xba: {  	s29 =	simm.s32 $0x9;
	_ =	strace $0x8000004B  }
0xbb: {  	_ =	swait.ge [sflag:s29], $0x1  }
0xbc: {  	[sflag:s29] =	ssyncadd.s32 $0xFFFFFFFF  }
0xbd: {  	_ =	strace $0x9000004B  }
0xbe: {  	_ =	sfence  }
0xbf: {  	s30 =	sld [smem:$0x0];
	_ =	sdelay $0x2  }
0xc0: {  	s31 =	sshll.u32 s1, $0xD;
	s1 =	sshrl.u32 s1, $0x2  }
0xc1: {  	s3 =	sand.u32 $0x4000, s31;
	s1 =	sadd.s32 s1, s30  }
0xc2: {  	s0 =	sor.u32 s3, s0;
	s1 =	sshll.u32 s1, $0x11  }
0xc3: {  	s0 =	sor.u32 s1, s0  }
0xc4: {  	s0 =	sadd.s32 $0x8F2B, s0  }
0xc5: {  	[sflag:s0] =	ssyncadd.remote.s32 $0x1  }
0xc6: {  	_ =	sfence.sel $0xFFFF  }
0xc7: {  	[dreg:$0x0] =	wrdreg $0xFFFFFFFF;
	(pc) =	sbr.abs _section_cstart, $3  }
0xc8: {  	[dreg:$0x1] =	wrdreg $0xFFFFFFFF  }
0xc9: {  	_ =	task.clear_ibuf [dreg:s8], $0x2FFFF;
	_ =	strace $0x9FFFFFFF  }
0xca: {  	(tm) =	ssettm $0x7FFFFFFF  }
0xcb: {  	_ =	shalt  }
tec
execute0_lowered:
.L_overlay_start_1:
0x0: {  	(tag) =	ssettag $0x1  }
0x1: {  	s6 =	rddreg [dreg:$0x0]  }
0x2: {  	s7 =	rddreg [dreg:$0x2]  }
0x3: {  	s3 =	rddreg [dreg:$0x3]  }
0x4: {  	s1 =	simm.s32 $0x0;
	s5 =	srdreg.scid;
	s0 =	stileid.u32  }
0x5: {  	s13 =	simm.s32 $0x40;
	s14 =	simm.s32 $0x2800;
	s15 =	simm.s32 $0x2C00  }
0x6: {  	s16 =	simm.s32 $0x2880;
	s17 =	simm.s32 $0x4C00;
	s18 =	simm.s32 $0x2900  }
0x7: {  	s19 =	simm.s32 $0x6C00;
	s20 =	simm.s32 $0x2980;
	s21 =	simm.s32 $0x8C00  }
0x8: {  	s28 =	simm.s32 $0x4;
	s29 =	simm.s32 $0x2B80;
	s30 =	simm.s32 $0x0  }
0x9: {  	s8 =	sand.u32 $0x1, s5;
	s22 =	sshrl.u32 s0, $0x2;
	s9 =	sshll.u32 s0, $0x8  }
0xa: {  	[smem:$0x7FF] =	sst s1;
	s5 =	sadd.s32 $0xD400, s6;
	s11 =	smul.u32 $0x4F000, s0  }
0xb: {  	s31 =	sshll.u32 s0, $0x6;
	s10 =	smul.u32 $0x14000, s22;
	s23 =	sshll.u32 s8, $0x7  }
0xc: {  	s9 =	sand.u32 $0x300, s9;
	_ =	strace $0x8000004A;
	s24 =	ssub.s32 $0x2, s8  }
0xd: {  	s8 =	smul.u32 $0x27800, s8;
	s22 =	simm.s32 $0x1;
	s9 =	sor.u32 s23, s9  }
0xe: {  	s25 =	sshrl.u32 s24, $0x1;
	s26 =	sshrl.u32 s11, $0x2;
	s11 =	sor.u32 $0x1C05, s31  }
0xf: {  	s23 =	simm.s32 $0x2A00;
	s9 =	sor.u32 s10, s9;
	s12 =	sadd.s32 s26, s3  }
.Ltmp0:
0x10: {  	s10 =	simm.s32 $0x5;
	s9 =	sshrl.u32 s9, $0x3;
	(pc) =	sbr.rel .LBB2_1-.Ltmp0, $4  }
0x11: {  	s26 =	simm.s32 $0x2B00;
	s12 =	sshrl.u32 s12, $0x3;
	s6 =	sadd.s32 s9, s6  }
0x12: {  	s9 =	ssub.s32 s24, s25;
	s24 =	sadd.s32 s7, s8;
	s25 =	smul.u32 $0x2780, s0  }
0x13: {  	s8 =	simm.s32 $0x80;
	s6 =	sadd.s32 $0x3400, s6;
	s7 =	smax.u32 s9, $0x1  }
0x14: {  	s9 =	simm.s32 $0x400;
	s24 =	sadd.s32 s25, s24;
	s25 =	simm.s32 $0x3  }
.LBB2_3:
0x15: {  	_ =	swait.ge [sflag:s28], $0x2000  }
0x16: {  	[sflag:s28] =	ssyncset.done $0x0  }
0x17: {  	[sflag:s28] =	ssyncadd.s32 $0xFFFFE000  }
0x18: {  	[spmem:s3] =	stream.indirect.scatter.add.f32 [tilespmem:s21], [sflag:$0x5], $0x80, s29, s13, $0xb8;
	[tilespmem:$0x1E800] =	vst v63  }
0x19: {  	_ =	swait.ge [sflag:s10], $0x2000  }
0x1a: {  	[sflag:s10] =	ssyncset.done $0x0  }
0x1b: {  	[sflag:s10] =	ssyncadd.s32 $0xFFFFE000  }
.LBB2_5:
0x1c: {  	s30 =	sadd.s32 $0x1, s30  }
0x1d: {  	p0 =	sne.s32 s30, s7  }
.Ltmp1:
0x1e: {  	[bflag:$0x0] =	sbarrier.arrive $0xFFFF;
	(pc) =	sbr.rel @!p0 .LBB2_6-.Ltmp1, $4  }
0x1f: {  	[hbm:s24], [sflag:s11] =	dma.local [spmem:s12], $0x2780  }
0x20: {  	_ =	swait.ge [sflag:s10], $0x2780  }
0x21: {  	[sflag:s10] =	ssyncset.done $0x0  }
0x22: {  	[sflag:s10] =	ssyncadd.s32 $0xFFFFD880  }
.LBB2_1:
0x23: {  	s0 =	simm.s32 $0x0  }
0x24: {  	[tilespmem:s0], [sflag:$0x5] =	stream.strided.gather [hbm4b:s6+s8], $0x2800, s9, s8, $0x38;
	[tilespmem:$0x1E800] =	vst v63  }
0x25: {  	_ =	swait.ge [sflag:s10], $0x2800  }
0x26: {  	[sflag:s10] =	ssyncset.done $0x0  }
0x27: {  	[sflag:s10] =	ssyncadd.s32 $0xFFFFD800  }
0x28: {  	s4 =	rddreg [dreg:$0x1]  }
0x29: {  	[spmem:s12], [sflag:s11] =	dma.local [hbm:s4], $0x2780  }
0x2a: {  	_ =	swait.ge [sflag:s10], $0x2780  }
0x2b: {  	[sflag:s10] =	ssyncset.done $0x0  }
0x2c: {  	[sflag:s10] =	ssyncadd.s32 $0xFFFFD880  }
0x2d: {  	[bflag:$0x0] =	sbarrier.arrive $0xFFFF  }
0x2e: {  	v0 =	vld [tilespmem:$0x0];
	_ =	sdelay $0x1  }
0x2f: {  	v1 =	vld [tilespmem:$0x10];
	_ =	sdelay $0x1  }
0x30: {  	v2 =	vld [tilespmem:$0x20]  }
0x31: {  	v3 =	vand.u32 $0x3FFF, v0  }
0x32: {  	v24 =	vld [tilespmem:$0x30];
	v0 =	vshrl.u32 v0, $0xE;
	[tilespmem:$0x2800] =	vst v3  }
0x33: {  	v25 =	vand.u32 $0x3FFF, v1;
	[tilespmem:$0x2A00] =	vst v0  }
0x34: {  	v26 =	vshrl.u32 v1, $0xE;
	[tilespmem:$0x2810] =	vst v25  }
0x35: {  	v27 =	vand.u32 $0x3FFF, v2;
	[tilespmem:$0x2A10] =	vst v26  }
0x36: {  	v28 =	vshrl.u32 v2, $0xE;
	[tilespmem:$0x2820] =	vst v27  }
0x37: {  	v29 =	vand.u32 $0x3FFF, v24;
	[tilespmem:$0x2A20] =	vst v28  }
0x38: {  	v30 =	vshrl.u32 v24, $0xE;
	[tilespmem:$0x2830] =	vst v29  }
0x39: {  	[tilespmem:$0x2A30] =	vst v30  }
0x3a: {  	[tilespmem:s15], [sflag:$0x1] =	stream.indirect.gather [hbm4b:s5+s13], $0x80, s14, s13, $0xb8;
	[tilespmem:$0x1E800] =	vst v63  }
0x3b: {  	v31 =	vld [tilespmem:$0x40];
	_ =	sdelay $0x1  }
0x3c: {  	v32 =	vld [tilespmem:$0x50];
	_ =	sdelay $0x1  }
0x3d: {  	v33 =	vld [tilespmem:$0x60]  }
0x3e: {  	v34 =	vand.u32 $0x3FFF, v31  }
0x3f: {  	v35 =	vld [tilespmem:$0x70];
	v0 =	vshrl.u32 v31, $0xE;
	[tilespmem:$0x2880] =	vst v34  }
0x40: {  	v36 =	vand.u32 $0x3FFF, v32;
	[tilespmem:$0x2A80] =	vst v0  }
0x41: {  	v37 =	vshrl.u32 v32, $0xE;
	[tilespmem:$0x2890] =	vst v36  }
0x42: {  	v38 =	vand.u32 $0x3FFF, v33;
	[tilespmem:$0x2A90] =	vst v37  }
0x43: {  	v39 =	vshrl.u32 v33, $0xE;
	[tilespmem:$0x28A0] =	vst v38  }
0x44: {  	v40 =	vand.u32 $0x3FFF, v35;
	[tilespmem:$0x2AA0] =	vst v39  }
0x45: {  	v41 =	vshrl.u32 v35, $0xE;
	[tilespmem:$0x28B0] =	vst v40  }
0x46: {  	[tilespmem:$0x2AB0] =	vst v41  }
0x47: {  	[tilespmem:s17], [sflag:$0x2] =	stream.indirect.gather [hbm4b:s5+s13], $0x80, s16, s13, $0xb8;
	[tilespmem:$0x1E800] =	vst v63  }
0x48: {  	v42 =	vld [tilespmem:$0x80];
	_ =	sdelay $0x1  }
0x49: {  	v43 =	vld [tilespmem:$0x90];
	_ =	sdelay $0x1  }
0x4a: {  	v44 =	vld [tilespmem:$0xA0]  }
0x4b: {  	v45 =	vand.u32 $0x3FFF, v42  }
0x4c: {  	v46 =	vld [tilespmem:$0xB0];
	v0 =	vshrl.u32 v42, $0xE;
	[tilespmem:$0x2900] =	vst v45  }
0x4d: {  	v47 =	vand.u32 $0x3FFF, v43;
	[tilespmem:$0x2B00] =	vst v0  }
0x4e: {  	v48 =	vshrl.u32 v43, $0xE;
	[tilespmem:$0x2910] =	vst v47  }
0x4f: {  	v49 =	vand.u32 $0x3FFF, v44;
	[tilespmem:$0x2B10] =	vst v48  }
0x50: {  	v50 =	vshrl.u32 v44, $0xE;
	[tilespmem:$0x2920] =	vst v49  }
0x51: {  	v51 =	vand.u32 $0x3FFF, v46;
	[tilespmem:$0x2B20] =	vst v50  }
0x52: {  	v52 =	vshrl.u32 v46, $0xE;
	[tilespmem:$0x2930] =	vst v51  }
0x53: {  	[tilespmem:$0x2B30] =	vst v52  }
0x54: {  	[tilespmem:s19], [sflag:$0x3] =	stream.indirect.gather [hbm4b:s5+s13], $0x80, s18, s13, $0xb8;
	[tilespmem:$0x1E800] =	vst v63  }
0x55: {  	v53 =	vld [tilespmem:$0xC0];
	_ =	sdelay $0x1  }
0x56: {  	v54 =	vld [tilespmem:$0xD0];
	_ =	sdelay $0x1  }
0x57: {  	v55 =	vld [tilespmem:$0xE0]  }
0x58: {  	v56 =	vand.u32 $0x3FFF, v53  }
0x59: {  	v57 =	vld [tilespmem:$0xF0];
	v0 =	vshrl.u32 v53, $0xE;
	[tilespmem:$0x2980] =	vst v56  }
0x5a: {  	v58 =	vand.u32 $0x3FFF, v54;
	[tilespmem:$0x2B80] =	vst v0  }
0x5b: {  	v59 =	vshrl.u32 v54, $0xE;
	[tilespmem:$0x2990] =	vst v58  }
0x5c: {  	v60 =	vand.u32 $0x3FFF, v55;
	[tilespmem:$0x2B90] =	vst v59  }
0x5d: {  	v61 =	vshrl.u32 v55, $0xE;
	[tilespmem:$0x29A0] =	vst v60  }
0x5e: {  	v62 =	vand.u32 $0x3FFF, v57;
	[tilespmem:$0x2BA0] =	vst v61  }
0x5f: {  	v63 =	vshrl.u32 v57, $0xE;
	[tilespmem:$0x29B0] =	vst v62  }
0x60: {  	s31 =	simm.s32 $0x0;
	[tilespmem:$0x2BB0] =	vst v63  }
0x61: {  	[tilespmem:s21], [sflag:$0x4] =	stream.indirect.gather [hbm4b:s5+s13], $0x80, s20, s13, $0xb8;
	[tilespmem:$0x1E800] =	vst v63  }
.LBB2_2:
0x62: {  	_ =	swait.ge [sflag:s22], $0x2000  }
0x63: {  	[sflag:s22] =	ssyncset.done $0x0  }
0x64: {  	[sflag:s22] =	ssyncadd.s32 $0xFFFFE000  }
0x65: {  	[spmem:s3] =	stream.indirect.scatter.add.f32 [tilespmem:s15], [sflag:$0x5], $0x80, s23, s13, $0xb8;
	[tilespmem:$0x1E800] =	vst v63  }
0x66: {  	_ =	swait.ge [sflag:s10], $0x2000  }
0x67: {  	p0 =	seq.s32 s31, $0x9C00;
	[sflag:s10] =	ssyncset.done $0x0  }
0x68: {  	s0 =	simm.s32 @p0 $0x2;
	[sflag:s10] =	ssyncadd.s32 $0xFFFFE000  }
0x69: {  	_ =	swait.ge @p0 [sflag:s0], $0x2000  }
0x6a: {  	s2 =	simm.s32 @p0 $0x2A80;
	[sflag:s0] =	ssyncset.done @p0 $0x0  }
0x6b: {  	s1 =	simm.s32 @p0 $0x4C00;
	[sflag:s0] =	ssyncadd.s32 @p0 $0xFFFFE000;
	s0 =	simm.s32 @p0 $0x40  }
0x6c: {  	[spmem:s3] =	stream.indirect.scatter.add.f32 @p0 [tilespmem:s1], [sflag:$0x5], $0x80, s2, s0, $0xb8;
	[tilespmem:$0x1E800] =	vst v63  }
0x6d: {  	s0 =	simm.s32 @p0 $0x5  }
0x6e: {  	_ =	swait.ge @p0 [sflag:s0], $0x2000  }
0x6f: {  	[sflag:s0] =	ssyncset.done @p0 $0x0  }
0x70: {  	[sflag:s0] =	ssyncadd.s32 @p0 $0xFFFFE000;
	s0 =	sshra.s32 @!p0 s31, $0x2  }
0x71: {  	v0 =	vld @!p0 [tilespmem:s0+$0x100];
	_ =	sdelay $0x4  }
0x72: {  	v1 =	vand.u32 @!p0 $0x3FFF, v0  }
0x73: {  	v0 =	vshrl.u32 @!p0 v0, $0xE;
	[tilespmem:$0x2800] =	vst @!p0 v1  }
0x74: {  	[tilespmem:$0x2A00] =	vst @!p0 v0  }
0x75: {  	v0 =	vld @!p0 [tilespmem:s0+$0x110];
	_ =	sdelay $0x4  }
0x76: {  	v1 =	vand.u32 @!p0 $0x3FFF, v0  }
0x77: {  	v0 =	vshrl.u32 @!p0 v0, $0xE;
	[tilespmem:$0x2810] =	vst @!p0 v1  }
0x78: {  	[tilespmem:$0x2A10] =	vst @!p0 v0  }
0x79: {  	v0 =	vld @!p0 [tilespmem:s0+$0x120];
	_ =	sdelay $0x4  }
0x7a: {  	v1 =	vand.u32 @!p0 $0x3FFF, v0  }
0x7b: {  	v0 =	vshrl.u32 @!p0 v0, $0xE;
	[tilespmem:$0x2820] =	vst @!p0 v1  }
0x7c: {  	[tilespmem:$0x2A20] =	vst @!p0 v0  }
0x7d: {  	v0 =	vld @!p0 [tilespmem:s0+$0x130];
	_ =	sdelay $0x4  }
0x7e: {  	v1 =	vand.u32 @!p0 $0x3FFF, v0  }
0x7f: {  	v0 =	vshrl.u32 @!p0 v0, $0xE;
	[tilespmem:$0x2830] =	vst @!p0 v1  }
0x80: {  	s4 =	simm.s32 @!p0 $0x2C00;
	s1 =	simm.s32 @!p0 $0x40;
	s2 =	simm.s32 @!p0 $0x2800;
	[tilespmem:$0x2A30] =	vst @!p0 v0  }
0x81: {  	[tilespmem:s4], [sflag:$0x1] =	stream.indirect.gather @!p0 [hbm4b:s5+s1], $0x80, s2, s1, $0xb8;
	[tilespmem:$0x1E800] =	vst v63  }
0x82: {  	s2 =	simm.s32 @!p0 $0x2  }
0x83: {  	_ =	swait.ge @!p0 [sflag:s2], $0x2000  }
0x84: {  	[sflag:s2] =	ssyncset.done @!p0 $0x0  }
0x85: {  	s4 =	simm.s32 @!p0 $0x4C00;
	[sflag:s2] =	ssyncadd.s32 @!p0 $0xFFFFE000;
	s2 =	simm.s32 @!p0 $0x2A80  }
0x86: {  	[spmem:s3] =	stream.indirect.scatter.add.f32 @!p0 [tilespmem:s4], [sflag:$0x5], $0x80, s2, s1, $0xb8;
	[tilespmem:$0x1E800] =	vst v63  }
0x87: {  	s2 =	simm.s32 @!p0 $0x5  }
0x88: {  	_ =	swait.ge @!p0 [sflag:s2], $0x2000  }
0x89: {  	[sflag:s2] =	ssyncset.done @!p0 $0x0  }
0x8a: {  	[sflag:s2] =	ssyncadd.s32 @!p0 $0xFFFFE000  }
0x8b: {  	v0 =	vld @!p0 [tilespmem:s0+$0x140];
	_ =	sdelay $0x4  }
0x8c: {  	v1 =	vand.u32 @!p0 $0x3FFF, v0  }
0x8d: {  	v0 =	vshrl.u32 @!p0 v0, $0xE;
	[tilespmem:$0x2880] =	vst @!p0 v1  }
0x8e: {  	[tilespmem:$0x2A80] =	vst @!p0 v0  }
0x8f: {  	v0 =	vld @!p0 [tilespmem:s0+$0x150];
	_ =	sdelay $0x4  }
0x90: {  	v1 =	vand.u32 @!p0 $0x3FFF, v0  }
0x91: {  	v0 =	vshrl.u32 @!p0 v0, $0xE;
	[tilespmem:$0x2890] =	vst @!p0 v1  }
0x92: {  	[tilespmem:$0x2A90] =	vst @!p0 v0  }
0x93: {  	v0 =	vld @!p0 [tilespmem:s0+$0x160];
	_ =	sdelay $0x4  }
0x94: {  	v1 =	vand.u32 @!p0 $0x3FFF, v0  }
0x95: {  	v0 =	vshrl.u32 @!p0 v0, $0xE;
	[tilespmem:$0x28A0] =	vst @!p0 v1  }
0x96: {  	[tilespmem:$0x2AA0] =	vst @!p0 v0  }
0x97: {  	v0 =	vld @!p0 [tilespmem:s0+$0x170];
	_ =	sdelay $0x4  }
0x98: {  	v1 =	vand.u32 @!p0 $0x3FFF, v0  }
0x99: {  	v0 =	vshrl.u32 @!p0 v0, $0xE;
	[tilespmem:$0x28B0] =	vst @!p0 v1  }
0x9a: {  	s0 =	simm.s32 @!p0 $0x2880;
	[tilespmem:$0x2AB0] =	vst @!p0 v0  }
0x9b: {  	[tilespmem:s4], [sflag:$0x2] =	stream.indirect.gather @!p0 [hbm4b:s5+s1], $0x80, s0, s1, $0xb8;
	[tilespmem:$0x1E800] =	vst v63  }
0x9c: {  	_ =	swait.ge [sflag:s25], $0x2000  }
0x9d: {  	p0 =	sne.s32 s31, $0x9C00;
	[sflag:s25] =	ssyncset.done $0x0  }
.Ltmp2:
0x9e: {  	[sflag:s25] =	ssyncadd.s32 $0xFFFFE000;
	(pc) =	sbr.rel @!p0 .LBB2_3-.Ltmp2, $4  }
0x9f: {  	[spmem:s3] =	stream.indirect.scatter.add.f32 [tilespmem:s19], [sflag:$0x5], $0x80, s26, s13, $0xb8;
	[tilespmem:$0x1E800] =	vst v63  }
0xa0: {  	_ =	swait.ge [sflag:s10], $0x2000  }
0xa1: {  	[sflag:s10] =	ssyncset.done $0x0  }
0xa2: {  	[sflag:s10] =	ssyncadd.s32 $0xFFFFE000  }
0xa3: {  	s0 =	sshra.s32 s31, $0x2  }
0xa4: {  	v0 =	vld [tilespmem:s0+$0x180];
	_ =	sdelay $0x4  }
0xa5: {  	v1 =	vand.u32 $0x3FFF, v0  }
0xa6: {  	v0 =	vshrl.u32 v0, $0xE;
	[tilespmem:$0x2900] =	vst v1  }
0xa7: {  	[tilespmem:$0x2B00] =	vst v0  }
0xa8: {  	v0 =	vld [tilespmem:s0+$0x190];
	_ =	sdelay $0x4  }
0xa9: {  	v56 =	vand.u32 $0x3FFF, v0  }
0xaa: {  	v0 =	vshrl.u32 v0, $0xE;
	[tilespmem:$0x2910] =	vst v56  }
0xab: {  	[tilespmem:$0x2B10] =	vst v0  }
0xac: {  	v0 =	vld [tilespmem:s0+$0x1A0];
	_ =	sdelay $0x4  }
0xad: {  	v57 =	vand.u32 $0x3FFF, v0  }
0xae: {  	v0 =	vshrl.u32 v0, $0xE;
	[tilespmem:$0x2920] =	vst v57  }
0xaf: {  	[tilespmem:$0x2B20] =	vst v0  }
0xb0: {  	v0 =	vld [tilespmem:s0+$0x1B0];
	_ =	sdelay $0x4  }
0xb1: {  	v58 =	vand.u32 $0x3FFF, v0  }
0xb2: {  	v0 =	vshrl.u32 v0, $0xE;
	[tilespmem:$0x2930] =	vst v58  }
0xb3: {  	[tilespmem:$0x2B30] =	vst v0  }
0xb4: {  	[tilespmem:s19], [sflag:$0x3] =	stream.indirect.gather [hbm4b:s5+s13], $0x80, s18, s13, $0xb8;
	[tilespmem:$0x1E800] =	vst v63  }
0xb5: {  	_ =	swait.ge [sflag:s28], $0x2000  }
0xb6: {  	[sflag:s28] =	ssyncset.done $0x0  }
0xb7: {  	[sflag:s28] =	ssyncadd.s32 $0xFFFFE000  }
0xb8: {  	[spmem:s3] =	stream.indirect.scatter.add.f32 [tilespmem:s21], [sflag:$0x5], $0x80, s29, s13, $0xb8;
	[tilespmem:$0x1E800] =	vst v63  }
0xb9: {  	_ =	swait.ge [sflag:s10], $0x2000  }
0xba: {  	[sflag:s10] =	ssyncset.done $0x0  }
0xbb: {  	[sflag:s10] =	ssyncadd.s32 $0xFFFFE000  }
0xbc: {  	v59 =	vld [tilespmem:s0+$0x1C0];
	_ =	sdelay $0x4  }
0xbd: {  	v60 =	vand.u32 $0x3FFF, v59  }
0xbe: {  	v0 =	vshrl.u32 v59, $0xE;
	[tilespmem:$0x2980] =	vst v60  }
0xbf: {  	[tilespmem:$0x2B80] =	vst v0  }
0xc0: {  	v0 =	vld [tilespmem:s0+$0x1D0];
	_ =	sdelay $0x4  }
0xc1: {  	v61 =	vand.u32 $0x3FFF, v0  }
0xc2: {  	v0 =	vshrl.u32 v0, $0xE;
	[tilespmem:$0x2990] =	vst v61  }
0xc3: {  	[tilespmem:$0x2B90] =	vst v0  }
0xc4: {  	v0 =	vld [tilespmem:s0+$0x1E0];
	_ =	sdelay $0x4  }
0xc5: {  	v62 =	vand.u32 $0x3FFF, v0  }
0xc6: {  	v0 =	vshrl.u32 v0, $0xE;
	[tilespmem:$0x29A0] =	vst v62  }
0xc7: {  	[tilespmem:$0x2BA0] =	vst v0  }
0xc8: {  	v0 =	vld [tilespmem:s0+$0x1F0];
	_ =	sdelay $0x1  }
0xc9: {  	s31 =	sadd.s32 $0x400, s31  }
0xca: {  	p0 =	sne.s32 s31, $0xA000  }
.Ltmp3:
0xcb: {  	_ = 	snop;
	(pc) =	sbr.rel @p0 .LBB2_2-.Ltmp3, $4  }
.Ltmp4:
0xcc: {  	v63 =	vand.u32 $0x3FFF, v0;
	(pc) =	sbr.rel @!p0 .LBB2_5-.Ltmp4, $4  }
0xcd: {  	v0 =	vshrl.u32 v0, $0xE;
	[tilespmem:$0x29B0] =	vst v63  }
0xce: {  	[tilespmem:$0x2BB0] =	vst v0  }
0xcf: {  	[tilespmem:s21], [sflag:$0x4] =	stream.indirect.gather [hbm4b:s5+s13], $0x80, s20, s13, $0xb8;
	[tilespmem:$0x1E800] =	vst v63  }
0xd0: {  	_ = 	snop  }
.LBB2_6:
0xd1: {  	_ =	sfence.sel $0x180000  }
0xd2: {  	[bflag:$0x0] =	sbarrier.arrive $0xFFFF  }
0xd3: {  	_ =	strace $0x9000004A  }
0xd4: {  	s0 =	stileid.u32;
	[bflag:$0x2] =	sbarrier.arrive $0xFFFF  }
0xd5: {  	p0 =	sne.s32 s0, $0x0;
	s0 =	rddreg [dreg:$0x4]  }
0xd6: {  	s0 =	sadd.s32 @!p0 $0x100000, s0  }
0xd7: {  	[sflag:s0] =	ssyncadd.tile.s32 @!p0 $0x1;
	_ =	shalt  }
.Lfunc_end2:
_tile_overlayer_lowered:
.L_overlay_start_2:
0xd8: {  	(tag) =	ssettag $0x2  }
0xd9: {  	s0 =	rddreg [dreg:$0x0];
	s2 =	stileid.u32  }
0xda: {  	s1 =	rddreg [dreg:$0x1];
	p0 =	sne.s32 s2, $0x0  }
0xdb: {  	s3 =	rddreg [dreg:$0x2];
	[bflag:$0x3] =	sbarrier.arrive $0xFFFF;
	s2 =	simm.s32 @!p0 $0x1C05  }
0xdc: {  	[timem:s3], [sflag:s2] =	dma.local @!p0 [hbm:s0], s1  }
0xdd: {  	s0 =	simm.s32 @!p0 $0x5  }
0xde: {  	_ =	swait.ge @!p0 [sflag:s0], s1  }
0xdf: {  	s1 =	ssub.s32 @!p0 $0x0, s1;
	[sflag:s0] =	ssyncset.done @!p0 $0x0  }
0xe0: {  	[sflag:s0] =	ssyncadd.s32 @!p0 s1  }
0xe1: {  	[bflag:$0x3] =	sbarrier.arrive $0xFFFF  }
0xe2: {  	_ =	shalt  }

// kernel: kernel.16.cloned.1.call-start
scs
__scs_entry_jumppad:
0x0: {  	(pc) =	sbr.rel $0x88, $3  }
0x1: {  	(tag) =	ssettag $0x0;
	lr =	simm.s32 $0x1  }
0x2: {  	[smem:$0x3F99] =	sst lr;
	_ =	strace $0xD0000000  }
0x3: {  	_ = 	snop  }
0x4: {  	_ = 	snop  }
0x5: {  	_ = 	snop  }
0x6: {  	_ = 	snop  }
0x7: {  	_ = 	snop  }
__scs_overlays_trampoline_lowered:
0x8: {  	[smem:$0x3FA8] =	sst s0  }
0x9: {  	[smem:$0x3FA9] =	sst s1  }
0xa: {  	[smem:$0x3FAA] =	sst s2  }
0xb: {  	[smem:$0x3FAB] =	sst s3  }
0xc: {  	[smem:$0x3FAC] =	sst s4  }
0xd: {  	[smem:$0x3FAD] =	sst s5  }
0xe: {  	[smem:$0x3FAE] =	sst s6  }
0xf: {  	[smem:$0x3FAF] =	sst s7  }
0x10: {  	[smem:$0x3FB0] =	sst s8  }
0x11: {  	[smem:$0x3FB1] =	sst s9;
	s0 =	simm.s32 @!p0 $0x0  }
0x12: {  	s1 =	sld [smem:$0x3F97];
	s0 =	simm.s32 @p0 $0x1  }
0x13: {  	[smem:$0x3FB2] =	sst s0;
	s0 =	simm.s32 @!p1 $0x0  }
0x14: {  	s2 =	sld [smem:$0x3F96];
	s0 =	simm.s32 @p1 $0x1  }
0x15: {  	[smem:$0x3FB3] =	sst s0;
	s0 =	simm.s32 @!p2 $0x0  }
0x16: {  	s3 =	sld [smem:$0x3FDB];
	s0 =	simm.s32 @p2 $0x1  }
0x17: {  	s4 =	simm.s32 $0x1BF5;
	[smem:$0x3FB5] =	sst s0  }
0x18: {  	s0 =	sld [smem:$0x3F98];
	_ =	swait.ge [sflag:s4], $0x0  }
0x19: {  	s7 =	sld [smem:$0x3F99]  }
0x1a: {  	s8 =	sadd.s32 $0xFFFFE003, lr  }
0x1b: {  	s9 =	sadd.s32 $0xFFFFFEF7, lr;
	s5 =	simm.s32 $0xFFFFFFFF;
	p2 =	slt.u32 s8, $0xFFFFF086  }
0x1c: {  	p1 =	slt.u32 s9, $0xF7A;
	s5 =	simm.s32 @!p2 $0x0  }
0x1d: {  	s5 =	simm.s32 @p1 $0x1;
	p0 =	seq.s32 s7, s2  }
0x1e: {  	s7 =	smul.u32 @!p0 $0xF7A, s2;
	p2 =	seq.s32 @!p0 s5, $0x0  }
0x1f: {  	s9 =	smul.u32 $0xF7A, s1;
	s8 =	simm.s32 @!p0 $0x1BF5;
	p2 =	por !p2, p0  }
0x20: {  	[sflag:s8] =	ssyncset.s32 @!p0 $0xFFFFF086;
	s6 =	sadd.s32 @!p0 s3, s7;
	s7 =	simm.s32 @!p0 $0x108  }
0x21: {  	s3 =	sadd.s32 s3, s9;
	s6 =	sadd.s32 @!p0 $0x88, s6;
	s7 =	simm.s32 @p2 $0x1082  }
0x22: {  	[simem:s7], [sflag:s8] =	dma.local @!p0 [hbm:s6], $0xF7A  }
0x23: {  	s9 =	sor.u32 $0xD0000000, s2;
	s6 =	simm.s32 $0x108;
	_ =	swait.ge @!p0 [sflag:s8], $0x0  }
0x24: {  	s3 =	sadd.s32 $0x88, s3;
	s6 =	simm.s32 @!p1 $0x1082;
	[sflag:s4] =	ssyncset.s32 $0xFFFFF086  }
0x25: {  	[simem:s6], [sflag:s4] =	dma.local [hbm:s3], $0xF7A  }
0x26: {  	[smem:$0x3F99] =	sst s1;
	(tag) =	ssettag s2;
	_ =	strace s9  }
0x27: {  	s1 =	sld [smem:$0x3FA9]  }
0x28: {  	s2 =	sld [smem:$0x3FAA]  }
0x29: {  	s4 =	sld [smem:$0x3FAC]  }
0x2a: {  	p0 =	seq.s32 s5, $0x0;
	s5 =	sld [smem:$0x3FAD]  }
0x2b: {  	s6 =	sld [smem:$0x3FAE]  }
0x2c: {  	s7 =	sld [smem:$0x3FAF]  }
0x2d: {  	s3 =	simm.s32 $0x108;
	s8 =	sld [smem:$0x3FB0]  }
0x2e: {  	s3 =	simm.s32 @!p0 $0x1082;
	s9 =	sld [smem:$0x3FB1]  }
0x2f: {  	lr =	sadd.s32 s0, s3;
	s0 =	sld [smem:$0x3FA8]  }
0x30: {  	s3 =	sld [smem:$0x3FAB]  }
0x31: {  	[smem:$0x3FB4] =	sst s10  }
0x32: {  	s10 =	sld [smem:$0x3FB2];
	_ =	sdelay $0x3  }
0x33: {  	p0 =	seq.s32 s10, $0x1;
	s10 =	sld [smem:$0x3FB4];
	_ =	sdelay $0x3  }
0x34: {  	[smem:$0x3FB4] =	sst s10  }
0x35: {  	s10 =	sld [smem:$0x3FB3];
	_ =	sdelay $0x3  }
0x36: {  	p1 =	seq.s32 s10, $0x1;
	s10 =	sld [smem:$0x3FB4];
	_ =	sdelay $0x3  }
0x37: {  	[smem:$0x3FB4] =	sst s10  }
0x38: {  	s10 =	sld [smem:$0x3FB5]  }
0x39: {  	_ = 	snop;
	(pc) =	sbr.ind lr, $3  }
0x3a: {  	_ = 	snop  }
0x3b: {  	_ = 	snop  }
0x3c: {  	p2 =	seq.s32 s10, $0x1;
	s10 =	sld [smem:$0x3FB4]  }
0x3d: {  	_ =	shalt  }
0x3e: {  	_ =	shalt  }
0x3f: {  	_ =	shalt  }
0x40: {  	_ =	shalt  }
0x41: {  	_ =	shalt  }
0x42: {  	_ =	shalt  }
0x43: {  	_ =	shalt  }
0x44: {  	_ =	shalt  }
0x45: {  	_ =	shalt  }
0x46: {  	_ =	shalt  }
0x47: {  	_ =	shalt  }
0x48: {  	_ =	shalt  }
0x49: {  	_ =	shalt  }
0x4a: {  	_ =	shalt  }
0x4b: {  	_ =	shalt  }
0x4c: {  	_ =	shalt  }
0x4d: {  	_ =	shalt  }
0x4e: {  	_ =	shalt  }
0x4f: {  	_ =	shalt  }
0x50: {  	_ =	shalt  }
0x51: {  	_ =	shalt  }
0x52: {  	_ =	shalt  }
0x53: {  	_ =	shalt  }
0x54: {  	_ =	shalt  }
0x55: {  	_ =	shalt  }
0x56: {  	_ =	shalt  }
0x57: {  	_ =	shalt  }
0x58: {  	_ =	shalt  }
0x59: {  	_ =	shalt  }
0x5a: {  	_ =	shalt  }
0x5b: {  	_ =	shalt  }
0x5c: {  	_ =	shalt  }
0x5d: {  	_ =	shalt  }
0x5e: {  	_ =	shalt  }
0x5f: {  	_ =	shalt  }
0x60: {  	_ =	shalt  }
0x61: {  	_ =	shalt  }
0x62: {  	_ =	shalt  }
0x63: {  	_ =	shalt  }
0x64: {  	_ =	shalt  }
0x65: {  	_ =	shalt  }
0x66: {  	_ =	shalt  }
0x67: {  	_ =	shalt  }
0x68: {  	_ =	shalt  }
0x69: {  	_ =	shalt  }
0x6a: {  	_ =	shalt  }
0x6b: {  	_ =	shalt  }
0x6c: {  	_ =	shalt  }
0x6d: {  	_ =	shalt  }
0x6e: {  	_ =	shalt  }
0x6f: {  	_ =	shalt  }
0x70: {  	_ =	shalt  }
0x71: {  	_ =	shalt  }
0x72: {  	_ =	shalt  }
0x73: {  	_ =	shalt  }
0x74: {  	_ =	shalt  }
0x75: {  	_ =	shalt  }
0x76: {  	_ =	shalt  }
0x77: {  	_ =	shalt  }
0x78: {  	_ =	shalt  }
0x79: {  	_ =	shalt  }
0x7a: {  	_ =	shalt  }
0x7b: {  	_ =	shalt  }
0x7c: {  	_ =	shalt  }
0x7d: {  	_ =	shalt  }
0x7e: {  	_ =	shalt  }
0x7f: {  	_ =	shalt  }
0x80: {  	_ =	shalt  }
0x81: {  	_ =	shalt  }
0x82: {  	_ =	shalt  }
0x83: {  	_ =	shalt  }
0x84: {  	_ =	shalt  }
0x85: {  	_ =	shalt  }
0x86: {  	_ =	shalt  }
0x87: {  	_ =	shalt  }
.Lfunc_end0:
.L_simem_size_0:
called_computation.2_lowered:
.L_overlay_start_0:
0x88: {  	s2 =	sld [smem:$0x3FD9]  }
0x89: {  	s3 =	sld [smem:$0x3FFE];
	_ =	sdelay $0x1  }
0x8a: {  	s1 =	srdreg.scid  }
0x8b: {  	s0 =	sand.u32 $0x1, s1  }
0x8c: {  	s14 =	sshll.u32 s0, $0xA;
	s2 =	sadd.s32 s3, s2  }
0x8d: {  	s2 =	sadd.s32 s2, s14  }
0x8e: {  	[smem:$0x3FC0] =	sst s2  }
0x8f: {  	_ = 	snop  }
0x90: {  	s2 =	sld [smem:$0x3FD0];
	_ =	sdelay $0x2  }
0x91: {  	s15 =	simm.s32 $0xA;
	s4 =	simm.s32 $0x10  }
0x92: {  	[smem:s4], [sflag:s15] =	dma.local [hbm:s2], $0x1  }
0x93: {  	_ =	swait.eq [sflag:s15], $0x1  }
0x94: {  	[sflag:s15] =	ssyncset.done $0x0  }
0x95: {  	s16 =	sld [smem:$0x10];
	[sflag:s15] =	ssyncadd.s32 $0xFFFFFFFF  }
0x96: {  	s17 =	sld [smem:$0x11];
	(tm) =	ssettm $0x1  }
0x97: {  	s18 =	sld [smem:$0x3FFB];
	_ =	sdelay $0x3  }
0x98: {  	_ =	strace s18  }
0x99: {  	s4 =	sld [smem:$0x3FFC];
	_ =	sdelay $0x3  }
0x9a: {  	_ =	strace s4  }
0x9b: {  	s4 =	sld [smem:$0x3FFD];
	_ =	sdelay $0x3  }
0x9c: {  	_ =	strace s4  }
0x9d: {  	_ =	strace $0x8FFFFFFF  }
0x9e: {  	s19 =	sld [smem:$0x3FDB];
	_ =	sdelay $0x1  }
0x9f: {  	s5 =	simm.s32 $_scs_section_size  }
0xa0: {  	s6 =	simm.s32 $_size__tile_overlayer_lowered;
	s7 =	simm.s32 $_tile_overlayer_lowered  }
0xa1: {  	s22 =	simm.s32 $0x1BFF;
	s21 =	sshll.u32 s7, $0x1;
	s4 =	sadd.s32 s5, s19  }
0xa2: {  	s8 =	simm.s32 $0x0;
	s20 =	sshll.u32 s6, $0x1;
	s6 =	sadd.s32 s21, s4  }
0xa3: {  	[timem:s8], [sflag:s22] =	dma.local [hbm:s6], s20  }
0xa4: {  	_ =	swait.ge [sflag:s22], s20  }
0xa5: {  	s5 =	ssub.s32 $0x0, s20;
	[sflag:s22] =	ssyncset.done $0x0  }
0xa6: {  	[sflag:s22] =	ssyncadd.s32 s5;
	_ =	sdelay $0x1  }
0xa7: {  	s23 =	simm.s32 $0x1B8B  }
0xa8: {  	_ =	swait.ge [sflag:s23], $0x1  }
0xa9: {  	[sflag:s23] =	ssyncset.done $0x0  }
0xaa: {  	s25 =	simm.s32 $0x1B8E;
	s24 =	sld [smem:$0x3FFE];
	[sflag:s23] =	ssyncadd.s32 $0xFFFFFFFF  }
0xab: {  	s26 =	simm.s32 $execute0_lowered;
	[smem:$0x3FD2] =	sst s25  }
0xac: {  	s6 =	sshll.u32 s26, $0x1;
	_ =	strace $0x8000004C;
	[dreg:$0x1] =	wrdreg $0xFFFFFFFF  }
0xad: {  	s28 =	simm.s32 $_size_execute0_lowered;
	s4 =	sadd.s32 s4, s6;
	[dreg:$0x0] =	wrdreg $0x0  }
0xae: {  	s6 =	sshll.u32 s28, $0x1;
	[dreg:$0x2] =	wrdreg s4  }
0xaf: {  	[dreg:$0x3] =	wrdreg s6  }
0xb0: {  	[dreg:$0x4] =	wrdreg $0xC0  }
0xb1: {  	_ =	task [dreg:s8], $0x5FFFF  }
0xb2: {  	[dreg:$0x1] =	wrdreg $0xFFFFFFFF  }
0xb3: {  	[dreg:$0x0] =	wrdreg $0x60  }
0xb4: {  	[dreg:$0x2] =	wrdreg s24  }
0xb5: {  	[dreg:$0x3] =	wrdreg s16  }
0xb6: {  	[dreg:$0x4] =	wrdreg s17  }
0xb7: {  	[dreg:$0x5] =	wrdreg $0xAC000  }
0xb8: {  	[dreg:$0x6] =	wrdreg $0x9  }
0xb9: {  	_ =	task.clear_ibuf [dreg:s8], $0x7FFFF;
	_ =	strace $0x9000004C  }
0xba: {  	s29 =	simm.s32 $0x9;
	_ =	strace $0x8000004E  }
0xbb: {  	_ =	swait.ge [sflag:s29], $0x1  }
0xbc: {  	[sflag:s29] =	ssyncadd.s32 $0xFFFFFFFF  }
0xbd: {  	_ =	strace $0x9000004E  }
0xbe: {  	_ =	sfence  }
0xbf: {  	s30 =	sld [smem:$0x0];
	_ =	sdelay $0x2  }
0xc0: {  	s31 =	sshll.u32 s1, $0xD;
	s1 =	sshrl.u32 s1, $0x2  }
0xc1: {  	s3 =	sand.u32 $0x4000, s31;
	s1 =	sadd.s32 s1, s30  }
0xc2: {  	s0 =	sor.u32 s3, s0;
	s1 =	sshll.u32 s1, $0x11  }
0xc3: {  	s0 =	sor.u32 s1, s0  }
0xc4: {  	s0 =	sadd.s32 $0x8F2B, s0  }
0xc5: {  	[sflag:s0] =	ssyncadd.remote.s32 $0x1  }
0xc6: {  	_ =	sfence.sel $0xFFFF  }
0xc7: {  	[dreg:$0x0] =	wrdreg $0xFFFFFFFF;
	(pc) =	sbr.abs _section_cstart, $3  }
0xc8: {  	[dreg:$0x1] =	wrdreg $0xFFFFFFFF  }
0xc9: {  	_ =	task.clear_ibuf [dreg:s8], $0x2FFFF;
	_ =	strace $0x9FFFFFFF  }
0xca: {  	(tm) =	ssettm $0x7FFFFFFF  }
0xcb: {  	_ =	shalt  }
tec
execute0_lowered:
.L_overlay_start_1:
0x0: {  	(tag) =	ssettag $0x1  }
0x1: {  	s6 =	rddreg [dreg:$0x0]  }
0x2: {  	s7 =	rddreg [dreg:$0x2]  }
0x3: {  	s3 =	rddreg [dreg:$0x3]  }
0x4: {  	s1 =	simm.s32 $0x0;
	s5 =	srdreg.scid;
	s0 =	stileid.u32  }
0x5: {  	s13 =	simm.s32 $0x40;
	s14 =	simm.s32 $0x2800;
	s15 =	simm.s32 $0x2C00  }
0x6: {  	s16 =	simm.s32 $0x2880;
	s17 =	simm.s32 $0x4C00;
	s18 =	simm.s32 $0x2900  }
0x7: {  	s19 =	simm.s32 $0x6C00;
	s20 =	simm.s32 $0x2980;
	s21 =	simm.s32 $0x8C00  }
0x8: {  	s28 =	simm.s32 $0x4;
	s29 =	simm.s32 $0x2B80;
	s30 =	simm.s32 $0x0  }
0x9: {  	s8 =	sand.u32 $0x1, s5;
	s22 =	sshrl.u32 s0, $0x2;
	s9 =	sshll.u32 s0, $0x8  }
0xa: {  	[smem:$0x7FF] =	sst s1;
	s5 =	sadd.s32 $0xD400, s6;
	s11 =	smul.u32 $0x4F000, s0  }
0xb: {  	s31 =	sshll.u32 s0, $0x6;
	s10 =	smul.u32 $0x14000, s22;
	s23 =	sshll.u32 s8, $0x7  }
0xc: {  	s9 =	sand.u32 $0x300, s9;
	_ =	strace $0x8000004D;
	s24 =	ssub.s32 $0x2, s8  }
0xd: {  	s8 =	smul.u32 $0x27800, s8;
	s22 =	simm.s32 $0x1;
	s9 =	sor.u32 s23, s9  }
0xe: {  	s25 =	sshrl.u32 s24, $0x1;
	s26 =	sshrl.u32 s11, $0x2;
	s11 =	sor.u32 $0x1C05, s31  }
0xf: {  	s23 =	simm.s32 $0x2A00;
	s9 =	sor.u32 s10, s9;
	s12 =	sadd.s32 s26, s3  }
.Ltmp0:
0x10: {  	s10 =	simm.s32 $0x5;
	s9 =	sshrl.u32 s9, $0x3;
	(pc) =	sbr.rel .LBB2_1-.Ltmp0, $4  }
0x11: {  	s26 =	simm.s32 $0x2B00;
	s12 =	sshrl.u32 s12, $0x3;
	s6 =	sadd.s32 s9, s6  }
0x12: {  	s9 =	ssub.s32 s24, s25;
	s24 =	sadd.s32 s7, s8;
	s25 =	smul.u32 $0x2780, s0  }
0x13: {  	s8 =	simm.s32 $0x80;
	s6 =	sadd.s32 $0x3400, s6;
	s7 =	smax.u32 s9, $0x1  }
0x14: {  	s9 =	simm.s32 $0x400;
	s24 =	sadd.s32 s25, s24;
	s25 =	simm.s32 $0x3  }
.LBB2_3:
0x15: {  	_ =	swait.ge [sflag:s28], $0x2000  }
0x16: {  	[sflag:s28] =	ssyncset.done $0x0  }
0x17: {  	[sflag:s28] =	ssyncadd.s32 $0xFFFFE000  }
0x18: {  	[spmem:s3] =	stream.indirect.scatter.add.f32 [tilespmem:s21], [sflag:$0x5], $0x80, s29, s13, $0xb8;
	[tilespmem:$0x1E800] =	vst v63  }
0x19: {  	_ =	swait.ge [sflag:s10], $0x2000  }
0x1a: {  	[sflag:s10] =	ssyncset.done $0x0  }
0x1b: {  	[sflag:s10] =	ssyncadd.s32 $0xFFFFE000  }
.LBB2_5:
0x1c: {  	s30 =	sadd.s32 $0x1, s30  }
0x1d: {  	p0 =	sne.s32 s30, s7  }
.Ltmp1:
0x1e: {  	[bflag:$0x0] =	sbarrier.arrive $0xFFFF;
	(pc) =	sbr.rel @!p0 .LBB2_6-.Ltmp1, $4  }
0x1f: {  	[hbm:s24], [sflag:s11] =	dma.local [spmem:s12], $0x2780  }
0x20: {  	_ =	swait.ge [sflag:s10], $0x2780  }
0x21: {  	[sflag:s10] =	ssyncset.done $0x0  }
0x22: {  	[sflag:s10] =	ssyncadd.s32 $0xFFFFD880  }
.LBB2_1:
0x23: {  	s0 =	simm.s32 $0x0  }
0x24: {  	[tilespmem:s0], [sflag:$0x5] =	stream.strided.gather [hbm4b:s6+s8], $0x2800, s9, s8, $0x38;
	[tilespmem:$0x1E800] =	vst v63  }
0x25: {  	_ =	swait.ge [sflag:s10], $0x2800  }
0x26: {  	[sflag:s10] =	ssyncset.done $0x0  }
0x27: {  	[sflag:s10] =	ssyncadd.s32 $0xFFFFD800  }
0x28: {  	s4 =	rddreg [dreg:$0x1]  }
0x29: {  	[spmem:s12], [sflag:s11] =	dma.local [hbm:s4], $0x2780  }
0x2a: {  	_ =	swait.ge [sflag:s10], $0x2780  }
0x2b: {  	[sflag:s10] =	ssyncset.done $0x0  }
0x2c: {  	[sflag:s10] =	ssyncadd.s32 $0xFFFFD880  }
0x2d: {  	[bflag:$0x0] =	sbarrier.arrive $0xFFFF  }
0x2e: {  	v0 =	vld [tilespmem:$0x0];
	_ =	sdelay $0x1  }
0x2f: {  	v1 =	vld [tilespmem:$0x10];
	_ =	sdelay $0x1  }
0x30: {  	v2 =	vld [tilespmem:$0x20]  }
0x31: {  	v3 =	vand.u32 $0x3FFF, v0  }
0x32: {  	v24 =	vld [tilespmem:$0x30];
	v0 =	vshrl.u32 v0, $0xE;
	[tilespmem:$0x2800] =	vst v3  }
0x33: {  	v25 =	vand.u32 $0x3FFF, v1;
	[tilespmem:$0x2A00] =	vst v0  }
0x34: {  	v26 =	vshrl.u32 v1, $0xE;
	[tilespmem:$0x2810] =	vst v25  }
0x35: {  	v27 =	vand.u32 $0x3FFF, v2;
	[tilespmem:$0x2A10] =	vst v26  }
0x36: {  	v28 =	vshrl.u32 v2, $0xE;
	[tilespmem:$0x2820] =	vst v27  }
0x37: {  	v29 =	vand.u32 $0x3FFF, v24;
	[tilespmem:$0x2A20] =	vst v28  }
0x38: {  	v30 =	vshrl.u32 v24, $0xE;
	[tilespmem:$0x2830] =	vst v29  }
0x39: {  	[tilespmem:$0x2A30] =	vst v30  }
0x3a: {  	[tilespmem:s15], [sflag:$0x1] =	stream.indirect.gather [hbm4b:s5+s13], $0x80, s14, s13, $0xb8;
	[tilespmem:$0x1E800] =	vst v63  }
0x3b: {  	v31 =	vld [tilespmem:$0x40];
	_ =	sdelay $0x1  }
0x3c: {  	v32 =	vld [tilespmem:$0x50];
	_ =	sdelay $0x1  }
0x3d: {  	v33 =	vld [tilespmem:$0x60]  }
0x3e: {  	v34 =	vand.u32 $0x3FFF, v31  }
0x3f: {  	v35 =	vld [tilespmem:$0x70];
	v0 =	vshrl.u32 v31, $0xE;
	[tilespmem:$0x2880] =	vst v34  }
0x40: {  	v36 =	vand.u32 $0x3FFF, v32;
	[tilespmem:$0x2A80] =	vst v0  }
0x41: {  	v37 =	vshrl.u32 v32, $0xE;
	[tilespmem:$0x2890] =	vst v36  }
0x42: {  	v38 =	vand.u32 $0x3FFF, v33;
	[tilespmem:$0x2A90] =	vst v37  }
0x43: {  	v39 =	vshrl.u32 v33, $0xE;
	[tilespmem:$0x28A0] =	vst v38  }
0x44: {  	v40 =	vand.u32 $0x3FFF, v35;
	[tilespmem:$0x2AA0] =	vst v39  }
0x45: {  	v41 =	vshrl.u32 v35, $0xE;
	[tilespmem:$0x28B0] =	vst v40  }
0x46: {  	[tilespmem:$0x2AB0] =	vst v41  }
0x47: {  	[tilespmem:s17], [sflag:$0x2] =	stream.indirect.gather [hbm4b:s5+s13], $0x80, s16, s13, $0xb8;
	[tilespmem:$0x1E800] =	vst v63  }
0x48: {  	v42 =	vld [tilespmem:$0x80];
	_ =	sdelay $0x1  }
0x49: {  	v43 =	vld [tilespmem:$0x90];
	_ =	sdelay $0x1  }
0x4a: {  	v44 =	vld [tilespmem:$0xA0]  }
0x4b: {  	v45 =	vand.u32 $0x3FFF, v42  }
0x4c: {  	v46 =	vld [tilespmem:$0xB0];
	v0 =	vshrl.u32 v42, $0xE;
	[tilespmem:$0x2900] =	vst v45  }
0x4d: {  	v47 =	vand.u32 $0x3FFF, v43;
	[tilespmem:$0x2B00] =	vst v0  }
0x4e: {  	v48 =	vshrl.u32 v43, $0xE;
	[tilespmem:$0x2910] =	vst v47  }
0x4f: {  	v49 =	vand.u32 $0x3FFF, v44;
	[tilespmem:$0x2B10] =	vst v48  }
0x50: {  	v50 =	vshrl.u32 v44, $0xE;
	[tilespmem:$0x2920] =	vst v49  }
0x51: {  	v51 =	vand.u32 $0x3FFF, v46;
	[tilespmem:$0x2B20] =	vst v50  }
0x52: {  	v52 =	vshrl.u32 v46, $0xE;
	[tilespmem:$0x2930] =	vst v51  }
0x53: {  	[tilespmem:$0x2B30] =	vst v52  }
0x54: {  	[tilespmem:s19], [sflag:$0x3] =	stream.indirect.gather [hbm4b:s5+s13], $0x80, s18, s13, $0xb8;
	[tilespmem:$0x1E800] =	vst v63  }
0x55: {  	v53 =	vld [tilespmem:$0xC0];
	_ =	sdelay $0x1  }
0x56: {  	v54 =	vld [tilespmem:$0xD0];
	_ =	sdelay $0x1  }
0x57: {  	v55 =	vld [tilespmem:$0xE0]  }
0x58: {  	v56 =	vand.u32 $0x3FFF, v53  }
0x59: {  	v57 =	vld [tilespmem:$0xF0];
	v0 =	vshrl.u32 v53, $0xE;
	[tilespmem:$0x2980] =	vst v56  }
0x5a: {  	v58 =	vand.u32 $0x3FFF, v54;
	[tilespmem:$0x2B80] =	vst v0  }
0x5b: {  	v59 =	vshrl.u32 v54, $0xE;
	[tilespmem:$0x2990] =	vst v58  }
0x5c: {  	v60 =	vand.u32 $0x3FFF, v55;
	[tilespmem:$0x2B90] =	vst v59  }
0x5d: {  	v61 =	vshrl.u32 v55, $0xE;
	[tilespmem:$0x29A0] =	vst v60  }
0x5e: {  	v62 =	vand.u32 $0x3FFF, v57;
	[tilespmem:$0x2BA0] =	vst v61  }
0x5f: {  	v63 =	vshrl.u32 v57, $0xE;
	[tilespmem:$0x29B0] =	vst v62  }
0x60: {  	s31 =	simm.s32 $0x0;
	[tilespmem:$0x2BB0] =	vst v63  }
0x61: {  	[tilespmem:s21], [sflag:$0x4] =	stream.indirect.gather [hbm4b:s5+s13], $0x80, s20, s13, $0xb8;
	[tilespmem:$0x1E800] =	vst v63  }
.LBB2_2:
0x62: {  	_ =	swait.ge [sflag:s22], $0x2000  }
0x63: {  	[sflag:s22] =	ssyncset.done $0x0  }
0x64: {  	[sflag:s22] =	ssyncadd.s32 $0xFFFFE000  }
0x65: {  	[spmem:s3] =	stream.indirect.scatter.add.f32 [tilespmem:s15], [sflag:$0x5], $0x80, s23, s13, $0xb8;
	[tilespmem:$0x1E800] =	vst v63  }
0x66: {  	_ =	swait.ge [sflag:s10], $0x2000  }
0x67: {  	p0 =	seq.s32 s31, $0x9C00;
	[sflag:s10] =	ssyncset.done $0x0  }
0x68: {  	s0 =	simm.s32 @p0 $0x2;
	[sflag:s10] =	ssyncadd.s32 $0xFFFFE000  }
0x69: {  	_ =	swait.ge @p0 [sflag:s0], $0x2000  }
0x6a: {  	s2 =	simm.s32 @p0 $0x2A80;
	[sflag:s0] =	ssyncset.done @p0 $0x0  }
0x6b: {  	s1 =	simm.s32 @p0 $0x4C00;
	[sflag:s0] =	ssyncadd.s32 @p0 $0xFFFFE000;
	s0 =	simm.s32 @p0 $0x40  }
0x6c: {  	[spmem:s3] =	stream.indirect.scatter.add.f32 @p0 [tilespmem:s1], [sflag:$0x5], $0x80, s2, s0, $0xb8;
	[tilespmem:$0x1E800] =	vst v63  }
0x6d: {  	s0 =	simm.s32 @p0 $0x5  }
0x6e: {  	_ =	swait.ge @p0 [sflag:s0], $0x2000  }
0x6f: {  	[sflag:s0] =	ssyncset.done @p0 $0x0  }
0x70: {  	[sflag:s0] =	ssyncadd.s32 @p0 $0xFFFFE000;
	s0 =	sshra.s32 @!p0 s31, $0x2  }
0x71: {  	v0 =	vld @!p0 [tilespmem:s0+$0x100];
	_ =	sdelay $0x4  }
0x72: {  	v1 =	vand.u32 @!p0 $0x3FFF, v0  }
0x73: {  	v0 =	vshrl.u32 @!p0 v0, $0xE;
	[tilespmem:$0x2800] =	vst @!p0 v1  }
0x74: {  	[tilespmem:$0x2A00] =	vst @!p0 v0  }
0x75: {  	v0 =	vld @!p0 [tilespmem:s0+$0x110];
	_ =	sdelay $0x4  }
0x76: {  	v1 =	vand.u32 @!p0 $0x3FFF, v0  }
0x77: {  	v0 =	vshrl.u32 @!p0 v0, $0xE;
	[tilespmem:$0x2810] =	vst @!p0 v1  }
0x78: {  	[tilespmem:$0x2A10] =	vst @!p0 v0  }
0x79: {  	v0 =	vld @!p0 [tilespmem:s0+$0x120];
	_ =	sdelay $0x4  }
0x7a: {  	v1 =	vand.u32 @!p0 $0x3FFF, v0  }
0x7b: {  	v0 =	vshrl.u32 @!p0 v0, $0xE;
	[tilespmem:$0x2820] =	vst @!p0 v1  }
0x7c: {  	[tilespmem:$0x2A20] =	vst @!p0 v0  }
0x7d: {  	v0 =	vld @!p0 [tilespmem:s0+$0x130];
	_ =	sdelay $0x4  }
0x7e: {  	v1 =	vand.u32 @!p0 $0x3FFF, v0  }
0x7f: {  	v0 =	vshrl.u32 @!p0 v0, $0xE;
	[tilespmem:$0x2830] =	vst @!p0 v1  }
0x80: {  	s4 =	simm.s32 @!p0 $0x2C00;
	s1 =	simm.s32 @!p0 $0x40;
	s2 =	simm.s32 @!p0 $0x2800;
	[tilespmem:$0x2A30] =	vst @!p0 v0  }
0x81: {  	[tilespmem:s4], [sflag:$0x1] =	stream.indirect.gather @!p0 [hbm4b:s5+s1], $0x80, s2, s1, $0xb8;
	[tilespmem:$0x1E800] =	vst v63  }
0x82: {  	s2 =	simm.s32 @!p0 $0x2  }
0x83: {  	_ =	swait.ge @!p0 [sflag:s2], $0x2000  }
0x84: {  	[sflag:s2] =	ssyncset.done @!p0 $0x0  }
0x85: {  	s4 =	simm.s32 @!p0 $0x4C00;
	[sflag:s2] =	ssyncadd.s32 @!p0 $0xFFFFE000;
	s2 =	simm.s32 @!p0 $0x2A80  }
0x86: {  	[spmem:s3] =	stream.indirect.scatter.add.f32 @!p0 [tilespmem:s4], [sflag:$0x5], $0x80, s2, s1, $0xb8;
	[tilespmem:$0x1E800] =	vst v63  }
0x87: {  	s2 =	simm.s32 @!p0 $0x5  }
0x88: {  	_ =	swait.ge @!p0 [sflag:s2], $0x2000  }
0x89: {  	[sflag:s2] =	ssyncset.done @!p0 $0x0  }
0x8a: {  	[sflag:s2] =	ssyncadd.s32 @!p0 $0xFFFFE000  }
0x8b: {  	v0 =	vld @!p0 [tilespmem:s0+$0x140];
	_ =	sdelay $0x4  }
0x8c: {  	v1 =	vand.u32 @!p0 $0x3FFF, v0  }
0x8d: {  	v0 =	vshrl.u32 @!p0 v0, $0xE;
	[tilespmem:$0x2880] =	vst @!p0 v1  }
0x8e: {  	[tilespmem:$0x2A80] =	vst @!p0 v0  }
0x8f: {  	v0 =	vld @!p0 [tilespmem:s0+$0x150];
	_ =	sdelay $0x4  }
0x90: {  	v1 =	vand.u32 @!p0 $0x3FFF, v0  }
0x91: {  	v0 =	vshrl.u32 @!p0 v0, $0xE;
	[tilespmem:$0x2890] =	vst @!p0 v1  }
0x92: {  	[tilespmem:$0x2A90] =	vst @!p0 v0  }
0x93: {  	v0 =	vld @!p0 [tilespmem:s0+$0x160];
	_ =	sdelay $0x4  }
0x94: {  	v1 =	vand.u32 @!p0 $0x3FFF, v0  }
0x95: {  	v0 =	vshrl.u32 @!p0 v0, $0xE;
	[tilespmem:$0x28A0] =	vst @!p0 v1  }
0x96: {  	[tilespmem:$0x2AA0] =	vst @!p0 v0  }
0x97: {  	v0 =	vld @!p0 [tilespmem:s0+$0x170];
	_ =	sdelay $0x4  }
0x98: {  	v1 =	vand.u32 @!p0 $0x3FFF, v0  }
0x99: {  	v0 =	vshrl.u32 @!p0 v0, $0xE;
	[tilespmem:$0x28B0] =	vst @!p0 v1  }
0x9a: {  	s0 =	simm.s32 @!p0 $0x2880;
	[tilespmem:$0x2AB0] =	vst @!p0 v0  }
0x9b: {  	[tilespmem:s4], [sflag:$0x2] =	stream.indirect.gather @!p0 [hbm4b:s5+s1], $0x80, s0, s1, $0xb8;
	[tilespmem:$0x1E800] =	vst v63  }
0x9c: {  	_ =	swait.ge [sflag:s25], $0x2000  }
0x9d: {  	p0 =	sne.s32 s31, $0x9C00;
	[sflag:s25] =	ssyncset.done $0x0  }
.Ltmp2:
0x9e: {  	[sflag:s25] =	ssyncadd.s32 $0xFFFFE000;
	(pc) =	sbr.rel @!p0 .LBB2_3-.Ltmp2, $4  }
0x9f: {  	[spmem:s3] =	stream.indirect.scatter.add.f32 [tilespmem:s19], [sflag:$0x5], $0x80, s26, s13, $0xb8;
	[tilespmem:$0x1E800] =	vst v63  }
0xa0: {  	_ =	swait.ge [sflag:s10], $0x2000  }
0xa1: {  	[sflag:s10] =	ssyncset.done $0x0  }
0xa2: {  	[sflag:s10] =	ssyncadd.s32 $0xFFFFE000  }
0xa3: {  	s0 =	sshra.s32 s31, $0x2  }
0xa4: {  	v0 =	vld [tilespmem:s0+$0x180];
	_ =	sdelay $0x4  }
0xa5: {  	v1 =	vand.u32 $0x3FFF, v0  }
0xa6: {  	v0 =	vshrl.u32 v0, $0xE;
	[tilespmem:$0x2900] =	vst v1  }
0xa7: {  	[tilespmem:$0x2B00] =	vst v0  }
0xa8: {  	v0 =	vld [tilespmem:s0+$0x190];
	_ =	sdelay $0x4  }
0xa9: {  	v56 =	vand.u32 $0x3FFF, v0  }
0xaa: {  	v0 =	vshrl.u32 v0, $0xE;
	[tilespmem:$0x2910] =	vst v56  }
0xab: {  	[tilespmem:$0x2B10] =	vst v0  }
0xac: {  	v0 =	vld [tilespmem:s0+$0x1A0];
	_ =	sdelay $0x4  }
0xad: {  	v57 =	vand.u32 $0x3FFF, v0  }
0xae: {  	v0 =	vshrl.u32 v0, $0xE;
	[tilespmem:$0x2920] =	vst v57  }
0xaf: {  	[tilespmem:$0x2B20] =	vst v0  }
0xb0: {  	v0 =	vld [tilespmem:s0+$0x1B0];
	_ =	sdelay $0x4  }
0xb1: {  	v58 =	vand.u32 $0x3FFF, v0  }
0xb2: {  	v0 =	vshrl.u32 v0, $0xE;
	[tilespmem:$0x2930] =	vst v58  }
0xb3: {  	[tilespmem:$0x2B30] =	vst v0  }
0xb4: {  	[tilespmem:s19], [sflag:$0x3] =	stream.indirect.gather [hbm4b:s5+s13], $0x80, s18, s13, $0xb8;
	[tilespmem:$0x1E800] =	vst v63  }
0xb5: {  	_ =	swait.ge [sflag:s28], $0x2000  }
0xb6: {  	[sflag:s28] =	ssyncset.done $0x0  }
0xb7: {  	[sflag:s28] =	ssyncadd.s32 $0xFFFFE000  }
0xb8: {  	[spmem:s3] =	stream.indirect.scatter.add.f32 [tilespmem:s21], [sflag:$0x5], $0x80, s29, s13, $0xb8;
	[tilespmem:$0x1E800] =	vst v63  }
0xb9: {  	_ =	swait.ge [sflag:s10], $0x2000  }
0xba: {  	[sflag:s10] =	ssyncset.done $0x0  }
0xbb: {  	[sflag:s10] =	ssyncadd.s32 $0xFFFFE000  }
0xbc: {  	v59 =	vld [tilespmem:s0+$0x1C0];
	_ =	sdelay $0x4  }
0xbd: {  	v60 =	vand.u32 $0x3FFF, v59  }
0xbe: {  	v0 =	vshrl.u32 v59, $0xE;
	[tilespmem:$0x2980] =	vst v60  }
0xbf: {  	[tilespmem:$0x2B80] =	vst v0  }
0xc0: {  	v0 =	vld [tilespmem:s0+$0x1D0];
	_ =	sdelay $0x4  }
0xc1: {  	v61 =	vand.u32 $0x3FFF, v0  }
0xc2: {  	v0 =	vshrl.u32 v0, $0xE;
	[tilespmem:$0x2990] =	vst v61  }
0xc3: {  	[tilespmem:$0x2B90] =	vst v0  }
0xc4: {  	v0 =	vld [tilespmem:s0+$0x1E0];
	_ =	sdelay $0x4  }
0xc5: {  	v62 =	vand.u32 $0x3FFF, v0  }
0xc6: {  	v0 =	vshrl.u32 v0, $0xE;
	[tilespmem:$0x29A0] =	vst v62  }
0xc7: {  	[tilespmem:$0x2BA0] =	vst v0  }
0xc8: {  	v0 =	vld [tilespmem:s0+$0x1F0];
	_ =	sdelay $0x1  }
0xc9: {  	s31 =	sadd.s32 $0x400, s31  }
0xca: {  	p0 =	sne.s32 s31, $0xA000  }
.Ltmp3:
0xcb: {  	_ = 	snop;
	(pc) =	sbr.rel @p0 .LBB2_2-.Ltmp3, $4  }
.Ltmp4:
0xcc: {  	v63 =	vand.u32 $0x3FFF, v0;
	(pc) =	sbr.rel @!p0 .LBB2_5-.Ltmp4, $4  }
0xcd: {  	v0 =	vshrl.u32 v0, $0xE;
	[tilespmem:$0x29B0] =	vst v63  }
0xce: {  	[tilespmem:$0x2BB0] =	vst v0  }
0xcf: {  	[tilespmem:s21], [sflag:$0x4] =	stream.indirect.gather [hbm4b:s5+s13], $0x80, s20, s13, $0xb8;
	[tilespmem:$0x1E800] =	vst v63  }
0xd0: {  	_ = 	snop  }
.LBB2_6:
0xd1: {  	_ =	sfence.sel $0x180000  }
0xd2: {  	[bflag:$0x0] =	sbarrier.arrive $0xFFFF  }
0xd3: {  	_ =	strace $0x9000004D  }
0xd4: {  	s0 =	stileid.u32;
	[bflag:$0x2] =	sbarrier.arrive $0xFFFF  }
0xd5: {  	p0 =	sne.s32 s0, $0x0;
	s0 =	rddreg [dreg:$0x4]  }
0xd6: {  	s0 =	sadd.s32 @!p0 $0x100000, s0  }
0xd7: {  	[sflag:s0] =	ssyncadd.tile.s32 @!p0 $0x1;
	_ =	shalt  }
.Lfunc_end2:
_tile_overlayer_lowered:
.L_overlay_start_2:
0xd8: {  	(tag) =	ssettag $0x2  }
0xd9: {  	s0 =	rddreg [dreg:$0x0];
	s2 =	stileid.u32  }
0xda: {  	s1 =	rddreg [dreg:$0x1];
	p0 =	sne.s32 s2, $0x0  }
0xdb: {  	s3 =	rddreg [dreg:$0x2];
	[bflag:$0x3] =	sbarrier.arrive $0xFFFF;
	s2 =	simm.s32 @!p0 $0x1C05  }
0xdc: {  	[timem:s3], [sflag:s2] =	dma.local @!p0 [hbm:s0], s1  }
0xdd: {  	s0 =	simm.s32 @!p0 $0x5  }
0xde: {  	_ =	swait.ge @!p0 [sflag:s0], s1  }
0xdf: {  	s1 =	ssub.s32 @!p0 $0x0, s1;
	[sflag:s0] =	ssyncset.done @!p0 $0x0  }
0xe0: {  	[sflag:s0] =	ssyncadd.s32 @!p0 s1  }
0xe1: {  	[bflag:$0x3] =	sbarrier.arrive $0xFFFF  }
0xe2: {  	_ =	shalt  }

</sc_bundles>
